<compile_context>
chip_gen: v7x
topology: tpu7x:2x2x1
jax: 0.10.2.dev20260603
libtpu: 0.0.44.dev20260713+nightly
codegen_flags: <defaults>
</compile_context>

<pallas_src>
import functools

import jax
import jax.numpy as jnp
from jax import lax
from jax.experimental import pallas as pl
from jax.experimental.pallas import tpu as pltpu
from jax.experimental.pallas import tpu_sc as plsc

_B, _N, _E, _D, _H, _C = 8, 1024, 16384, 512, 8, 512
_R = 256
_ROWS = 64
_CHUNKS = _N // _ROWS
_NTASK = 2 * _B * _CHUNKS
_NW = 32

_sc_mesh = plsc.VectorSubcoreMesh(core_axis_name="c", subcore_axis_name="s")


@functools.partial(
    pl.kernel, mesh=_sc_mesh,
    out_type=jax.ShapeDtypeStruct((2 * _B * _N, _N), jnp.float32),
    scratch_types=[
        pltpu.VMEM((_E,), jnp.int32),
        pltpu.VMEM((_E,), jnp.int32),
        pltpu.VMEM((_ROWS, _N), jnp.float32),
    ],
    compiler_params=pltpu.CompilerParams(needs_layout_passes=False),
)
def _adj_sc(edst_hbm, esrc_hbm, zero_hbm, out_hbm, dst_v, src_v, acc_v):
    wid = lax.axis_index("s") * 2 + lax.axis_index("c")
    ones = jnp.ones((16,), jnp.float32)
    for k in range(_NTASK // _NW):
        tid = wid * (_NTASK // _NW) + k
        d = tid // (_B * _CHUNKS)
        rem = tid % (_B * _CHUNKS)
        b = rem // _CHUNKS
        lo = (rem % _CHUNKS) * _ROWS
        row = d * _B + b
        pltpu.sync_copy(edst_hbm.at[pl.ds(row * _E, _E)], dst_v)
        pltpu.sync_copy(esrc_hbm.at[pl.ds(row * _E, _E)], src_v)
        pltpu.sync_copy(zero_hbm, acc_v)

        def edge_step(i, carry):
            for u in range(4):
                sl = pl.ds(i * 64 + u * 16, 16)
                tv = dst_v[sl] - lo
                sv = src_v[sl]
                mask = jnp.logical_and(tv >= 0, tv < _ROWS)
                plsc.addupdate_scatter(acc_v, [tv, sv], ones, mask=mask)
            return carry

        lax.fori_loop(0, _E // 64, edge_step, 0)
        for j in range(_ROWS // 16):
            rv = lax.iota(jnp.int32, 16) + 16 * j
            plsc.addupdate_scatter(acc_v, [rv, rv + lo], ones)
        pltpu.sync_copy(acc_v, out_hbm.at[pl.ds(row * _N + lo, _ROWS)])


def _build_adj(src_index, tgt_index):
    edst = jnp.concatenate([tgt_index, src_index], axis=0).reshape(-1)
    esrc = jnp.concatenate([src_index, tgt_index], axis=0).reshape(-1)
    zero = jnp.zeros((_ROWS, _N), jnp.float32)
    adj = _adj_sc(edst, esrc, zero)
    return adj[: _B * _N], adj[_B * _N:]


def _proj_body(x_ref, wf_ref, wb_ref, attf_ref, attb_ref,
               hf_ref, hb_ref, alf_ref, alb_ref):
    x = x_ref[...]
    hf = jnp.dot(x, wf_ref[...], preferred_element_type=jnp.float32)
    hb = jnp.dot(x, wb_ref[...], preferred_element_type=jnp.float32)
    hf_ref[...] = hf
    hb_ref[...] = hb
    alf_ref[...] = jnp.dot(hf, attf_ref[...], preferred_element_type=jnp.float32)
    alb_ref[...] = jnp.dot(hb, attb_ref[...], preferred_element_type=jnp.float32)


def _attn_body(a_ref, h_ref, al_ref, out_ref):
    hd = pl.program_id(1)
    a_cnt = a_ref[...]
    alphas = al_ref[...]
    iota = lax.broadcasted_iota(jnp.int32, (2 * _H, 1), 0)
    a_s = jnp.dot(alphas, (iota == hd).astype(jnp.float32),
                  preferred_element_type=jnp.float32)
    a_d = jnp.dot(alphas, (iota == _H + hd).astype(jnp.float32),
                  preferred_element_type=jnp.float32)
    ones = jnp.ones((_N, 1), jnp.float32)
    lhs = jnp.concatenate([a_d, ones], axis=1)
    rhs = jnp.concatenate([ones, a_s], axis=1)
    s = lax.dot_general(lhs, rhs, (((1,), (1,)), ((), ())),
                        preferred_element_type=jnp.float32)
    s = jnp.where(s >= 0.0, s, 0.2 * s)
    p = a_cnt * jnp.exp(s)
    den = jnp.sum(p, axis=1, keepdims=True)
    num = jnp.dot(p, h_ref[...], preferred_element_type=jnp.float32)
    contrib = num / den

    @pl.when(hd == 0)
    def _init():
        out_ref[...] = contrib

    @pl.when(hd != 0)
    def _acc():
        out_ref[...] = out_ref[...] + contrib


def _final_body(accf_ref, accb_ref, wd_ref, bf_ref, bb_ref, bd_ref, out_ref):
    of = accf_ref[...] * (1.0 / _H) + bf_ref[...]
    ob = accb_ref[...] * (1.0 / _H) + bb_ref[...]
    out_ref[0] = (jnp.dot(of, wd_ref[:_C, :], preferred_element_type=jnp.float32)
                  + jnp.dot(ob, wd_ref[_C:, :], preferred_element_type=jnp.float32)
                  + bd_ref[...])


def _attention(a, h, alphas):
    return pl.pallas_call(
        _attn_body,
        grid=(_B, _H),
        in_specs=[
            pl.BlockSpec((_N, _N), lambda b, hd: (b, 0)),
            pl.BlockSpec((_N, _C), lambda b, hd: (b, hd)),
            pl.BlockSpec((_N, 2 * _H), lambda b, hd: (b, 0)),
        ],
        out_specs=pl.BlockSpec((_N, _C), lambda b, hd: (b, 0)),
        out_shape=jax.ShapeDtypeStruct((_B * _N, _C), jnp.float32),
    )(a, h, alphas)


@jax.jit
def kernel(node_embeddings, src_index, tgt_index, W_fw, att_src_fw, att_dst_fw,
           bias_fw, W_bw, att_src_bw, att_dst_bw, bias_bw, W_dense, b_dense):
    a_fw, a_bw = _build_adj(src_index, tgt_index)
    x = node_embeddings.reshape(_B * _N, _D)

    def blockdiag_att(att_src, att_dst):
        hc = jnp.arange(_H * _C) // _C
        rows_src = jnp.zeros((_H * _C, _H), jnp.float32).at[
            jnp.arange(_H * _C), hc].set(att_src.reshape(-1))
        rows_dst = jnp.zeros((_H * _C, _H), jnp.float32).at[
            jnp.arange(_H * _C), hc].set(att_dst.reshape(-1))
        return jnp.concatenate([rows_src, rows_dst], axis=1)

    attf = blockdiag_att(att_src_fw, att_dst_fw)
    attb = blockdiag_att(att_src_bw, att_dst_bw)

    nsteps = (_B * _N) // _R
    h_fw, h_bw, al_fw, al_bw = pl.pallas_call(
        _proj_body,
        grid=(nsteps,),
        in_specs=[
            pl.BlockSpec((_R, _D), lambda r: (r, 0)),
            pl.BlockSpec((_D, _H * _C), lambda r: (0, 0)),
            pl.BlockSpec((_D, _H * _C), lambda r: (0, 0)),
            pl.BlockSpec((_H * _C, 2 * _H), lambda r: (0, 0)),
            pl.BlockSpec((_H * _C, 2 * _H), lambda r: (0, 0)),
        ],
        out_specs=[
            pl.BlockSpec((_R, _H * _C), lambda r: (r, 0)),
            pl.BlockSpec((_R, _H * _C), lambda r: (r, 0)),
            pl.BlockSpec((_R, 2 * _H), lambda r: (r, 0)),
            pl.BlockSpec((_R, 2 * _H), lambda r: (r, 0)),
        ],
        out_shape=[
            jax.ShapeDtypeStruct((_B * _N, _H * _C), jnp.float32),
            jax.ShapeDtypeStruct((_B * _N, _H * _C), jnp.float32),
            jax.ShapeDtypeStruct((_B * _N, 2 * _H), jnp.float32),
            jax.ShapeDtypeStruct((_B * _N, 2 * _H), jnp.float32),
        ],
    )(x, W_fw, W_bw, attf, attb)

    acc_fw = _attention(a_fw, h_fw, al_fw)
    acc_bw = _attention(a_bw, h_bw, al_bw)

    out = pl.pallas_call(
        _final_body,
        grid=(_B,),
        in_specs=[
            pl.BlockSpec((_N, _C), lambda b: (b, 0)),
            pl.BlockSpec((_N, _C), lambda b: (b, 0)),
            pl.BlockSpec((2 * _C, _C), lambda b: (0, 0)),
            pl.BlockSpec((_C,), lambda b: (0,)),
            pl.BlockSpec((_C,), lambda b: (0,)),
            pl.BlockSpec((_C,), lambda b: (0,)),
        ],
        out_specs=pl.BlockSpec((1, _N, _C), lambda b: (b, 0, 0)),
        out_shape=jax.ShapeDtypeStruct((_B, _N, _C), jnp.float32),
    )(acc_fw, acc_bw, W_dense, bias_fw, bias_bw, b_dense)
    return out

# --- scband reference (transcript-rebuilt; emitter-appended) ---
"""Pipeline reference for scband-dependency-gnn-55413668053335 (READ-ONLY COPY).

The authoritative reference and input builder live on the scoring server;
editing this copy changes nothing except your own understanding.
"""

import jax, jax.numpy as jnp
import numpy as np

B, N, E, D, H, C = 8, 1024, 16384, 512, 8, 512


def setup_inputs(seed: int = 0):
    key = jax.random.key(seed)
    ks = jax.random.split(key, 16)
    s = 1.0 / np.sqrt(D)
    sa = 1.0 / np.sqrt(C)
    sd = 1.0 / np.sqrt(2 * C)
    return {
        "node_embeddings": jax.random.normal(ks[0], (B, N, D), jnp.float32),
        "src_index": jax.random.randint(ks[1], (B, E), 0, N, jnp.int32),
        "tgt_index": jax.random.randint(ks[2], (B, E), 0, N, jnp.int32),
        "W_fw": jax.random.normal(ks[3], (D, H * C), jnp.float32) * s,
        "att_src_fw": jax.random.normal(ks[4], (H, C), jnp.float32) * sa,
        "att_dst_fw": jax.random.normal(ks[5], (H, C), jnp.float32) * sa,
        "bias_fw": jnp.zeros((C,), jnp.float32),
        "W_bw": jax.random.normal(ks[6], (D, H * C), jnp.float32) * s,
        "att_src_bw": jax.random.normal(ks[7], (H, C), jnp.float32) * sa,
        "att_dst_bw": jax.random.normal(ks[8], (H, C), jnp.float32) * sa,
        "bias_bw": jnp.zeros((C,), jnp.float32),
        "W_dense": jax.random.normal(ks[9], (2 * C, C), jnp.float32) * sd,
        "b_dense": jnp.zeros((C,), jnp.float32),
    }


def _gat(x_flat, src, dst, W, a_src, a_dst, bias, n_total):
    # GATConv (PyG semantics): per-head linear, additive attention, softmax over
    # incoming edges per destination node, mean over heads (concat=False), + bias.
    h = (x_flat @ W).reshape(-1, H, C)                      # [NT, H, C]
    alpha_src = jnp.sum(h * a_src[None], axis=-1)           # [NT, H]
    alpha_dst = jnp.sum(h * a_dst[None], axis=-1)           # [NT, H]
    e = jax.nn.leaky_relu(alpha_src[src] + alpha_dst[dst], negative_slope=0.2)
    m = jax.lax.stop_gradient(jax.ops.segment_max(e, dst, num_segments=n_total))
    ex = jnp.exp(e - m[dst])
    den = jax.ops.segment_sum(ex, dst, num_segments=n_total)
    alpha = ex / (den[dst] + 1e-16)                         # [ET, H]
    msg = h[src] * alpha[:, :, None]                        # [ET, H, C]
    out = jax.ops.segment_sum(msg, dst, num_segments=n_total)
    return out.mean(axis=1) + bias                          # [NT, C]


def reference(node_embeddings, src_index, tgt_index, W_fw, att_src_fw, att_dst_fw,
              bias_fw, W_bw, att_src_bw, att_dst_bw, bias_bw, W_dense, b_dense):
    x = node_embeddings.reshape(B * N, D)
    off = (jnp.arange(B, dtype=src_index.dtype) * N)[:, None]
    s = (src_index + off).reshape(-1)
    t = (tgt_index + off).reshape(-1)
    loops = jnp.arange(B * N, dtype=s.dtype)  # GATConv add_self_loops=True
    src_fw = jnp.concatenate([s, loops]); dst_fw = jnp.concatenate([t, loops])
    src_bw = jnp.concatenate([t, loops]); dst_bw = jnp.concatenate([s, loops])
    h_fw = _gat(x, src_fw, dst_fw, W_fw, att_src_fw, att_dst_fw, bias_fw, B * N)
    h_bw = _gat(x, src_bw, dst_bw, W_bw, att_src_bw, att_dst_bw, bias_bw, B * N)
    cat = jnp.concatenate([h_fw, h_bw], axis=-1).reshape(B, N, 2 * C)
    return cat @ W_dense + b_dense

if __name__ == "__main__":
    import jax
    _d = setup_inputs()
    print(jax.jit(kernel)(*tuple(_d.values())))

</pallas_src>

<mosaic_0001>
#map = affine_map<(d0, d1) -> (0)>
#map1 = affine_map<(d0, d1) -> (0, 0)>
module attributes {stable_mosaic.version = 14 : i64} {
  func.func @_adj_sc(%arg0: i32, %arg1: i32, %arg2: memref<262144xi32, #tpu.memory_space<hbm>>, %arg3: memref<262144xi32, #tpu.memory_space<hbm>>, %arg4: memref<64x1024xf32, #tpu.memory_space<hbm>>, %arg5: memref<16384x1024xf32, #tpu.memory_space<hbm>>, %arg6: memref<16384xi32, #tpu.memory_space<vmem>>, %arg7: memref<16384xi32, #tpu.memory_space<vmem>>, %arg8: memref<64x1024xf32, #tpu.memory_space<vmem>>) attributes {dimension_semantics = [#tpu.dimension_semantics<core_parallel>, #tpu.dimension_semantics<subcore_parallel>], iteration_bounds = array<i64: 2, 16>, scalar_prefetch = 0 : i64, scratch_operands = 3 : i64, tpu.core_type = #tpu.core_type<sc_vector_subcore>, window_params = [{transform_indices = #map}, {transform_indices = #map}, {transform_indices = #map1}, {transform_indices = #map1}]} {
    %mul3A = arith.constant 2 : i32
    %mul3A_0 = arith.muli %arg1, %mul3A : i32
    %add3A = arith.addi %mul3A_0, %arg0 : i32
    %broadcast_in_dim3A = arith.constant 1.000000e+00 : f32
    %broadcast_in_dim3A_1 = vector.broadcast %broadcast_in_dim3A : f32 to vector<16xf32>
    %mul3A_2 = arith.constant 8 : i32
    %mul3A_3 = arith.muli %add3A, %mul3A_2 : i32
    %add3A_4 = arith.constant 0 : i32
    %add3A_5 = arith.addi %mul3A_3, %add3A_4 : i32
    %jit3A = arith.constant 128 : i32
    %div3A = arith.divsi %add3A_5, %jit3A : i32
    %sign3A = arith.constant 0 : i32
    %sign3A_6 = arith.cmpi sgt, %add3A_5, %sign3A : i32
    %sign3A_7 = arith.extui %sign3A_6 : i1 to i32
    %sign3A_8 = arith.constant 0 : i32
    %sign3A_9 = arith.cmpi slt, %add3A_5, %sign3A_8 : i32
    %sign3A_10 = arith.extui %sign3A_9 : i1 to i32
    %sign3A_11 = arith.subi %sign3A_7, %sign3A_10 : i32
    %sign3A_12 = arith.constant 0 : i32
    %sign3A_13 = arith.cmpi sgt, %jit3A, %sign3A_12 : i32
    %sign3A_14 = arith.extui %sign3A_13 : i1 to i32
    %sign3A_15 = arith.constant 0 : i32
    %sign3A_16 = arith.cmpi slt, %jit3A, %sign3A_15 : i32
    %sign3A_17 = arith.extui %sign3A_16 : i1 to i32
    %sign3A_18 = arith.subi %sign3A_14, %sign3A_17 : i32
    %ne3A = arith.cmpi ne, %sign3A_11, %sign3A_18 : i32
    %rem3A = arith.remsi %add3A_5, %jit3A : i32
    %ne3A_19 = arith.constant 0 : i32
    %ne3A_20 = arith.cmpi ne, %rem3A, %ne3A_19 : i32
    %and3A = arith.andi %ne3A, %ne3A_20 : i1
    %sub3A = arith.constant 1 : i32
    %sub3A_21 = arith.subi %div3A, %sub3A : i32
    %select_n3A = arith.select %and3A, %sub3A_21, %div3A : i32
    %jit3A_22 = arith.constant 128 : i32
    %eq3A = arith.constant 0 : i32
    %eq3A_23 = arith.cmpi eq, %jit3A_22, %eq3A : i32
    %jit3A_24 = arith.constant 1 : i32
    %select_n3A_25 = arith.select %eq3A_23, %jit3A_24, %jit3A_22 : i32
    %rem3A_26 = arith.remsi %add3A_5, %select_n3A_25 : i32
    %ne3A_27 = arith.constant 0 : i32
    %ne3A_28 = arith.cmpi ne, %rem3A_26, %ne3A_27 : i32
    %lt3A = arith.constant 0 : i32
    %lt3A_29 = arith.cmpi slt, %rem3A_26, %lt3A : i32
    %lt3A_30 = arith.constant 0 : i32
    %lt3A_31 = arith.cmpi slt, %select_n3A_25, %lt3A_30 : i32
    %ne3A_32 = arith.xori %lt3A_29, %lt3A_31 : i1
    %and3A_33 = arith.andi %ne3A_32, %ne3A_28 : i1
    %add3A_34 = arith.addi %rem3A_26, %select_n3A_25 : i32
    %select_n3A_35 = arith.select %and3A_33, %add3A_34, %rem3A_26 : i32
    %jit3A_36 = arith.constant 16 : i32
    %div3A_37 = arith.divsi %select_n3A_35, %jit3A_36 : i32
    %sign3A_38 = arith.constant 0 : i32
    %sign3A_39 = arith.cmpi sgt, %select_n3A_35, %sign3A_38 : i32
    %sign3A_40 = arith.extui %sign3A_39 : i1 to i32
    %sign3A_41 = arith.constant 0 : i32
    %sign3A_42 = arith.cmpi slt, %select_n3A_35, %sign3A_41 : i32
    %sign3A_43 = arith.extui %sign3A_42 : i1 to i32
    %sign3A_44 = arith.subi %sign3A_40, %sign3A_43 : i32
    %sign3A_45 = arith.constant 0 : i32
    %sign3A_46 = arith.cmpi sgt, %jit3A_36, %sign3A_45 : i32
    %sign3A_47 = arith.extui %sign3A_46 : i1 to i32
    %sign3A_48 = arith.constant 0 : i32
    %sign3A_49 = arith.cmpi slt, %jit3A_36, %sign3A_48 : i32
    %sign3A_50 = arith.extui %sign3A_49 : i1 to i32
    %sign3A_51 = arith.subi %sign3A_47, %sign3A_50 : i32
    %ne3A_52 = arith.cmpi ne, %sign3A_44, %sign3A_51 : i32
    %rem3A_53 = arith.remsi %select_n3A_35, %jit3A_36 : i32
    %ne3A_54 = arith.constant 0 : i32
    %ne3A_55 = arith.cmpi ne, %rem3A_53, %ne3A_54 : i32
    %and3A_56 = arith.andi %ne3A_52, %ne3A_55 : i1
    %sub3A_57 = arith.constant 1 : i32
    %sub3A_58 = arith.subi %div3A_37, %sub3A_57 : i32
    %select_n3A_59 = arith.select %and3A_56, %sub3A_58, %div3A_37 : i32
    %jit3A_60 = arith.constant 16 : i32
    %eq3A_61 = arith.constant 0 : i32
    %eq3A_62 = arith.cmpi eq, %jit3A_60, %eq3A_61 : i32
    %jit3A_63 = arith.constant 1 : i32
    %select_n3A_64 = arith.select %eq3A_62, %jit3A_63, %jit3A_60 : i32
    %rem3A_65 = arith.remsi %select_n3A_35, %select_n3A_64 : i32
    %ne3A_66 = arith.constant 0 : i32
    %ne3A_67 = arith.cmpi ne, %rem3A_65, %ne3A_66 : i32
    %lt3A_68 = arith.constant 0 : i32
    %lt3A_69 = arith.cmpi slt, %rem3A_65, %lt3A_68 : i32
    %lt3A_70 = arith.constant 0 : i32
    %lt3A_71 = arith.cmpi slt, %select_n3A_64, %lt3A_70 : i32
    %ne3A_72 = arith.xori %lt3A_69, %lt3A_71 : i1
    %and3A_73 = arith.andi %ne3A_72, %ne3A_67 : i1
    %add3A_74 = arith.addi %rem3A_65, %select_n3A_64 : i32
    %select_n3A_75 = arith.select %and3A_73, %add3A_74, %rem3A_65 : i32
    %mul3A_76 = arith.constant 64 : i32
    %mul3A_77 = arith.muli %select_n3A_75, %mul3A_76 : i32
    %mul3A_78 = arith.constant 8 : i32
    %mul3A_79 = arith.muli %select_n3A, %mul3A_78 : i32
    %add3A_80 = arith.addi %mul3A_79, %select_n3A_59 : i32
    %mul3A_81 = arith.constant 16384 : i32
    %mul3A_82 = arith.muli %add3A_80, %mul3A_81 : i32
    "tpu.region"() ({
      %run_scoped3A = tpu.sem_alloc : memref<!tpu.dma_semaphore, #tpu.memory_space<semaphore_mem>>
      %dma_start3A = tpu.memref_slice %arg2[%mul3A_82] : memref<262144xi32, #tpu.memory_space<hbm>> -> memref<16384xi32, #tpu.memory_space<hbm>>
      %dma_start3A_998 = tpu.memref_slice %arg2[%mul3A_82] : memref<262144xi32, #tpu.memory_space<hbm>> -> memref<16384xi32, #tpu.memory_space<hbm>>
      tpu.enqueue_dma source(%dma_start3A_998 : memref<16384xi32, #tpu.memory_space<hbm>>) target(%arg6 : memref<16384xi32, #tpu.memory_space<vmem>>) target_semaphore(%run_scoped3A : memref<!tpu.dma_semaphore, #tpu.memory_space<semaphore_mem>>)
      %dma_wait3A = tpu.memref_slice %arg2[%mul3A_82] : memref<262144xi32, #tpu.memory_space<hbm>> -> memref<16384xi32, #tpu.memory_space<hbm>>
      %dma_wait3A_999 = tpu.memref_slice %arg2[%mul3A_82] : memref<262144xi32, #tpu.memory_space<hbm>> -> memref<16384xi32, #tpu.memory_space<hbm>>
      tpu.wait_dma2 semaphore(%run_scoped3A : memref<!tpu.dma_semaphore, #tpu.memory_space<semaphore_mem>>) src(%dma_wait3A_999 : memref<16384xi32, #tpu.memory_space<hbm>>) dst(%arg6 : memref<16384xi32, #tpu.memory_space<vmem>>)
      tpu.yield
    }) : () -> ()
    %mul3A_83 = arith.constant 16384 : i32
    %mul3A_84 = arith.muli %add3A_80, %mul3A_83 : i32
    "tpu.region"() ({
      %run_scoped3A = tpu.sem_alloc : memref<!tpu.dma_semaphore, #tpu.memory_space<semaphore_mem>>
      %dma_start3A = tpu.memref_slice %arg3[%mul3A_84] : memref<262144xi32, #tpu.memory_space<hbm>> -> memref<16384xi32, #tpu.memory_space<hbm>>
      %dma_start3A_998 = tpu.memref_slice %arg3[%mul3A_84] : memref<262144xi32, #tpu.memory_space<hbm>> -> memref<16384xi32, #tpu.memory_space<hbm>>
      tpu.enqueue_dma source(%dma_start3A_998 : memref<16384xi32, #tpu.memory_space<hbm>>) target(%arg7 : memref<16384xi32, #tpu.memory_space<vmem>>) target_semaphore(%run_scoped3A : memref<!tpu.dma_semaphore, #tpu.memory_space<semaphore_mem>>)
      %dma_wait3A = tpu.memref_slice %arg3[%mul3A_84] : memref<262144xi32, #tpu.memory_space<hbm>> -> memref<16384xi32, #tpu.memory_space<hbm>>
      %dma_wait3A_999 = tpu.memref_slice %arg3[%mul3A_84] : memref<262144xi32, #tpu.memory_space<hbm>> -> memref<16384xi32, #tpu.memory_space<hbm>>
      tpu.wait_dma2 semaphore(%run_scoped3A : memref<!tpu.dma_semaphore, #tpu.memory_space<semaphore_mem>>) src(%dma_wait3A_999 : memref<16384xi32, #tpu.memory_space<hbm>>) dst(%arg7 : memref<16384xi32, #tpu.memory_space<vmem>>)
      tpu.yield
    }) : () -> ()
    "tpu.region"() ({
      %run_scoped3A = tpu.sem_alloc : memref<!tpu.dma_semaphore, #tpu.memory_space<semaphore_mem>>
      tpu.enqueue_dma source(%arg4 : memref<64x1024xf32, #tpu.memory_space<hbm>>) target(%arg8 : memref<64x1024xf32, #tpu.memory_space<vmem>>) target_semaphore(%run_scoped3A : memref<!tpu.dma_semaphore, #tpu.memory_space<semaphore_mem>>)
      tpu.wait_dma2 semaphore(%run_scoped3A : memref<!tpu.dma_semaphore, #tpu.memory_space<semaphore_mem>>) src(%arg4 : memref<64x1024xf32, #tpu.memory_space<hbm>>) dst(%arg8 : memref<64x1024xf32, #tpu.memory_space<vmem>>)
      tpu.yield
    }) : () -> ()
    %scan3A = arith.constant 0 : i32
    %scan3A_85 = arith.constant 0 : i32
    %scan3A_86 = arith.constant 256 : i32
    %scan3A_87 = arith.addi %scan3A_85, %scan3A_86 : i32
    %scan3A_88 = arith.constant 1 : i32
    scf.for %scan3A_998 = %scan3A_85 to %scan3A_87 step %scan3A_88  : i32 {
      %mul3A_999 = arith.constant 64 : i32
      %mul3A_1000 = arith.muli %scan3A_998, %mul3A_999 : i32
      %add3A_1001 = arith.constant 0 : i32
      %add3A_1002 = arith.addi %mul3A_1000, %add3A_1001 : i32
      %get3A = arith.index_cast %add3A_1002 : i32 to index
      %get3A_1003 = tpu.vector_load %arg6[%get3A] {strides = array<i32>} : memref<16384xi32, #tpu.memory_space<vmem>>, vector<16xi32>,
      %sub3A_1004 = vector.broadcast %mul3A_77 : i32 to vector<16xi32>
      %sub3A_1005 = arith.subi %get3A_1003, %sub3A_1004 : vector<16xi32>
      %get3A_1006 = arith.index_cast %add3A_1002 : i32 to index
      %get3A_1007 = tpu.vector_load %arg7[%get3A_1006] {strides = array<i32>} : memref<16384xi32, #tpu.memory_space<vmem>>, vector<16xi32>,
      %ge3A = arith.constant 0 : i32
      %ge3A_1008 = vector.broadcast %ge3A : i32 to vector<16xi32>
      %ge3A_1009 = arith.cmpi sge, %sub3A_1005, %ge3A_1008 : vector<16xi32>
      %lt3A_1010 = arith.constant 64 : i32
      %lt3A_1011 = vector.broadcast %lt3A_1010 : i32 to vector<16xi32>
      %lt3A_1012 = arith.cmpi slt, %sub3A_1005, %lt3A_1011 : vector<16xi32>
      %and3A_1013 = arith.andi %ge3A_1009, %lt3A_1012 : vector<16xi1>
      tpu.vector_store_idx %arg8[%sub3A_1005, %get3A_1007], %broadcast_in_dim3A_1 masked %and3A_1013 {add = true} : memref<64x1024xf32, #tpu.memory_space<vmem>>[vector<16xi32>, vector<16xi32>], vector<16xf32>, vector<16xi1>
      %mul3A_1014 = arith.constant 64 : i32
      %mul3A_1015 = arith.muli %scan3A_998, %mul3A_1014 : i32
      %add3A_1016 = arith.constant 16 : i32
      %add3A_1017 = arith.addi %mul3A_1015, %add3A_1016 : i32
      %get3A_1018 = arith.index_cast %add3A_1017 : i32 to index
      %get3A_1019 = tpu.vector_load %arg6[%get3A_1018] {strides = array<i32>} : memref<16384xi32, #tpu.memory_space<vmem>>, vector<16xi32>,
      %sub3A_1020 = vector.broadcast %mul3A_77 : i32 to vector<16xi32>
      %sub3A_1021 = arith.subi %get3A_1019, %sub3A_1020 : vector<16xi32>
      %get3A_1022 = arith.index_cast %add3A_1017 : i32 to index
      %get3A_1023 = tpu.vector_load %arg7[%get3A_1022] {strides = array<i32>} : memref<16384xi32, #tpu.memory_space<vmem>>, vector<16xi32>,
      %ge3A_1024 = arith.constant 0 : i32
      %ge3A_1025 = vector.broadcast %ge3A_1024 : i32 to vector<16xi32>
      %ge3A_1026 = arith.cmpi sge, %sub3A_1021, %ge3A_1025 : vector<16xi32>
      %lt3A_1027 = arith.constant 64 : i32
      %lt3A_1028 = vector.broadcast %lt3A_1027 : i32 to vector<16xi32>
      %lt3A_1029 = arith.cmpi slt, %sub3A_1021, %lt3A_1028 : vector<16xi32>
      %and3A_1030 = arith.andi %ge3A_1026, %lt3A_1029 : vector<16xi1>
      tpu.vector_store_idx %arg8[%sub3A_1021, %get3A_1023], %broadcast_in_dim3A_1 masked %and3A_1030 {add = true} : memref<64x1024xf32, #tpu.memory_space<vmem>>[vector<16xi32>, vector<16xi32>], vector<16xf32>, vector<16xi1>
      %mul3A_1031 = arith.constant 64 : i32
      %mul3A_1032 = arith.muli %scan3A_998, %mul3A_1031 : i32
      %add3A_1033 = arith.constant 32 : i32
      %add3A_1034 = arith.addi %mul3A_1032, %add3A_1033 : i32
      %get3A_1035 = arith.index_cast %add3A_1034 : i32 to index
      %get3A_1036 = tpu.vector_load %arg6[%get3A_1035] {strides = array<i32>} : memref<16384xi32, #tpu.memory_space<vmem>>, vector<16xi32>,
      %sub3A_1037 = vector.broadcast %mul3A_77 : i32 to vector<16xi32>
      %sub3A_1038 = arith.subi %get3A_1036, %sub3A_1037 : vector<16xi32>
      %get3A_1039 = arith.index_cast %add3A_1034 : i32 to index
      %get3A_1040 = tpu.vector_load %arg7[%get3A_1039] {strides = array<i32>} : memref<16384xi32, #tpu.memory_space<vmem>>, vector<16xi32>,
      %ge3A_1041 = arith.constant 0 : i32
      %ge3A_1042 = vector.broadcast %ge3A_1041 : i32 to vector<16xi32>
      %ge3A_1043 = arith.cmpi sge, %sub3A_1038, %ge3A_1042 : vector<16xi32>
      %lt3A_1044 = arith.constant 64 : i32
      %lt3A_1045 = vector.broadcast %lt3A_1044 : i32 to vector<16xi32>
      %lt3A_1046 = arith.cmpi slt, %sub3A_1038, %lt3A_1045 : vector<16xi32>
      %and3A_1047 = arith.andi %ge3A_1043, %lt3A_1046 : vector<16xi1>
      tpu.vector_store_idx %arg8[%sub3A_1038, %get3A_1040], %broadcast_in_dim3A_1 masked %and3A_1047 {add = true} : memref<64x1024xf32, #tpu.memory_space<vmem>>[vector<16xi32>, vector<16xi32>], vector<16xf32>, vector<16xi1>
      %mul3A_1048 = arith.constant 64 : i32
      %mul3A_1049 = arith.muli %scan3A_998, %mul3A_1048 : i32
      %add3A_1050 = arith.constant 48 : i32
      %add3A_1051 = arith.addi %mul3A_1049, %add3A_1050 : i32
      %get3A_1052 = arith.index_cast %add3A_1051 : i32 to index
      %get3A_1053 = tpu.vector_load %arg6[%get3A_1052] {strides = array<i32>} : memref<16384xi32, #tpu.memory_space<vmem>>, vector<16xi32>,
      %sub3A_1054 = vector.broadcast %mul3A_77 : i32 to vector<16xi32>
      %sub3A_1055 = arith.subi %get3A_1053, %sub3A_1054 : vector<16xi32>
      %get3A_1056 = arith.index_cast %add3A_1051 : i32 to index
      %get3A_1057 = tpu.vector_load %arg7[%get3A_1056] {strides = array<i32>} : memref<16384xi32, #tpu.memory_space<vmem>>, vector<16xi32>,
      %ge3A_1058 = arith.constant 0 : i32
      %ge3A_1059 = vector.broadcast %ge3A_1058 : i32 to vector<16xi32>
      %ge3A_1060 = arith.cmpi sge, %sub3A_1055, %ge3A_1059 : vector<16xi32>
      %lt3A_1061 = arith.constant 64 : i32
      %lt3A_1062 = vector.broadcast %lt3A_1061 : i32 to vector<16xi32>
      %lt3A_1063 = arith.cmpi slt, %sub3A_1055, %lt3A_1062 : vector<16xi32>
      %and3A_1064 = arith.andi %ge3A_1060, %lt3A_1063 : vector<16xi1>
      tpu.vector_store_idx %arg8[%sub3A_1055, %get3A_1057], %broadcast_in_dim3A_1 masked %and3A_1064 {add = true} : memref<64x1024xf32, #tpu.memory_space<vmem>>[vector<16xi32>, vector<16xi32>], vector<16xf32>, vector<16xi1>
    }
    %scan3A_89 = arith.constant 256 : i32
    %iota3A = tpu.iota {dimensions = array<i32: 0>} : vector<16xi32>
    %add3A_90 = arith.constant 0 : i32
    %add3A_91 = vector.broadcast %add3A_90 : i32 to vector<16xi32>
    %add3A_92 = arith.addi %iota3A, %add3A_91 : vector<16xi32>
    %add3A_93 = vector.broadcast %mul3A_77 : i32 to vector<16xi32>
    %add3A_94 = arith.addi %add3A_92, %add3A_93 : vector<16xi32>
    tpu.vector_store_idx %arg8[%add3A_92, %add3A_94], %broadcast_in_dim3A_1 {add = true} : memref<64x1024xf32, #tpu.memory_space<vmem>>[vector<16xi32>, vector<16xi32>], vector<16xf32>,
    %iota3A_95 = tpu.iota {dimensions = array<i32: 0>} : vector<16xi32>
    %add3A_96 = arith.constant 16 : i32
    %add3A_97 = vector.broadcast %add3A_96 : i32 to vector<16xi32>
    %add3A_98 = arith.addi %iota3A_95, %add3A_97 : vector<16xi32>
    %add3A_99 = vector.broadcast %mul3A_77 : i32 to vector<16xi32>
    %add3A_100 = arith.addi %add3A_98, %add3A_99 : vector<16xi32>
    tpu.vector_store_idx %arg8[%add3A_98, %add3A_100], %broadcast_in_dim3A_1 {add = true} : memref<64x1024xf32, #tpu.memory_space<vmem>>[vector<16xi32>, vector<16xi32>], vector<16xf32>,
    %iota3A_101 = tpu.iota {dimensions = array<i32: 0>} : vector<16xi32>
    %add3A_102 = arith.constant 32 : i32
    %add3A_103 = vector.broadcast %add3A_102 : i32 to vector<16xi32>
    %add3A_104 = arith.addi %iota3A_101, %add3A_103 : vector<16xi32>
    %add3A_105 = vector.broadcast %mul3A_77 : i32 to vector<16xi32>
    %add3A_106 = arith.addi %add3A_104, %add3A_105 : vector<16xi32>
    tpu.vector_store_idx %arg8[%add3A_104, %add3A_106], %broadcast_in_dim3A_1 {add = true} : memref<64x1024xf32, #tpu.memory_space<vmem>>[vector<16xi32>, vector<16xi32>], vector<16xf32>,
    %iota3A_107 = tpu.iota {dimensions = array<i32: 0>} : vector<16xi32>
    %add3A_108 = arith.constant 48 : i32
    %add3A_109 = vector.broadcast %add3A_108 : i32 to vector<16xi32>
    %add3A_110 = arith.addi %iota3A_107, %add3A_109 : vector<16xi32>
    %add3A_111 = vector.broadcast %mul3A_77 : i32 to vector<16xi32>
    %add3A_112 = arith.addi %add3A_110, %add3A_111 : vector<16xi32>
    tpu.vector_store_idx %arg8[%add3A_110, %add3A_112], %broadcast_in_dim3A_1 {add = true} : memref<64x1024xf32, #tpu.memory_space<vmem>>[vector<16xi32>, vector<16xi32>], vector<16xf32>,
    %mul3A_113 = arith.constant 1024 : i32
    %mul3A_114 = arith.muli %add3A_80, %mul3A_113 : i32
    %add3A_115 = arith.addi %mul3A_114, %mul3A_77 : i32
    "tpu.region"() ({
      %run_scoped3A = tpu.sem_alloc : memref<!tpu.dma_semaphore, #tpu.memory_space<semaphore_mem>>
      %dma_start3A = arith.constant 0 : i32
      %dma_start3A_998 = tpu.memref_slice %arg5[%add3A_115, %dma_start3A] : memref<16384x1024xf32, #tpu.memory_space<hbm>> -> memref<64x1024xf32, #tpu.memory_space<hbm>>
      %dma_start3A_999 = arith.constant 0 : i32
      %dma_start3A_1000 = tpu.memref_slice %arg5[%add3A_115, %dma_start3A_999] : memref<16384x1024xf32, #tpu.memory_space<hbm>> -> memref<64x1024xf32, #tpu.memory_space<hbm>>
      tpu.enqueue_dma source(%arg8 : memref<64x1024xf32, #tpu.memory_space<vmem>>) target(%dma_start3A_1000 : memref<64x1024xf32, #tpu.memory_space<hbm>>) target_semaphore(%run_scoped3A : memref<!tpu.dma_semaphore, #tpu.memory_space<semaphore_mem>>)
      %dma_wait3A = arith.constant 0 : i32
      %dma_wait3A_1001 = tpu.memref_slice %arg5[%add3A_115, %dma_wait3A] : memref<16384x1024xf32, #tpu.memory_space<hbm>> -> memref<64x1024xf32, #tpu.memory_space<hbm>>
      %dma_wait3A_1002 = arith.constant 0 : i32
      %dma_wait3A_1003 = tpu.memref_slice %arg5[%add3A_115, %dma_wait3A_1002] : memref<16384x1024xf32, #tpu.memory_space<hbm>> -> memref<64x1024xf32, #tpu.memory_space<hbm>>
      tpu.wait_dma2 semaphore(%run_scoped3A : memref<!tpu.dma_semaphore, #tpu.memory_space<semaphore_mem>>) src(%arg8 : memref<64x1024xf32, #tpu.memory_space<vmem>>) dst(%dma_wait3A_1003 : memref<64x1024xf32, #tpu.memory_space<hbm>>)
      tpu.yield
    }) : () -> ()
    %mul3A_116 = arith.constant 8 : i32
    %mul3A_117 = arith.muli %add3A, %mul3A_116 : i32
    %add3A_118 = arith.constant 1 : i32
    %add3A_119 = arith.addi %mul3A_117, %add3A_118 : i32
    %jit3A_120 = arith.constant 128 : i32
    %div3A_121 = arith.divsi %add3A_119, %jit3A_120 : i32
    %sign3A_122 = arith.constant 0 : i32
    %sign3A_123 = arith.cmpi sgt, %add3A_119, %sign3A_122 : i32
    %sign3A_124 = arith.extui %sign3A_123 : i1 to i32
    %sign3A_125 = arith.constant 0 : i32
    %sign3A_126 = arith.cmpi slt, %add3A_119, %sign3A_125 : i32
    %sign3A_127 = arith.extui %sign3A_126 : i1 to i32
    %sign3A_128 = arith.subi %sign3A_124, %sign3A_127 : i32
    %sign3A_129 = arith.constant 0 : i32
    %sign3A_130 = arith.cmpi sgt, %jit3A_120, %sign3A_129 : i32
    %sign3A_131 = arith.extui %sign3A_130 : i1 to i32
    %sign3A_132 = arith.constant 0 : i32
    %sign3A_133 = arith.cmpi slt, %jit3A_120, %sign3A_132 : i32
    %sign3A_134 = arith.extui %sign3A_133 : i1 to i32
    %sign3A_135 = arith.subi %sign3A_131, %sign3A_134 : i32
    %ne3A_136 = arith.cmpi ne, %sign3A_128, %sign3A_135 : i32
    %rem3A_137 = arith.remsi %add3A_119, %jit3A_120 : i32
    %ne3A_138 = arith.constant 0 : i32
    %ne3A_139 = arith.cmpi ne, %rem3A_137, %ne3A_138 : i32
    %and3A_140 = arith.andi %ne3A_136, %ne3A_139 : i1
    %sub3A_141 = arith.constant 1 : i32
    %sub3A_142 = arith.subi %div3A_121, %sub3A_141 : i32
    %select_n3A_143 = arith.select %and3A_140, %sub3A_142, %div3A_121 : i32
    %jit3A_144 = arith.constant 128 : i32
    %eq3A_145 = arith.constant 0 : i32
    %eq3A_146 = arith.cmpi eq, %jit3A_144, %eq3A_145 : i32
    %jit3A_147 = arith.constant 1 : i32
    %select_n3A_148 = arith.select %eq3A_146, %jit3A_147, %jit3A_144 : i32
    %rem3A_149 = arith.remsi %add3A_119, %select_n3A_148 : i32
    %ne3A_150 = arith.constant 0 : i32
    %ne3A_151 = arith.cmpi ne, %rem3A_149, %ne3A_150 : i32
    %lt3A_152 = arith.constant 0 : i32
    %lt3A_153 = arith.cmpi slt, %rem3A_149, %lt3A_152 : i32
    %lt3A_154 = arith.constant 0 : i32
    %lt3A_155 = arith.cmpi slt, %select_n3A_148, %lt3A_154 : i32
    %ne3A_156 = arith.xori %lt3A_153, %lt3A_155 : i1
    %and3A_157 = arith.andi %ne3A_156, %ne3A_151 : i1
    %add3A_158 = arith.addi %rem3A_149, %select_n3A_148 : i32
    %select_n3A_159 = arith.select %and3A_157, %add3A_158, %rem3A_149 : i32
    %jit3A_160 = arith.constant 16 : i32
    %div3A_161 = arith.divsi %select_n3A_159, %jit3A_160 : i32
    %sign3A_162 = arith.constant 0 : i32
    %sign3A_163 = arith.cmpi sgt, %select_n3A_159, %sign3A_162 : i32
    %sign3A_164 = arith.extui %sign3A_163 : i1 to i32
    %sign3A_165 = arith.constant 0 : i32
    %sign3A_166 = arith.cmpi slt, %select_n3A_159, %sign3A_165 : i32
    %sign3A_167 = arith.extui %sign3A_166 : i1 to i32
    %sign3A_168 = arith.subi %sign3A_164, %sign3A_167 : i32
    %sign3A_169 = arith.constant 0 : i32
    %sign3A_170 = arith.cmpi sgt, %jit3A_160, %sign3A_169 : i32
    %sign3A_171 = arith.extui %sign3A_170 : i1 to i32
    %sign3A_172 = arith.constant 0 : i32
    %sign3A_173 = arith.cmpi slt, %jit3A_160, %sign3A_172 : i32
    %sign3A_174 = arith.extui %sign3A_173 : i1 to i32
    %sign3A_175 = arith.subi %sign3A_171, %sign3A_174 : i32
    %ne3A_176 = arith.cmpi ne, %sign3A_168, %sign3A_175 : i32
    %rem3A_177 = arith.remsi %select_n3A_159, %jit3A_160 : i32
    %ne3A_178 = arith.constant 0 : i32
    %ne3A_179 = arith.cmpi ne, %rem3A_177, %ne3A_178 : i32
    %and3A_180 = arith.andi %ne3A_176, %ne3A_179 : i1
    %sub3A_181 = arith.constant 1 : i32
    %sub3A_182 = arith.subi %div3A_161, %sub3A_181 : i32
    %select_n3A_183 = arith.select %and3A_180, %sub3A_182, %div3A_161 : i32
    %jit3A_184 = arith.constant 16 : i32
    %eq3A_185 = arith.constant 0 : i32
    %eq3A_186 = arith.cmpi eq, %jit3A_184, %eq3A_185 : i32
    %jit3A_187 = arith.constant 1 : i32
    %select_n3A_188 = arith.select %eq3A_186, %jit3A_187, %jit3A_184 : i32
    %rem3A_189 = arith.remsi %select_n3A_159, %select_n3A_188 : i32
    %ne3A_190 = arith.constant 0 : i32
    %ne3A_191 = arith.cmpi ne, %rem3A_189, %ne3A_190 : i32
    %lt3A_192 = arith.constant 0 : i32
    %lt3A_193 = arith.cmpi slt, %rem3A_189, %lt3A_192 : i32
    %lt3A_194 = arith.constant 0 : i32
    %lt3A_195 = arith.cmpi slt, %select_n3A_188, %lt3A_194 : i32
    %ne3A_196 = arith.xori %lt3A_193, %lt3A_195 : i1
    %and3A_197 = arith.andi %ne3A_196, %ne3A_191 : i1
    %add3A_198 = arith.addi %rem3A_189, %select_n3A_188 : i32
    %select_n3A_199 = arith.select %and3A_197, %add3A_198, %rem3A_189 : i32
    %mul3A_200 = arith.constant 64 : i32
    %mul3A_201 = arith.muli %select_n3A_199, %mul3A_200 : i32
    %mul3A_202 = arith.constant 8 : i32
    %mul3A_203 = arith.muli %select_n3A_143, %mul3A_202 : i32
    %add3A_204 = arith.addi %mul3A_203, %select_n3A_183 : i32
    %mul3A_205 = arith.constant 16384 : i32
    %mul3A_206 = arith.muli %add3A_204, %mul3A_205 : i32
    "tpu.region"() ({
      %run_scoped3A = tpu.sem_alloc : memref<!tpu.dma_semaphore, #tpu.memory_space<semaphore_mem>>
      %dma_start3A = tpu.memref_slice %arg2[%mul3A_206] : memref<262144xi32, #tpu.memory_space<hbm>> -> memref<16384xi32, #tpu.memory_space<hbm>>
      %dma_start3A_998 = tpu.memref_slice %arg2[%mul3A_206] : memref<262144xi32, #tpu.memory_space<hbm>> -> memref<16384xi32, #tpu.memory_space<hbm>>
      tpu.enqueue_dma source(%dma_start3A_998 : memref<16384xi32, #tpu.memory_space<hbm>>) target(%arg6 : memref<16384xi32, #tpu.memory_space<vmem>>) target_semaphore(%run_scoped3A : memref<!tpu.dma_semaphore, #tpu.memory_space<semaphore_mem>>)
      %dma_wait3A = tpu.memref_slice %arg2[%mul3A_206] : memref<262144xi32, #tpu.memory_space<hbm>> -> memref<16384xi32, #tpu.memory_space<hbm>>
      %dma_wait3A_999 = tpu.memref_slice %arg2[%mul3A_206] : memref<262144xi32, #tpu.memory_space<hbm>> -> memref<16384xi32, #tpu.memory_space<hbm>>
      tpu.wait_dma2 semaphore(%run_scoped3A : memref<!tpu.dma_semaphore, #tpu.memory_space<semaphore_mem>>) src(%dma_wait3A_999 : memref<16384xi32, #tpu.memory_space<hbm>>) dst(%arg6 : memref<16384xi32, #tpu.memory_space<vmem>>)
      tpu.yield
    }) : () -> ()
    %mul3A_207 = arith.constant 16384 : i32
    %mul3A_208 = arith.muli %add3A_204, %mul3A_207 : i32
    "tpu.region"() ({
      %run_scoped3A = tpu.sem_alloc : memref<!tpu.dma_semaphore, #tpu.memory_space<semaphore_mem>>
      %dma_start3A = tpu.memref_slice %arg3[%mul3A_208] : memref<262144xi32, #tpu.memory_space<hbm>> -> memref<16384xi32, #tpu.memory_space<hbm>>
      %dma_start3A_998 = tpu.memref_slice %arg3[%mul3A_208] : memref<262144xi32, #tpu.memory_space<hbm>> -> memref<16384xi32, #tpu.memory_space<hbm>>
      tpu.enqueue_dma source(%dma_start3A_998 : memref<16384xi32, #tpu.memory_space<hbm>>) target(%arg7 : memref<16384xi32, #tpu.memory_space<vmem>>) target_semaphore(%run_scoped3A : memref<!tpu.dma_semaphore, #tpu.memory_space<semaphore_mem>>)
      %dma_wait3A = tpu.memref_slice %arg3[%mul3A_208] : memref<262144xi32, #tpu.memory_space<hbm>> -> memref<16384xi32, #tpu.memory_space<hbm>>
      %dma_wait3A_999 = tpu.memref_slice %arg3[%mul3A_208] : memref<262144xi32, #tpu.memory_space<hbm>> -> memref<16384xi32, #tpu.memory_space<hbm>>
      tpu.wait_dma2 semaphore(%run_scoped3A : memref<!tpu.dma_semaphore, #tpu.memory_space<semaphore_mem>>) src(%dma_wait3A_999 : memref<16384xi32, #tpu.memory_space<hbm>>) dst(%arg7 : memref<16384xi32, #tpu.memory_space<vmem>>)
      tpu.yield
    }) : () -> ()
    "tpu.region"() ({
      %run_scoped3A = tpu.sem_alloc : memref<!tpu.dma_semaphore, #tpu.memory_space<semaphore_mem>>
      tpu.enqueue_dma source(%arg4 : memref<64x1024xf32, #tpu.memory_space<hbm>>) target(%arg8 : memref<64x1024xf32, #tpu.memory_space<vmem>>) target_semaphore(%run_scoped3A : memref<!tpu.dma_semaphore, #tpu.memory_space<semaphore_mem>>)
      tpu.wait_dma2 semaphore(%run_scoped3A : memref<!tpu.dma_semaphore, #tpu.memory_space<semaphore_mem>>) src(%arg4 : memref<64x1024xf32, #tpu.memory_space<hbm>>) dst(%arg8 : memref<64x1024xf32, #tpu.memory_space<vmem>>)
      tpu.yield
    }) : () -> ()
    %scan3A_209 = arith.constant 0 : i32
    %scan3A_210 = arith.constant 0 : i32
    %scan3A_211 = arith.constant 256 : i32
    %scan3A_212 = arith.addi %scan3A_210, %scan3A_211 : i32
    %scan3A_213 = arith.constant 1 : i32
    scf.for %scan3A_998 = %scan3A_210 to %scan3A_212 step %scan3A_213  : i32 {
      %mul3A_999 = arith.constant 64 : i32
      %mul3A_1000 = arith.muli %scan3A_998, %mul3A_999 : i32
      %add3A_1001 = arith.constant 0 : i32
      %add3A_1002 = arith.addi %mul3A_1000, %add3A_1001 : i32
      %get3A = arith.index_cast %add3A_1002 : i32 to index
      %get3A_1003 = tpu.vector_load %arg6[%get3A] {strides = array<i32>} : memref<16384xi32, #tpu.memory_space<vmem>>, vector<16xi32>,
      %sub3A_1004 = vector.broadcast %mul3A_201 : i32 to vector<16xi32>
      %sub3A_1005 = arith.subi %get3A_1003, %sub3A_1004 : vector<16xi32>
      %get3A_1006 = arith.index_cast %add3A_1002 : i32 to index
      %get3A_1007 = tpu.vector_load %arg7[%get3A_1006] {strides = array<i32>} : memref<16384xi32, #tpu.memory_space<vmem>>, vector<16xi32>,
      %ge3A = arith.constant 0 : i32
      %ge3A_1008 = vector.broadcast %ge3A : i32 to vector<16xi32>
      %ge3A_1009 = arith.cmpi sge, %sub3A_1005, %ge3A_1008 : vector<16xi32>
      %lt3A_1010 = arith.constant 64 : i32
      %lt3A_1011 = vector.broadcast %lt3A_1010 : i32 to vector<16xi32>
      %lt3A_1012 = arith.cmpi slt, %sub3A_1005, %lt3A_1011 : vector<16xi32>
      %and3A_1013 = arith.andi %ge3A_1009, %lt3A_1012 : vector<16xi1>
      tpu.vector_store_idx %arg8[%sub3A_1005, %get3A_1007], %broadcast_in_dim3A_1 masked %and3A_1013 {add = true} : memref<64x1024xf32, #tpu.memory_space<vmem>>[vector<16xi32>, vector<16xi32>], vector<16xf32>, vector<16xi1>
      %mul3A_1014 = arith.constant 64 : i32
      %mul3A_1015 = arith.muli %scan3A_998, %mul3A_1014 : i32
      %add3A_1016 = arith.constant 16 : i32
      %add3A_1017 = arith.addi %mul3A_1015, %add3A_1016 : i32
      %get3A_1018 = arith.index_cast %add3A_1017 : i32 to index
      %get3A_1019 = tpu.vector_load %arg6[%get3A_1018] {strides = array<i32>} : memref<16384xi32, #tpu.memory_space<vmem>>, vector<16xi32>,
      %sub3A_1020 = vector.broadcast %mul3A_201 : i32 to vector<16xi32>
      %sub3A_1021 = arith.subi %get3A_1019, %sub3A_1020 : vector<16xi32>
      %get3A_1022 = arith.index_cast %add3A_1017 : i32 to index
      %get3A_1023 = tpu.vector_load %arg7[%get3A_1022] {strides = array<i32>} : memref<16384xi32, #tpu.memory_space<vmem>>, vector<16xi32>,
      %ge3A_1024 = arith.constant 0 : i32
      %ge3A_1025 = vector.broadcast %ge3A_1024 : i32 to vector<16xi32>
      %ge3A_1026 = arith.cmpi sge, %sub3A_1021, %ge3A_1025 : vector<16xi32>
      %lt3A_1027 = arith.constant 64 : i32
      %lt3A_1028 = vector.broadcast %lt3A_1027 : i32 to vector<16xi32>
      %lt3A_1029 = arith.cmpi slt, %sub3A_1021, %lt3A_1028 : vector<16xi32>
      %and3A_1030 = arith.andi %ge3A_1026, %lt3A_1029 : vector<16xi1>
      tpu.vector_store_idx %arg8[%sub3A_1021, %get3A_1023], %broadcast_in_dim3A_1 masked %and3A_1030 {add = true} : memref<64x1024xf32, #tpu.memory_space<vmem>>[vector<16xi32>, vector<16xi32>], vector<16xf32>, vector<16xi1>
      %mul3A_1031 = arith.constant 64 : i32
      %mul3A_1032 = arith.muli %scan3A_998, %mul3A_1031 : i32
      %add3A_1033 = arith.constant 32 : i32
      %add3A_1034 = arith.addi %mul3A_1032, %add3A_1033 : i32
      %get3A_1035 = arith.index_cast %add3A_1034 : i32 to index
      %get3A_1036 = tpu.vector_load %arg6[%get3A_1035] {strides = array<i32>} : memref<16384xi32, #tpu.memory_space<vmem>>, vector<16xi32>,
      %sub3A_1037 = vector.broadcast %mul3A_201 : i32 to vector<16xi32>
      %sub3A_1038 = arith.subi %get3A_1036, %sub3A_1037 : vector<16xi32>
      %get3A_1039 = arith.index_cast %add3A_1034 : i32 to index
      %get3A_1040 = tpu.vector_load %arg7[%get3A_1039] {strides = array<i32>} : memref<16384xi32, #tpu.memory_space<vmem>>, vector<16xi32>,
      %ge3A_1041 = arith.constant 0 : i32
      %ge3A_1042 = vector.broadcast %ge3A_1041 : i32 to vector<16xi32>
      %ge3A_1043 = arith.cmpi sge, %sub3A_1038, %ge3A_1042 : vector<16xi32>
      %lt3A_1044 = arith.constant 64 : i32
      %lt3A_1045 = vector.broadcast %lt3A_1044 : i32 to vector<16xi32>
      %lt3A_1046 = arith.cmpi slt, %sub3A_1038, %lt3A_1045 : vector<16xi32>
      %and3A_1047 = arith.andi %ge3A_1043, %lt3A_1046 : vector<16xi1>
      tpu.vector_store_idx %arg8[%sub3A_1038, %get3A_1040], %broadcast_in_dim3A_1 masked %and3A_1047 {add = true} : memref<64x1024xf32, #tpu.memory_space<vmem>>[vector<16xi32>, vector<16xi32>], vector<16xf32>, vector<16xi1>
      %mul3A_1048 = arith.constant 64 : i32
      %mul3A_1049 = arith.muli %scan3A_998, %mul3A_1048 : i32
      %add3A_1050 = arith.constant 48 : i32
      %add3A_1051 = arith.addi %mul3A_1049, %add3A_1050 : i32
      %get3A_1052 = arith.index_cast %add3A_1051 : i32 to index
      %get3A_1053 = tpu.vector_load %arg6[%get3A_1052] {strides = array<i32>} : memref<16384xi32, #tpu.memory_space<vmem>>, vector<16xi32>,
      %sub3A_1054 = vector.broadcast %mul3A_201 : i32 to vector<16xi32>
      %sub3A_1055 = arith.subi %get3A_1053, %sub3A_1054 : vector<16xi32>
      %get3A_1056 = arith.index_cast %add3A_1051 : i32 to index
      %get3A_1057 = tpu.vector_load %arg7[%get3A_1056] {strides = array<i32>} : memref<16384xi32, #tpu.memory_space<vmem>>, vector<16xi32>,
      %ge3A_1058 = arith.constant 0 : i32
      %ge3A_1059 = vector.broadcast %ge3A_1058 : i32 to vector<16xi32>
      %ge3A_1060 = arith.cmpi sge, %sub3A_1055, %ge3A_1059 : vector<16xi32>
      %lt3A_1061 = arith.constant 64 : i32
      %lt3A_1062 = vector.broadcast %lt3A_1061 : i32 to vector<16xi32>
      %lt3A_1063 = arith.cmpi slt, %sub3A_1055, %lt3A_1062 : vector<16xi32>
      %and3A_1064 = arith.andi %ge3A_1060, %lt3A_1063 : vector<16xi1>
      tpu.vector_store_idx %arg8[%sub3A_1055, %get3A_1057], %broadcast_in_dim3A_1 masked %and3A_1064 {add = true} : memref<64x1024xf32, #tpu.memory_space<vmem>>[vector<16xi32>, vector<16xi32>], vector<16xf32>, vector<16xi1>
    }
    %scan3A_214 = arith.constant 256 : i32
    %iota3A_215 = tpu.iota {dimensions = array<i32: 0>} : vector<16xi32>
    %add3A_216 = arith.constant 0 : i32
    %add3A_217 = vector.broadcast %add3A_216 : i32 to vector<16xi32>
    %add3A_218 = arith.addi %iota3A_215, %add3A_217 : vector<16xi32>
    %add3A_219 = vector.broadcast %mul3A_201 : i32 to vector<16xi32>
    %add3A_220 = arith.addi %add3A_218, %add3A_219 : vector<16xi32>
    tpu.vector_store_idx %arg8[%add3A_218, %add3A_220], %broadcast_in_dim3A_1 {add = true} : memref<64x1024xf32, #tpu.memory_space<vmem>>[vector<16xi32>, vector<16xi32>], vector<16xf32>,
    %iota3A_221 = tpu.iota {dimensions = array<i32: 0>} : vector<16xi32>
    %add3A_222 = arith.constant 16 : i32
    %add3A_223 = vector.broadcast %add3A_222 : i32 to vector<16xi32>
    %add3A_224 = arith.addi %iota3A_221, %add3A_223 : vector<16xi32>
    %add3A_225 = vector.broadcast %mul3A_201 : i32 to vector<16xi32>
    %add3A_226 = arith.addi %add3A_224, %add3A_225 : vector<16xi32>
    tpu.vector_store_idx %arg8[%add3A_224, %add3A_226], %broadcast_in_dim3A_1 {add = true} : memref<64x1024xf32, #tpu.memory_space<vmem>>[vector<16xi32>, vector<16xi32>], vector<16xf32>,
    %iota3A_227 = tpu.iota {dimensions = array<i32: 0>} : vector<16xi32>
    %add3A_228 = arith.constant 32 : i32
    %add3A_229 = vector.broadcast %add3A_228 : i32 to vector<16xi32>
    %add3A_230 = arith.addi %iota3A_227, %add3A_229 : vector<16xi32>
    %add3A_231 = vector.broadcast %mul3A_201 : i32 to vector<16xi32>
    %add3A_232 = arith.addi %add3A_230, %add3A_231 : vector<16xi32>
    tpu.vector_store_idx %arg8[%add3A_230, %add3A_232], %broadcast_in_dim3A_1 {add = true} : memref<64x1024xf32, #tpu.memory_space<vmem>>[vector<16xi32>, vector<16xi32>], vector<16xf32>,
    %iota3A_233 = tpu.iota {dimensions = array<i32: 0>} : vector<16xi32>
    %add3A_234 = arith.constant 48 : i32
    %add3A_235 = vector.broadcast %add3A_234 : i32 to vector<16xi32>
    %add3A_236 = arith.addi %iota3A_233, %add3A_235 : vector<16xi32>
    %add3A_237 = vector.broadcast %mul3A_201 : i32 to vector<16xi32>
    %add3A_238 = arith.addi %add3A_236, %add3A_237 : vector<16xi32>
    tpu.vector_store_idx %arg8[%add3A_236, %add3A_238], %broadcast_in_dim3A_1 {add = true} : memref<64x1024xf32, #tpu.memory_space<vmem>>[vector<16xi32>, vector<16xi32>], vector<16xf32>,
    %mul3A_239 = arith.constant 1024 : i32
    %mul3A_240 = arith.muli %add3A_204, %mul3A_239 : i32
    %add3A_241 = arith.addi %mul3A_240, %mul3A_201 : i32
    "tpu.region"() ({
      %run_scoped3A = tpu.sem_alloc : memref<!tpu.dma_semaphore, #tpu.memory_space<semaphore_mem>>
      %dma_start3A = arith.constant 0 : i32
      %dma_start3A_998 = tpu.memref_slice %arg5[%add3A_241, %dma_start3A] : memref<16384x1024xf32, #tpu.memory_space<hbm>> -> memref<64x1024xf32, #tpu.memory_space<hbm>>
      %dma_start3A_999 = arith.constant 0 : i32
      %dma_start3A_1000 = tpu.memref_slice %arg5[%add3A_241, %dma_start3A_999] : memref<16384x1024xf32, #tpu.memory_space<hbm>> -> memref<64x1024xf32, #tpu.memory_space<hbm>>
      tpu.enqueue_dma source(%arg8 : memref<64x1024xf32, #tpu.memory_space<vmem>>) target(%dma_start3A_1000 : memref<64x1024xf32, #tpu.memory_space<hbm>>) target_semaphore(%run_scoped3A : memref<!tpu.dma_semaphore, #tpu.memory_space<semaphore_mem>>)
      %dma_wait3A = arith.constant 0 : i32
      %dma_wait3A_1001 = tpu.memref_slice %arg5[%add3A_241, %dma_wait3A] : memref<16384x1024xf32, #tpu.memory_space<hbm>> -> memref<64x1024xf32, #tpu.memory_space<hbm>>
      %dma_wait3A_1002 = arith.constant 0 : i32
      %dma_wait3A_1003 = tpu.memref_slice %arg5[%add3A_241, %dma_wait3A_1002] : memref<16384x1024xf32, #tpu.memory_space<hbm>> -> memref<64x1024xf32, #tpu.memory_space<hbm>>
      tpu.wait_dma2 semaphore(%run_scoped3A : memref<!tpu.dma_semaphore, #tpu.memory_space<semaphore_mem>>) src(%arg8 : memref<64x1024xf32, #tpu.memory_space<vmem>>) dst(%dma_wait3A_1003 : memref<64x1024xf32, #tpu.memory_space<hbm>>)
      tpu.yield
    }) : () -> ()
    %mul3A_242 = arith.constant 8 : i32
    %mul3A_243 = arith.muli %add3A, %mul3A_242 : i32
    %add3A_244 = arith.constant 2 : i32
    %add3A_245 = arith.addi %mul3A_243, %add3A_244 : i32
    %jit3A_246 = arith.constant 128 : i32
    %div3A_247 = arith.divsi %add3A_245, %jit3A_246 : i32
    %sign3A_248 = arith.constant 0 : i32
    %sign3A_249 = arith.cmpi sgt, %add3A_245, %sign3A_248 : i32
    %sign3A_250 = arith.extui %sign3A_249 : i1 to i32
    %sign3A_251 = arith.constant 0 : i32
    %sign3A_252 = arith.cmpi slt, %add3A_245, %sign3A_251 : i32
    %sign3A_253 = arith.extui %sign3A_252 : i1 to i32
    %sign3A_254 = arith.subi %sign3A_250, %sign3A_253 : i32
    %sign3A_255 = arith.constant 0 : i32
    %sign3A_256 = arith.cmpi sgt, %jit3A_246, %sign3A_255 : i32
    %sign3A_257 = arith.extui %sign3A_256 : i1 to i32
    %sign3A_258 = arith.constant 0 : i32
    %sign3A_259 = arith.cmpi slt, %jit3A_246, %sign3A_258 : i32
    %sign3A_260 = arith.extui %sign3A_259 : i1 to i32
    %sign3A_261 = arith.subi %sign3A_257, %sign3A_260 : i32
    %ne3A_262 = arith.cmpi ne, %sign3A_254, %sign3A_261 : i32
    %rem3A_263 = arith.remsi %add3A_245, %jit3A_246 : i32
    %ne3A_264 = arith.constant 0 : i32
    %ne3A_265 = arith.cmpi ne, %rem3A_263, %ne3A_264 : i32
    %and3A_266 = arith.andi %ne3A_262, %ne3A_265 : i1
    %sub3A_267 = arith.constant 1 : i32
    %sub3A_268 = arith.subi %div3A_247, %sub3A_267 : i32
    %select_n3A_269 = arith.select %and3A_266, %sub3A_268, %div3A_247 : i32
    %jit3A_270 = arith.constant 128 : i32
    %eq3A_271 = arith.constant 0 : i32
    %eq3A_272 = arith.cmpi eq, %jit3A_270, %eq3A_271 : i32
    %jit3A_273 = arith.constant 1 : i32
    %select_n3A_274 = arith.select %eq3A_272, %jit3A_273, %jit3A_270 : i32
    %rem3A_275 = arith.remsi %add3A_245, %select_n3A_274 : i32
    %ne3A_276 = arith.constant 0 : i32
    %ne3A_277 = arith.cmpi ne, %rem3A_275, %ne3A_276 : i32
    %lt3A_278 = arith.constant 0 : i32
    %lt3A_279 = arith.cmpi slt, %rem3A_275, %lt3A_278 : i32
    %lt3A_280 = arith.constant 0 : i32
    %lt3A_281 = arith.cmpi slt, %select_n3A_274, %lt3A_280 : i32
    %ne3A_282 = arith.xori %lt3A_279, %lt3A_281 : i1
    %and3A_283 = arith.andi %ne3A_282, %ne3A_277 : i1
    %add3A_284 = arith.addi %rem3A_275, %select_n3A_274 : i32
    %select_n3A_285 = arith.select %and3A_283, %add3A_284, %rem3A_275 : i32
    %jit3A_286 = arith.constant 16 : i32
    %div3A_287 = arith.divsi %select_n3A_285, %jit3A_286 : i32
    %sign3A_288 = arith.constant 0 : i32
    %sign3A_289 = arith.cmpi sgt, %select_n3A_285, %sign3A_288 : i32
    %sign3A_290 = arith.extui %sign3A_289 : i1 to i32
    %sign3A_291 = arith.constant 0 : i32
    %sign3A_292 = arith.cmpi slt, %select_n3A_285, %sign3A_291 : i32
    %sign3A_293 = arith.extui %sign3A_292 : i1 to i32
    %sign3A_294 = arith.subi %sign3A_290, %sign3A_293 : i32
    %sign3A_295 = arith.constant 0 : i32
    %sign3A_296 = arith.cmpi sgt, %jit3A_286, %sign3A_295 : i32
    %sign3A_297 = arith.extui %sign3A_296 : i1 to i32
    %sign3A_298 = arith.constant 0 : i32
    %sign3A_299 = arith.cmpi slt, %jit3A_286, %sign3A_298 : i32
    %sign3A_300 = arith.extui %sign3A_299 : i1 to i32
    %sign3A_301 = arith.subi %sign3A_297, %sign3A_300 : i32
    %ne3A_302 = arith.cmpi ne, %sign3A_294, %sign3A_301 : i32
    %rem3A_303 = arith.remsi %select_n3A_285, %jit3A_286 : i32
    %ne3A_304 = arith.constant 0 : i32
    %ne3A_305 = arith.cmpi ne, %rem3A_303, %ne3A_304 : i32
    %and3A_306 = arith.andi %ne3A_302, %ne3A_305 : i1
    %sub3A_307 = arith.constant 1 : i32
    %sub3A_308 = arith.subi %div3A_287, %sub3A_307 : i32
    %select_n3A_309 = arith.select %and3A_306, %sub3A_308, %div3A_287 : i32
    %jit3A_310 = arith.constant 16 : i32
    %eq3A_311 = arith.constant 0 : i32
    %eq3A_312 = arith.cmpi eq, %jit3A_310, %eq3A_311 : i32
    %jit3A_313 = arith.constant 1 : i32
    %select_n3A_314 = arith.select %eq3A_312, %jit3A_313, %jit3A_310 : i32
    %rem3A_315 = arith.remsi %select_n3A_285, %select_n3A_314 : i32
    %ne3A_316 = arith.constant 0 : i32
    %ne3A_317 = arith.cmpi ne, %rem3A_315, %ne3A_316 : i32
    %lt3A_318 = arith.constant 0 : i32
    %lt3A_319 = arith.cmpi slt, %rem3A_315, %lt3A_318 : i32
    %lt3A_320 = arith.constant 0 : i32
    %lt3A_321 = arith.cmpi slt, %select_n3A_314, %lt3A_320 : i32
    %ne3A_322 = arith.xori %lt3A_319, %lt3A_321 : i1
    %and3A_323 = arith.andi %ne3A_322, %ne3A_317 : i1
    %add3A_324 = arith.addi %rem3A_315, %select_n3A_314 : i32
    %select_n3A_325 = arith.select %and3A_323, %add3A_324, %rem3A_315 : i32
    %mul3A_326 = arith.constant 64 : i32
    %mul3A_327 = arith.muli %select_n3A_325, %mul3A_326 : i32
    %mul3A_328 = arith.constant 8 : i32
    %mul3A_329 = arith.muli %select_n3A_269, %mul3A_328 : i32
    %add3A_330 = arith.addi %mul3A_329, %select_n3A_309 : i32
    %mul3A_331 = arith.constant 16384 : i32
    %mul3A_332 = arith.muli %add3A_330, %mul3A_331 : i32
    "tpu.region"() ({
      %run_scoped3A = tpu.sem_alloc : memref<!tpu.dma_semaphore, #tpu.memory_space<semaphore_mem>>
      %dma_start3A = tpu.memref_slice %arg2[%mul3A_332] : memref<262144xi32, #tpu.memory_space<hbm>> -> memref<16384xi32, #tpu.memory_space<hbm>>
      %dma_start3A_998 = tpu.memref_slice %arg2[%mul3A_332] : memref<262144xi32, #tpu.memory_space<hbm>> -> memref<16384xi32, #tpu.memory_space<hbm>>
      tpu.enqueue_dma source(%dma_start3A_998 : memref<16384xi32, #tpu.memory_space<hbm>>) target(%arg6 : memref<16384xi32, #tpu.memory_space<vmem>>) target_semaphore(%run_scoped3A : memref<!tpu.dma_semaphore, #tpu.memory_space<semaphore_mem>>)
      %dma_wait3A = tpu.memref_slice %arg2[%mul3A_332] : memref<262144xi32, #tpu.memory_space<hbm>> -> memref<16384xi32, #tpu.memory_space<hbm>>
      %dma_wait3A_999 = tpu.memref_slice %arg2[%mul3A_332] : memref<262144xi32, #tpu.memory_space<hbm>> -> memref<16384xi32, #tpu.memory_space<hbm>>
      tpu.wait_dma2 semaphore(%run_scoped3A : memref<!tpu.dma_semaphore, #tpu.memory_space<semaphore_mem>>) src(%dma_wait3A_999 : memref<16384xi32, #tpu.memory_space<hbm>>) dst(%arg6 : memref<16384xi32, #tpu.memory_space<vmem>>)
      tpu.yield
    }) : () -> ()
    %mul3A_333 = arith.constant 16384 : i32
    %mul3A_334 = arith.muli %add3A_330, %mul3A_333 : i32
    "tpu.region"() ({
      %run_scoped3A = tpu.sem_alloc : memref<!tpu.dma_semaphore, #tpu.memory_space<semaphore_mem>>
      %dma_start3A = tpu.memref_slice %arg3[%mul3A_334] : memref<262144xi32, #tpu.memory_space<hbm>> -> memref<16384xi32, #tpu.memory_space<hbm>>
      %dma_start3A_998 = tpu.memref_slice %arg3[%mul3A_334] : memref<262144xi32, #tpu.memory_space<hbm>> -> memref<16384xi32, #tpu.memory_space<hbm>>
      tpu.enqueue_dma source(%dma_start3A_998 : memref<16384xi32, #tpu.memory_space<hbm>>) target(%arg7 : memref<16384xi32, #tpu.memory_space<vmem>>) target_semaphore(%run_scoped3A : memref<!tpu.dma_semaphore, #tpu.memory_space<semaphore_mem>>)
      %dma_wait3A = tpu.memref_slice %arg3[%mul3A_334] : memref<262144xi32, #tpu.memory_space<hbm>> -> memref<16384xi32, #tpu.memory_space<hbm>>
      %dma_wait3A_999 = tpu.memref_slice %arg3[%mul3A_334] : memref<262144xi32, #tpu.memory_space<hbm>> -> memref<16384xi32, #tpu.memory_space<hbm>>
      tpu.wait_dma2 semaphore(%run_scoped3A : memref<!tpu.dma_semaphore, #tpu.memory_space<semaphore_mem>>) src(%dma_wait3A_999 : memref<16384xi32, #tpu.memory_space<hbm>>) dst(%arg7 : memref<16384xi32, #tpu.memory_space<vmem>>)
      tpu.yield
    }) : () -> ()
    "tpu.region"() ({
      %run_scoped3A = tpu.sem_alloc : memref<!tpu.dma_semaphore, #tpu.memory_space<semaphore_mem>>
      tpu.enqueue_dma source(%arg4 : memref<64x1024xf32, #tpu.memory_space<hbm>>) target(%arg8 : memref<64x1024xf32, #tpu.memory_space<vmem>>) target_semaphore(%run_scoped3A : memref<!tpu.dma_semaphore, #tpu.memory_space<semaphore_mem>>)
      tpu.wait_dma2 semaphore(%run_scoped3A : memref<!tpu.dma_semaphore, #tpu.memory_space<semaphore_mem>>) src(%arg4 : memref<64x1024xf32, #tpu.memory_space<hbm>>) dst(%arg8 : memref<64x1024xf32, #tpu.memory_space<vmem>>)
      tpu.yield
    }) : () -> ()
    %scan3A_335 = arith.constant 0 : i32
    %scan3A_336 = arith.constant 0 : i32
    %scan3A_337 = arith.constant 256 : i32
    %scan3A_338 = arith.addi %scan3A_336, %scan3A_337 : i32
    %scan3A_339 = arith.constant 1 : i32
    scf.for %scan3A_998 = %scan3A_336 to %scan3A_338 step %scan3A_339  : i32 {
      %mul3A_999 = arith.constant 64 : i32
      %mul3A_1000 = arith.muli %scan3A_998, %mul3A_999 : i32
      %add3A_1001 = arith.constant 0 : i32
      %add3A_1002 = arith.addi %mul3A_1000, %add3A_1001 : i32
      %get3A = arith.index_cast %add3A_1002 : i32 to index
      %get3A_1003 = tpu.vector_load %arg6[%get3A] {strides = array<i32>} : memref<16384xi32, #tpu.memory_space<vmem>>, vector<16xi32>,
      %sub3A_1004 = vector.broadcast %mul3A_327 : i32 to vector<16xi32>
      %sub3A_1005 = arith.subi %get3A_1003, %sub3A_1004 : vector<16xi32>
      %get3A_1006 = arith.index_cast %add3A_1002 : i32 to index
      %get3A_1007 = tpu.vector_load %arg7[%get3A_1006] {strides = array<i32>} : memref<16384xi32, #tpu.memory_space<vmem>>, vector<16xi32>,
      %ge3A = arith.constant 0 : i32
      %ge3A_1008 = vector.broadcast %ge3A : i32 to vector<16xi32>
      %ge3A_1009 = arith.cmpi sge, %sub3A_1005, %ge3A_1008 : vector<16xi32>
      %lt3A_1010 = arith.constant 64 : i32
      %lt3A_1011 = vector.broadcast %lt3A_1010 : i32 to vector<16xi32>
      %lt3A_1012 = arith.cmpi slt, %sub3A_1005, %lt3A_1011 : vector<16xi32>
      %and3A_1013 = arith.andi %ge3A_1009, %lt3A_1012 : vector<16xi1>
      tpu.vector_store_idx %arg8[%sub3A_1005, %get3A_1007], %broadcast_in_dim3A_1 masked %and3A_1013 {add = true} : memref<64x1024xf32, #tpu.memory_space<vmem>>[vector<16xi32>, vector<16xi32>], vector<16xf32>, vector<16xi1>
      %mul3A_1014 = arith.constant 64 : i32
      %mul3A_1015 = arith.muli %scan3A_998, %mul3A_1014 : i32
      %add3A_1016 = arith.constant 16 : i32
      %add3A_1017 = arith.addi %mul3A_1015, %add3A_1016 : i32
      %get3A_1018 = arith.index_cast %add3A_1017 : i32 to index
      %get3A_1019 = tpu.vector_load %arg6[%get3A_1018] {strides = array<i32>} : memref<16384xi32, #tpu.memory_space<vmem>>, vector<16xi32>,
      %sub3A_1020 = vector.broadcast %mul3A_327 : i32 to vector<16xi32>
      %sub3A_1021 = arith.subi %get3A_1019, %sub3A_1020 : vector<16xi32>
      %get3A_1022 = arith.index_cast %add3A_1017 : i32 to index
      %get3A_1023 = tpu.vector_load %arg7[%get3A_1022] {strides = array<i32>} : memref<16384xi32, #tpu.memory_space<vmem>>, vector<16xi32>,
      %ge3A_1024 = arith.constant 0 : i32
      %ge3A_1025 = vector.broadcast %ge3A_1024 : i32 to vector<16xi32>
      %ge3A_1026 = arith.cmpi sge, %sub3A_1021, %ge3A_1025 : vector<16xi32>
      %lt3A_1027 = arith.constant 64 : i32
      %lt3A_1028 = vector.broadcast %lt3A_1027 : i32 to vector<16xi32>
      %lt3A_1029 = arith.cmpi slt, %sub3A_1021, %lt3A_1028 : vector<16xi32>
      %and3A_1030 = arith.andi %ge3A_1026, %lt3A_1029 : vector<16xi1>
      tpu.vector_store_idx %arg8[%sub3A_1021, %get3A_1023], %broadcast_in_dim3A_1 masked %and3A_1030 {add = true} : memref<64x1024xf32, #tpu.memory_space<vmem>>[vector<16xi32>, vector<16xi32>], vector<16xf32>, vector<16xi1>
      %mul3A_1031 = arith.constant 64 : i32
      %mul3A_1032 = arith.muli %scan3A_998, %mul3A_1031 : i32
      %add3A_1033 = arith.constant 32 : i32
      %add3A_1034 = arith.addi %mul3A_1032, %add3A_1033 : i32
      %get3A_1035 = arith.index_cast %add3A_1034 : i32 to index
      %get3A_1036 = tpu.vector_load %arg6[%get3A_1035] {strides = array<i32>} : memref<16384xi32, #tpu.memory_space<vmem>>, vector<16xi32>,
      %sub3A_1037 = vector.broadcast %mul3A_327 : i32 to vector<16xi32>
      %sub3A_1038 = arith.subi %get3A_1036, %sub3A_1037 : vector<16xi32>
      %get3A_1039 = arith.index_cast %add3A_1034 : i32 to index
      %get3A_1040 = tpu.vector_load %arg7[%get3A_1039] {strides = array<i32>} : memref<16384xi32, #tpu.memory_space<vmem>>, vector<16xi32>,
      %ge3A_1041 = arith.constant 0 : i32
      %ge3A_1042 = vector.broadcast %ge3A_1041 : i32 to vector<16xi32>
      %ge3A_1043 = arith.cmpi sge, %sub3A_1038, %ge3A_1042 : vector<16xi32>
      %lt3A_1044 = arith.constant 64 : i32
      %lt3A_1045 = vector.broadcast %lt3A_1044 : i32 to vector<16xi32>
      %lt3A_1046 = arith.cmpi slt, %sub3A_1038, %lt3A_1045 : vector<16xi32>
      %and3A_1047 = arith.andi %ge3A_1043, %lt3A_1046 : vector<16xi1>
      tpu.vector_store_idx %arg8[%sub3A_1038, %get3A_1040], %broadcast_in_dim3A_1 masked %and3A_1047 {add = true} : memref<64x1024xf32, #tpu.memory_space<vmem>>[vector<16xi32>, vector<16xi32>], vector<16xf32>, vector<16xi1>
      %mul3A_1048 = arith.constant 64 : i32
      %mul3A_1049 = arith.muli %scan3A_998, %mul3A_1048 : i32
      %add3A_1050 = arith.constant 48 : i32
      %add3A_1051 = arith.addi %mul3A_1049, %add3A_1050 : i32
      %get3A_1052 = arith.index_cast %add3A_1051 : i32 to index
      %get3A_1053 = tpu.vector_load %arg6[%get3A_1052] {strides = array<i32>} : memref<16384xi32, #tpu.memory_space<vmem>>, vector<16xi32>,
      %sub3A_1054 = vector.broadcast %mul3A_327 : i32 to vector<16xi32>
      %sub3A_1055 = arith.subi %get3A_1053, %sub3A_1054 : vector<16xi32>
      %get3A_1056 = arith.index_cast %add3A_1051 : i32 to index
      %get3A_1057 = tpu.vector_load %arg7[%get3A_1056] {strides = array<i32>} : memref<16384xi32, #tpu.memory_space<vmem>>, vector<16xi32>,
      %ge3A_1058 = arith.constant 0 : i32
      %ge3A_1059 = vector.broadcast %ge3A_1058 : i32 to vector<16xi32>
      %ge3A_1060 = arith.cmpi sge, %sub3A_1055, %ge3A_1059 : vector<16xi32>
      %lt3A_1061 = arith.constant 64 : i32
      %lt3A_1062 = vector.broadcast %lt3A_1061 : i32 to vector<16xi32>
      %lt3A_1063 = arith.cmpi slt, %sub3A_1055, %lt3A_1062 : vector<16xi32>
      %and3A_1064 = arith.andi %ge3A_1060, %lt3A_1063 : vector<16xi1>
      tpu.vector_store_idx %arg8[%sub3A_1055, %get3A_1057], %broadcast_in_dim3A_1 masked %and3A_1064 {add = true} : memref<64x1024xf32, #tpu.memory_space<vmem>>[vector<16xi32>, vector<16xi32>], vector<16xf32>, vector<16xi1>
    }
    %scan3A_340 = arith.constant 256 : i32
    %iota3A_341 = tpu.iota {dimensions = array<i32: 0>} : vector<16xi32>
    %add3A_342 = arith.constant 0 : i32
    %add3A_343 = vector.broadcast %add3A_342 : i32 to vector<16xi32>
    %add3A_344 = arith.addi %iota3A_341, %add3A_343 : vector<16xi32>
    %add3A_345 = vector.broadcast %mul3A_327 : i32 to vector<16xi32>
    %add3A_346 = arith.addi %add3A_344, %add3A_345 : vector<16xi32>
    tpu.vector_store_idx %arg8[%add3A_344, %add3A_346], %broadcast_in_dim3A_1 {add = true} : memref<64x1024xf32, #tpu.memory_space<vmem>>[vector<16xi32>, vector<16xi32>], vector<16xf32>,
    %iota3A_347 = tpu.iota {dimensions = array<i32: 0>} : vector<16xi32>
    %add3A_348 = arith.constant 16 : i32
    %add3A_349 = vector.broadcast %add3A_348 : i32 to vector<16xi32>
    %add3A_350 = arith.addi %iota3A_347, %add3A_349 : vector<16xi32>
    %add3A_351 = vector.broadcast %mul3A_327 : i32 to vector<16xi32>
    %add3A_352 = arith.addi %add3A_350, %add3A_351 : vector<16xi32>
    tpu.vector_store_idx %arg8[%add3A_350, %add3A_352], %broadcast_in_dim3A_1 {add = true} : memref<64x1024xf32, #tpu.memory_space<vmem>>[vector<16xi32>, vector<16xi32>], vector<16xf32>,
    %iota3A_353 = tpu.iota {dimensions = array<i32: 0>} : vector<16xi32>
    %add3A_354 = arith.constant 32 : i32
    %add3A_355 = vector.broadcast %add3A_354 : i32 to vector<16xi32>
    %add3A_356 = arith.addi %iota3A_353, %add3A_355 : vector<16xi32>
    %add3A_357 = vector.broadcast %mul3A_327 : i32 to vector<16xi32>
    %add3A_358 = arith.addi %add3A_356, %add3A_357 : vector<16xi32>
    tpu.vector_store_idx %arg8[%add3A_356, %add3A_358], %broadcast_in_dim3A_1 {add = true} : memref<64x1024xf32, #tpu.memory_space<vmem>>[vector<16xi32>, vector<16xi32>], vector<16xf32>,
    %iota3A_359 = tpu.iota {dimensions = array<i32: 0>} : vector<16xi32>
    %add3A_360 = arith.constant 48 : i32
    %add3A_361 = vector.broadcast %add3A_360 : i32 to vector<16xi32>
    %add3A_362 = arith.addi %iota3A_359, %add3A_361 : vector<16xi32>
    %add3A_363 = vector.broadcast %mul3A_327 : i32 to vector<16xi32>
    %add3A_364 = arith.addi %add3A_362, %add3A_363 : vector<16xi32>
    tpu.vector_store_idx %arg8[%add3A_362, %add3A_364], %broadcast_in_dim3A_1 {add = true} : memref<64x1024xf32, #tpu.memory_space<vmem>>[vector<16xi32>, vector<16xi32>], vector<16xf32>,
    %mul3A_365 = arith.constant 1024 : i32
    %mul3A_366 = arith.muli %add3A_330, %mul3A_365 : i32
    %add3A_367 = arith.addi %mul3A_366, %mul3A_327 : i32
    "tpu.region"() ({
      %run_scoped3A = tpu.sem_alloc : memref<!tpu.dma_semaphore, #tpu.memory_space<semaphore_mem>>
      %dma_start3A = arith.constant 0 : i32
      %dma_start3A_998 = tpu.memref_slice %arg5[%add3A_367, %dma_start3A] : memref<16384x1024xf32, #tpu.memory_space<hbm>> -> memref<64x1024xf32, #tpu.memory_space<hbm>>
      %dma_start3A_999 = arith.constant 0 : i32
      %dma_start3A_1000 = tpu.memref_slice %arg5[%add3A_367, %dma_start3A_999] : memref<16384x1024xf32, #tpu.memory_space<hbm>> -> memref<64x1024xf32, #tpu.memory_space<hbm>>
      tpu.enqueue_dma source(%arg8 : memref<64x1024xf32, #tpu.memory_space<vmem>>) target(%dma_start3A_1000 : memref<64x1024xf32, #tpu.memory_space<hbm>>) target_semaphore(%run_scoped3A : memref<!tpu.dma_semaphore, #tpu.memory_space<semaphore_mem>>)
      %dma_wait3A = arith.constant 0 : i32
      %dma_wait3A_1001 = tpu.memref_slice %arg5[%add3A_367, %dma_wait3A] : memref<16384x1024xf32, #tpu.memory_space<hbm>> -> memref<64x1024xf32, #tpu.memory_space<hbm>>
      %dma_wait3A_1002 = arith.constant 0 : i32
      %dma_wait3A_1003 = tpu.memref_slice %arg5[%add3A_367, %dma_wait3A_1002] : memref<16384x1024xf32, #tpu.memory_space<hbm>> -> memref<64x1024xf32, #tpu.memory_space<hbm>>
      tpu.wait_dma2 semaphore(%run_scoped3A : memref<!tpu.dma_semaphore, #tpu.memory_space<semaphore_mem>>) src(%arg8 : memref<64x1024xf32, #tpu.memory_space<vmem>>) dst(%dma_wait3A_1003 : memref<64x1024xf32, #tpu.memory_space<hbm>>)
      tpu.yield
    }) : () -> ()
    %mul3A_368 = arith.constant 8 : i32
    %mul3A_369 = arith.muli %add3A, %mul3A_368 : i32
    %add3A_370 = arith.constant 3 : i32
    %add3A_371 = arith.addi %mul3A_369, %add3A_370 : i32
    %jit3A_372 = arith.constant 128 : i32
    %div3A_373 = arith.divsi %add3A_371, %jit3A_372 : i32
    %sign3A_374 = arith.constant 0 : i32
    %sign3A_375 = arith.cmpi sgt, %add3A_371, %sign3A_374 : i32
    %sign3A_376 = arith.extui %sign3A_375 : i1 to i32
    %sign3A_377 = arith.constant 0 : i32
    %sign3A_378 = arith.cmpi slt, %add3A_371, %sign3A_377 : i32
    %sign3A_379 = arith.extui %sign3A_378 : i1 to i32
    %sign3A_380 = arith.subi %sign3A_376, %sign3A_379 : i32
    %sign3A_381 = arith.constant 0 : i32
    %sign3A_382 = arith.cmpi sgt, %jit3A_372, %sign3A_381 : i32
    %sign3A_383 = arith.extui %sign3A_382 : i1 to i32
    %sign3A_384 = arith.constant 0 : i32
    %sign3A_385 = arith.cmpi slt, %jit3A_372, %sign3A_384 : i32
    %sign3A_386 = arith.extui %sign3A_385 : i1 to i32
    %sign3A_387 = arith.subi %sign3A_383, %sign3A_386 : i32
    %ne3A_388 = arith.cmpi ne, %sign3A_380, %sign3A_387 : i32
    %rem3A_389 = arith.remsi %add3A_371, %jit3A_372 : i32
    %ne3A_390 = arith.constant 0 : i32
    %ne3A_391 = arith.cmpi ne, %rem3A_389, %ne3A_390 : i32
    %and3A_392 = arith.andi %ne3A_388, %ne3A_391 : i1
    %sub3A_393 = arith.constant 1 : i32
    %sub3A_394 = arith.subi %div3A_373, %sub3A_393 : i32
    %select_n3A_395 = arith.select %and3A_392, %sub3A_394, %div3A_373 : i32
    %jit3A_396 = arith.constant 128 : i32
    %eq3A_397 = arith.constant 0 : i32
    %eq3A_398 = arith.cmpi eq, %jit3A_396, %eq3A_397 : i32
    %jit3A_399 = arith.constant 1 : i32
    %select_n3A_400 = arith.select %eq3A_398, %jit3A_399, %jit3A_396 : i32
    %rem3A_401 = arith.remsi %add3A_371, %select_n3A_400 : i32
    %ne3A_402 = arith.constant 0 : i32
    %ne3A_403 = arith.cmpi ne, %rem3A_401, %ne3A_402 : i32
    %lt3A_404 = arith.constant 0 : i32
    %lt3A_405 = arith.cmpi slt, %rem3A_401, %lt3A_404 : i32
    %lt3A_406 = arith.constant 0 : i32
    %lt3A_407 = arith.cmpi slt, %select_n3A_400, %lt3A_406 : i32
    %ne3A_408 = arith.xori %lt3A_405, %lt3A_407 : i1
    %and3A_409 = arith.andi %ne3A_408, %ne3A_403 : i1
    %add3A_410 = arith.addi %rem3A_401, %select_n3A_400 : i32
    %select_n3A_411 = arith.select %and3A_409, %add3A_410, %rem3A_401 : i32
    %jit3A_412 = arith.constant 16 : i32
    %div3A_413 = arith.divsi %select_n3A_411, %jit3A_412 : i32
    %sign3A_414 = arith.constant 0 : i32
    %sign3A_415 = arith.cmpi sgt, %select_n3A_411, %sign3A_414 : i32
    %sign3A_416 = arith.extui %sign3A_415 : i1 to i32
    %sign3A_417 = arith.constant 0 : i32
    %sign3A_418 = arith.cmpi slt, %select_n3A_411, %sign3A_417 : i32
    %sign3A_419 = arith.extui %sign3A_418 : i1 to i32
    %sign3A_420 = arith.subi %sign3A_416, %sign3A_419 : i32
    %sign3A_421 = arith.constant 0 : i32
    %sign3A_422 = arith.cmpi sgt, %jit3A_412, %sign3A_421 : i32
    %sign3A_423 = arith.extui %sign3A_422 : i1 to i32
    %sign3A_424 = arith.constant 0 : i32
    %sign3A_425 = arith.cmpi slt, %jit3A_412, %sign3A_424 : i32
    %sign3A_426 = arith.extui %sign3A_425 : i1 to i32
    %sign3A_427 = arith.subi %sign3A_423, %sign3A_426 : i32
    %ne3A_428 = arith.cmpi ne, %sign3A_420, %sign3A_427 : i32
    %rem3A_429 = arith.remsi %select_n3A_411, %jit3A_412 : i32
    %ne3A_430 = arith.constant 0 : i32
    %ne3A_431 = arith.cmpi ne, %rem3A_429, %ne3A_430 : i32
    %and3A_432 = arith.andi %ne3A_428, %ne3A_431 : i1
    %sub3A_433 = arith.constant 1 : i32
    %sub3A_434 = arith.subi %div3A_413, %sub3A_433 : i32
    %select_n3A_435 = arith.select %and3A_432, %sub3A_434, %div3A_413 : i32
    %jit3A_436 = arith.constant 16 : i32
    %eq3A_437 = arith.constant 0 : i32
    %eq3A_438 = arith.cmpi eq, %jit3A_436, %eq3A_437 : i32
    %jit3A_439 = arith.constant 1 : i32
    %select_n3A_440 = arith.select %eq3A_438, %jit3A_439, %jit3A_436 : i32
    %rem3A_441 = arith.remsi %select_n3A_411, %select_n3A_440 : i32
    %ne3A_442 = arith.constant 0 : i32
    %ne3A_443 = arith.cmpi ne, %rem3A_441, %ne3A_442 : i32
    %lt3A_444 = arith.constant 0 : i32
    %lt3A_445 = arith.cmpi slt, %rem3A_441, %lt3A_444 : i32
    %lt3A_446 = arith.constant 0 : i32
    %lt3A_447 = arith.cmpi slt, %select_n3A_440, %lt3A_446 : i32
    %ne3A_448 = arith.xori %lt3A_445, %lt3A_447 : i1
    %and3A_449 = arith.andi %ne3A_448, %ne3A_443 : i1
    %add3A_450 = arith.addi %rem3A_441, %select_n3A_440 : i32
    %select_n3A_451 = arith.select %and3A_449, %add3A_450, %rem3A_441 : i32
    %mul3A_452 = arith.constant 64 : i32
    %mul3A_453 = arith.muli %select_n3A_451, %mul3A_452 : i32
    %mul3A_454 = arith.constant 8 : i32
    %mul3A_455 = arith.muli %select_n3A_395, %mul3A_454 : i32
    %add3A_456 = arith.addi %mul3A_455, %select_n3A_435 : i32
    %mul3A_457 = arith.constant 16384 : i32
    %mul3A_458 = arith.muli %add3A_456, %mul3A_457 : i32
    "tpu.region"() ({
      %run_scoped3A = tpu.sem_alloc : memref<!tpu.dma_semaphore, #tpu.memory_space<semaphore_mem>>
      %dma_start3A = tpu.memref_slice %arg2[%mul3A_458] : memref<262144xi32, #tpu.memory_space<hbm>> -> memref<16384xi32, #tpu.memory_space<hbm>>
      %dma_start3A_998 = tpu.memref_slice %arg2[%mul3A_458] : memref<262144xi32, #tpu.memory_space<hbm>> -> memref<16384xi32, #tpu.memory_space<hbm>>
      tpu.enqueue_dma source(%dma_start3A_998 : memref<16384xi32, #tpu.memory_space<hbm>>) target(%arg6 : memref<16384xi32, #tpu.memory_space<vmem>>) target_semaphore(%run_scoped3A : memref<!tpu.dma_semaphore, #tpu.memory_space<semaphore_mem>>)
      %dma_wait3A = tpu.memref_slice %arg2[%mul3A_458] : memref<262144xi32, #tpu.memory_space<hbm>> -> memref<16384xi32, #tpu.memory_space<hbm>>
      %dma_wait3A_999 = tpu.memref_slice %arg2[%mul3A_458] : memref<262144xi32, #tpu.memory_space<hbm>> -> memref<16384xi32, #tpu.memory_space<hbm>>
      tpu.wait_dma2 semaphore(%run_scoped3A : memref<!tpu.dma_semaphore, #tpu.memory_space<semaphore_mem>>) src(%dma_wait3A_999 : memref<16384xi32, #tpu.memory_space<hbm>>) dst(%arg6 : memref<16384xi32, #tpu.memory_space<vmem>>)
      tpu.yield
    }) : () -> ()
    %mul3A_459 = arith.constant 16384 : i32
    %mul3A_460 = arith.muli %add3A_456, %mul3A_459 : i32
    "tpu.region"() ({
      %run_scoped3A = tpu.sem_alloc : memref<!tpu.dma_semaphore, #tpu.memory_space<semaphore_mem>>
      %dma_start3A = tpu.memref_slice %arg3[%mul3A_460] : memref<262144xi32, #tpu.memory_space<hbm>> -> memref<16384xi32, #tpu.memory_space<hbm>>
      %dma_start3A_998 = tpu.memref_slice %arg3[%mul3A_460] : memref<262144xi32, #tpu.memory_space<hbm>> -> memref<16384xi32, #tpu.memory_space<hbm>>
      tpu.enqueue_dma source(%dma_start3A_998 : memref<16384xi32, #tpu.memory_space<hbm>>) target(%arg7 : memref<16384xi32, #tpu.memory_space<vmem>>) target_semaphore(%run_scoped3A : memref<!tpu.dma_semaphore, #tpu.memory_space<semaphore_mem>>)
      %dma_wait3A = tpu.memref_slice %arg3[%mul3A_460] : memref<262144xi32, #tpu.memory_space<hbm>> -> memref<16384xi32, #tpu.memory_space<hbm>>
      %dma_wait3A_999 = tpu.memref_slice %arg3[%mul3A_460] : memref<262144xi32, #tpu.memory_space<hbm>> -> memref<16384xi32, #tpu.memory_space<hbm>>
      tpu.wait_dma2 semaphore(%run_scoped3A : memref<!tpu.dma_semaphore, #tpu.memory_space<semaphore_mem>>) src(%dma_wait3A_999 : memref<16384xi32, #tpu.memory_space<hbm>>) dst(%arg7 : memref<16384xi32, #tpu.memory_space<vmem>>)
      tpu.yield
    }) : () -> ()
    "tpu.region"() ({
      %run_scoped3A = tpu.sem_alloc : memref<!tpu.dma_semaphore, #tpu.memory_space<semaphore_mem>>
      tpu.enqueue_dma source(%arg4 : memref<64x1024xf32, #tpu.memory_space<hbm>>) target(%arg8 : memref<64x1024xf32, #tpu.memory_space<vmem>>) target_semaphore(%run_scoped3A : memref<!tpu.dma_semaphore, #tpu.memory_space<semaphore_mem>>)
      tpu.wait_dma2 semaphore(%run_scoped3A : memref<!tpu.dma_semaphore, #tpu.memory_space<semaphore_mem>>) src(%arg4 : memref<64x1024xf32, #tpu.memory_space<hbm>>) dst(%arg8 : memref<64x1024xf32, #tpu.memory_space<vmem>>)
      tpu.yield
    }) : () -> ()
    %scan3A_461 = arith.constant 0 : i32
    %scan3A_462 = arith.constant 0 : i32
    %scan3A_463 = arith.constant 256 : i32
    %scan3A_464 = arith.addi %scan3A_462, %scan3A_463 : i32
    %scan3A_465 = arith.constant 1 : i32
    scf.for %scan3A_998 = %scan3A_462 to %scan3A_464 step %scan3A_465  : i32 {
      %mul3A_999 = arith.constant 64 : i32
      %mul3A_1000 = arith.muli %scan3A_998, %mul3A_999 : i32
      %add3A_1001 = arith.constant 0 : i32
      %add3A_1002 = arith.addi %mul3A_1000, %add3A_1001 : i32
      %get3A = arith.index_cast %add3A_1002 : i32 to index
      %get3A_1003 = tpu.vector_load %arg6[%get3A] {strides = array<i32>} : memref<16384xi32, #tpu.memory_space<vmem>>, vector<16xi32>,
      %sub3A_1004 = vector.broadcast %mul3A_453 : i32 to vector<16xi32>
      %sub3A_1005 = arith.subi %get3A_1003, %sub3A_1004 : vector<16xi32>
      %get3A_1006 = arith.index_cast %add3A_1002 : i32 to index
      %get3A_1007 = tpu.vector_load %arg7[%get3A_1006] {strides = array<i32>} : memref<16384xi32, #tpu.memory_space<vmem>>, vector<16xi32>,
      %ge3A = arith.constant 0 : i32
      %ge3A_1008 = vector.broadcast %ge3A : i32 to vector<16xi32>
      %ge3A_1009 = arith.cmpi sge, %sub3A_1005, %ge3A_1008 : vector<16xi32>
      %lt3A_1010 = arith.constant 64 : i32
      %lt3A_1011 = vector.broadcast %lt3A_1010 : i32 to vector<16xi32>
      %lt3A_1012 = arith.cmpi slt, %sub3A_1005, %lt3A_1011 : vector<16xi32>
      %and3A_1013 = arith.andi %ge3A_1009, %lt3A_1012 : vector<16xi1>
      tpu.vector_store_idx %arg8[%sub3A_1005, %get3A_1007], %broadcast_in_dim3A_1 masked %and3A_1013 {add = true} : memref<64x1024xf32, #tpu.memory_space<vmem>>[vector<16xi32>, vector<16xi32>], vector<16xf32>, vector<16xi1>
      %mul3A_1014 = arith.constant 64 : i32
      %mul3A_1015 = arith.muli %scan3A_998, %mul3A_1014 : i32
      %add3A_1016 = arith.constant 16 : i32
      %add3A_1017 = arith.addi %mul3A_1015, %add3A_1016 : i32
      %get3A_1018 = arith.index_cast %add3A_1017 : i32 to index
      %get3A_1019 = tpu.vector_load %arg6[%get3A_1018] {strides = array<i32>} : memref<16384xi32, #tpu.memory_space<vmem>>, vector<16xi32>,
      %sub3A_1020 = vector.broadcast %mul3A_453 : i32 to vector<16xi32>
      %sub3A_1021 = arith.subi %get3A_1019, %sub3A_1020 : vector<16xi32>
      %get3A_1022 = arith.index_cast %add3A_1017 : i32 to index
      %get3A_1023 = tpu.vector_load %arg7[%get3A_1022] {strides = array<i32>} : memref<16384xi32, #tpu.memory_space<vmem>>, vector<16xi32>,
      %ge3A_1024 = arith.constant 0 : i32
      %ge3A_1025 = vector.broadcast %ge3A_1024 : i32 to vector<16xi32>
      %ge3A_1026 = arith.cmpi sge, %sub3A_1021, %ge3A_1025 : vector<16xi32>
      %lt3A_1027 = arith.constant 64 : i32
      %lt3A_1028 = vector.broadcast %lt3A_1027 : i32 to vector<16xi32>
      %lt3A_1029 = arith.cmpi slt, %sub3A_1021, %lt3A_1028 : vector<16xi32>
      %and3A_1030 = arith.andi %ge3A_1026, %lt3A_1029 : vector<16xi1>
      tpu.vector_store_idx %arg8[%sub3A_1021, %get3A_1023], %broadcast_in_dim3A_1 masked %and3A_1030 {add = true} : memref<64x1024xf32, #tpu.memory_space<vmem>>[vector<16xi32>, vector<16xi32>], vector<16xf32>, vector<16xi1>
      %mul3A_1031 = arith.constant 64 : i32
      %mul3A_1032 = arith.muli %scan3A_998, %mul3A_1031 : i32
      %add3A_1033 = arith.constant 32 : i32
      %add3A_1034 = arith.addi %mul3A_1032, %add3A_1033 : i32
      %get3A_1035 = arith.index_cast %add3A_1034 : i32 to index
      %get3A_1036 = tpu.vector_load %arg6[%get3A_1035] {strides = array<i32>} : memref<16384xi32, #tpu.memory_space<vmem>>, vector<16xi32>,
      %sub3A_1037 = vector.broadcast %mul3A_453 : i32 to vector<16xi32>
      %sub3A_1038 = arith.subi %get3A_1036, %sub3A_1037 : vector<16xi32>
      %get3A_1039 = arith.index_cast %add3A_1034 : i32 to index
      %get3A_1040 = tpu.vector_load %arg7[%get3A_1039] {strides = array<i32>} : memref<16384xi32, #tpu.memory_space<vmem>>, vector<16xi32>,
      %ge3A_1041 = arith.constant 0 : i32
      %ge3A_1042 = vector.broadcast %ge3A_1041 : i32 to vector<16xi32>
      %ge3A_1043 = arith.cmpi sge, %sub3A_1038, %ge3A_1042 : vector<16xi32>
      %lt3A_1044 = arith.constant 64 : i32
      %lt3A_1045 = vector.broadcast %lt3A_1044 : i32 to vector<16xi32>
      %lt3A_1046 = arith.cmpi slt, %sub3A_1038, %lt3A_1045 : vector<16xi32>
      %and3A_1047 = arith.andi %ge3A_1043, %lt3A_1046 : vector<16xi1>
      tpu.vector_store_idx %arg8[%sub3A_1038, %get3A_1040], %broadcast_in_dim3A_1 masked %and3A_1047 {add = true} : memref<64x1024xf32, #tpu.memory_space<vmem>>[vector<16xi32>, vector<16xi32>], vector<16xf32>, vector<16xi1>
      %mul3A_1048 = arith.constant 64 : i32
      %mul3A_1049 = arith.muli %scan3A_998, %mul3A_1048 : i32
      %add3A_1050 = arith.constant 48 : i32
      %add3A_1051 = arith.addi %mul3A_1049, %add3A_1050 : i32
      %get3A_1052 = arith.index_cast %add3A_1051 : i32 to index
      %get3A_1053 = tpu.vector_load %arg6[%get3A_1052] {strides = array<i32>} : memref<16384xi32, #tpu.memory_space<vmem>>, vector<16xi32>,
      %sub3A_1054 = vector.broadcast %mul3A_453 : i32 to vector<16xi32>
      %sub3A_1055 = arith.subi %get3A_1053, %sub3A_1054 : vector<16xi32>
      %get3A_1056 = arith.index_cast %add3A_1051 : i32 to index
      %get3A_1057 = tpu.vector_load %arg7[%get3A_1056] {strides = array<i32>} : memref<16384xi32, #tpu.memory_space<vmem>>, vector<16xi32>,
      %ge3A_1058 = arith.constant 0 : i32
      %ge3A_1059 = vector.broadcast %ge3A_1058 : i32 to vector<16xi32>
      %ge3A_1060 = arith.cmpi sge, %sub3A_1055, %ge3A_1059 : vector<16xi32>
      %lt3A_1061 = arith.constant 64 : i32
      %lt3A_1062 = vector.broadcast %lt3A_1061 : i32 to vector<16xi32>
      %lt3A_1063 = arith.cmpi slt, %sub3A_1055, %lt3A_1062 : vector<16xi32>
      %and3A_1064 = arith.andi %ge3A_1060, %lt3A_1063 : vector<16xi1>
      tpu.vector_store_idx %arg8[%sub3A_1055, %get3A_1057], %broadcast_in_dim3A_1 masked %and3A_1064 {add = true} : memref<64x1024xf32, #tpu.memory_space<vmem>>[vector<16xi32>, vector<16xi32>], vector<16xf32>, vector<16xi1>
    }
    %scan3A_466 = arith.constant 256 : i32
    %iota3A_467 = tpu.iota {dimensions = array<i32: 0>} : vector<16xi32>
    %add3A_468 = arith.constant 0 : i32
    %add3A_469 = vector.broadcast %add3A_468 : i32 to vector<16xi32>
    %add3A_470 = arith.addi %iota3A_467, %add3A_469 : vector<16xi32>
    %add3A_471 = vector.broadcast %mul3A_453 : i32 to vector<16xi32>
    %add3A_472 = arith.addi %add3A_470, %add3A_471 : vector<16xi32>
    tpu.vector_store_idx %arg8[%add3A_470, %add3A_472], %broadcast_in_dim3A_1 {add = true} : memref<64x1024xf32, #tpu.memory_space<vmem>>[vector<16xi32>, vector<16xi32>], vector<16xf32>,
    %iota3A_473 = tpu.iota {dimensions = array<i32: 0>} : vector<16xi32>
    %add3A_474 = arith.constant 16 : i32
    %add3A_475 = vector.broadcast %add3A_474 : i32 to vector<16xi32>
    %add3A_476 = arith.addi %iota3A_473, %add3A_475 : vector<16xi32>
    %add3A_477 = vector.broadcast %mul3A_453 : i32 to vector<16xi32>
    %add3A_478 = arith.addi %add3A_476, %add3A_477 : vector<16xi32>
    tpu.vector_store_idx %arg8[%add3A_476, %add3A_478], %broadcast_in_dim3A_1 {add = true} : memref<64x1024xf32, #tpu.memory_space<vmem>>[vector<16xi32>, vector<16xi32>], vector<16xf32>,
    %iota3A_479 = tpu.iota {dimensions = array<i32: 0>} : vector<16xi32>
    %add3A_480 = arith.constant 32 : i32
    %add3A_481 = vector.broadcast %add3A_480 : i32 to vector<16xi32>
    %add3A_482 = arith.addi %iota3A_479, %add3A_481 : vector<16xi32>
    %add3A_483 = vector.broadcast %mul3A_453 : i32 to vector<16xi32>
    %add3A_484 = arith.addi %add3A_482, %add3A_483 : vector<16xi32>
    tpu.vector_store_idx %arg8[%add3A_482, %add3A_484], %broadcast_in_dim3A_1 {add = true} : memref<64x1024xf32, #tpu.memory_space<vmem>>[vector<16xi32>, vector<16xi32>], vector<16xf32>,
    %iota3A_485 = tpu.iota {dimensions = array<i32: 0>} : vector<16xi32>
    %add3A_486 = arith.constant 48 : i32
    %add3A_487 = vector.broadcast %add3A_486 : i32 to vector<16xi32>
    %add3A_488 = arith.addi %iota3A_485, %add3A_487 : vector<16xi32>
    %add3A_489 = vector.broadcast %mul3A_453 : i32 to vector<16xi32>
    %add3A_490 = arith.addi %add3A_488, %add3A_489 : vector<16xi32>
    tpu.vector_store_idx %arg8[%add3A_488, %add3A_490], %broadcast_in_dim3A_1 {add = true} : memref<64x1024xf32, #tpu.memory_space<vmem>>[vector<16xi32>, vector<16xi32>], vector<16xf32>,
    %mul3A_491 = arith.constant 1024 : i32
    %mul3A_492 = arith.muli %add3A_456, %mul3A_491 : i32
    %add3A_493 = arith.addi %mul3A_492, %mul3A_453 : i32
    "tpu.region"() ({
      %run_scoped3A = tpu.sem_alloc : memref<!tpu.dma_semaphore, #tpu.memory_space<semaphore_mem>>
      %dma_start3A = arith.constant 0 : i32
      %dma_start3A_998 = tpu.memref_slice %arg5[%add3A_493, %dma_start3A] : memref<16384x1024xf32, #tpu.memory_space<hbm>> -> memref<64x1024xf32, #tpu.memory_space<hbm>>
      %dma_start3A_999 = arith.constant 0 : i32
      %dma_start3A_1000 = tpu.memref_slice %arg5[%add3A_493, %dma_start3A_999] : memref<16384x1024xf32, #tpu.memory_space<hbm>> -> memref<64x1024xf32, #tpu.memory_space<hbm>>
      tpu.enqueue_dma source(%arg8 : memref<64x1024xf32, #tpu.memory_space<vmem>>) target(%dma_start3A_1000 : memref<64x1024xf32, #tpu.memory_space<hbm>>) target_semaphore(%run_scoped3A : memref<!tpu.dma_semaphore, #tpu.memory_space<semaphore_mem>>)
      %dma_wait3A = arith.constant 0 : i32
      %dma_wait3A_1001 = tpu.memref_slice %arg5[%add3A_493, %dma_wait3A] : memref<16384x1024xf32, #tpu.memory_space<hbm>> -> memref<64x1024xf32, #tpu.memory_space<hbm>>
      %dma_wait3A_1002 = arith.constant 0 : i32
      %dma_wait3A_1003 = tpu.memref_slice %arg5[%add3A_493, %dma_wait3A_1002] : memref<16384x1024xf32, #tpu.memory_space<hbm>> -> memref<64x1024xf32, #tpu.memory_space<hbm>>
      tpu.wait_dma2 semaphore(%run_scoped3A : memref<!tpu.dma_semaphore, #tpu.memory_space<semaphore_mem>>) src(%arg8 : memref<64x1024xf32, #tpu.memory_space<vmem>>) dst(%dma_wait3A_1003 : memref<64x1024xf32, #tpu.memory_space<hbm>>)
      tpu.yield
    }) : () -> ()
    %mul3A_494 = arith.constant 8 : i32
    %mul3A_495 = arith.muli %add3A, %mul3A_494 : i32
    %add3A_496 = arith.constant 4 : i32
    %add3A_497 = arith.addi %mul3A_495, %add3A_496 : i32
    %jit3A_498 = arith.constant 128 : i32
    %div3A_499 = arith.divsi %add3A_497, %jit3A_498 : i32
    %sign3A_500 = arith.constant 0 : i32
    %sign3A_501 = arith.cmpi sgt, %add3A_497, %sign3A_500 : i32
    %sign3A_502 = arith.extui %sign3A_501 : i1 to i32
    %sign3A_503 = arith.constant 0 : i32
    %sign3A_504 = arith.cmpi slt, %add3A_497, %sign3A_503 : i32
    %sign3A_505 = arith.extui %sign3A_504 : i1 to i32
    %sign3A_506 = arith.subi %sign3A_502, %sign3A_505 : i32
    %sign3A_507 = arith.constant 0 : i32
    %sign3A_508 = arith.cmpi sgt, %jit3A_498, %sign3A_507 : i32
    %sign3A_509 = arith.extui %sign3A_508 : i1 to i32
    %sign3A_510 = arith.constant 0 : i32
    %sign3A_511 = arith.cmpi slt, %jit3A_498, %sign3A_510 : i32
    %sign3A_512 = arith.extui %sign3A_511 : i1 to i32
    %sign3A_513 = arith.subi %sign3A_509, %sign3A_512 : i32
    %ne3A_514 = arith.cmpi ne, %sign3A_506, %sign3A_513 : i32
    %rem3A_515 = arith.remsi %add3A_497, %jit3A_498 : i32
    %ne3A_516 = arith.constant 0 : i32
    %ne3A_517 = arith.cmpi ne, %rem3A_515, %ne3A_516 : i32
    %and3A_518 = arith.andi %ne3A_514, %ne3A_517 : i1
    %sub3A_519 = arith.constant 1 : i32
    %sub3A_520 = arith.subi %div3A_499, %sub3A_519 : i32
    %select_n3A_521 = arith.select %and3A_518, %sub3A_520, %div3A_499 : i32
    %jit3A_522 = arith.constant 128 : i32
    %eq3A_523 = arith.constant 0 : i32
    %eq3A_524 = arith.cmpi eq, %jit3A_522, %eq3A_523 : i32
    %jit3A_525 = arith.constant 1 : i32
    %select_n3A_526 = arith.select %eq3A_524, %jit3A_525, %jit3A_522 : i32
    %rem3A_527 = arith.remsi %add3A_497, %select_n3A_526 : i32
    %ne3A_528 = arith.constant 0 : i32
    %ne3A_529 = arith.cmpi ne, %rem3A_527, %ne3A_528 : i32
    %lt3A_530 = arith.constant 0 : i32
    %lt3A_531 = arith.cmpi slt, %rem3A_527, %lt3A_530 : i32
    %lt3A_532 = arith.constant 0 : i32
    %lt3A_533 = arith.cmpi slt, %select_n3A_526, %lt3A_532 : i32
    %ne3A_534 = arith.xori %lt3A_531, %lt3A_533 : i1
    %and3A_535 = arith.andi %ne3A_534, %ne3A_529 : i1
    %add3A_536 = arith.addi %rem3A_527, %select_n3A_526 : i32
    %select_n3A_537 = arith.select %and3A_535, %add3A_536, %rem3A_527 : i32
    %jit3A_538 = arith.constant 16 : i32
    %div3A_539 = arith.divsi %select_n3A_537, %jit3A_538 : i32
    %sign3A_540 = arith.constant 0 : i32
    %sign3A_541 = arith.cmpi sgt, %select_n3A_537, %sign3A_540 : i32
    %sign3A_542 = arith.extui %sign3A_541 : i1 to i32
    %sign3A_543 = arith.constant 0 : i32
    %sign3A_544 = arith.cmpi slt, %select_n3A_537, %sign3A_543 : i32
    %sign3A_545 = arith.extui %sign3A_544 : i1 to i32
    %sign3A_546 = arith.subi %sign3A_542, %sign3A_545 : i32
    %sign3A_547 = arith.constant 0 : i32
    %sign3A_548 = arith.cmpi sgt, %jit3A_538, %sign3A_547 : i32
    %sign3A_549 = arith.extui %sign3A_548 : i1 to i32
    %sign3A_550 = arith.constant 0 : i32
    %sign3A_551 = arith.cmpi slt, %jit3A_538, %sign3A_550 : i32
    %sign3A_552 = arith.extui %sign3A_551 : i1 to i32
    %sign3A_553 = arith.subi %sign3A_549, %sign3A_552 : i32
    %ne3A_554 = arith.cmpi ne, %sign3A_546, %sign3A_553 : i32
    %rem3A_555 = arith.remsi %select_n3A_537, %jit3A_538 : i32
    %ne3A_556 = arith.constant 0 : i32
    %ne3A_557 = arith.cmpi ne, %rem3A_555, %ne3A_556 : i32
    %and3A_558 = arith.andi %ne3A_554, %ne3A_557 : i1
    %sub3A_559 = arith.constant 1 : i32
    %sub3A_560 = arith.subi %div3A_539, %sub3A_559 : i32
    %select_n3A_561 = arith.select %and3A_558, %sub3A_560, %div3A_539 : i32
    %jit3A_562 = arith.constant 16 : i32
    %eq3A_563 = arith.constant 0 : i32
    %eq3A_564 = arith.cmpi eq, %jit3A_562, %eq3A_563 : i32
    %jit3A_565 = arith.constant 1 : i32
    %select_n3A_566 = arith.select %eq3A_564, %jit3A_565, %jit3A_562 : i32
    %rem3A_567 = arith.remsi %select_n3A_537, %select_n3A_566 : i32
    %ne3A_568 = arith.constant 0 : i32
    %ne3A_569 = arith.cmpi ne, %rem3A_567, %ne3A_568 : i32
    %lt3A_570 = arith.constant 0 : i32
    %lt3A_571 = arith.cmpi slt, %rem3A_567, %lt3A_570 : i32
    %lt3A_572 = arith.constant 0 : i32
    %lt3A_573 = arith.cmpi slt, %select_n3A_566, %lt3A_572 : i32
    %ne3A_574 = arith.xori %lt3A_571, %lt3A_573 : i1
    %and3A_575 = arith.andi %ne3A_574, %ne3A_569 : i1
    %add3A_576 = arith.addi %rem3A_567, %select_n3A_566 : i32
    %select_n3A_577 = arith.select %and3A_575, %add3A_576, %rem3A_567 : i32
    %mul3A_578 = arith.constant 64 : i32
    %mul3A_579 = arith.muli %select_n3A_577, %mul3A_578 : i32
    %mul3A_580 = arith.constant 8 : i32
    %mul3A_581 = arith.muli %select_n3A_521, %mul3A_580 : i32
    %add3A_582 = arith.addi %mul3A_581, %select_n3A_561 : i32
    %mul3A_583 = arith.constant 16384 : i32
    %mul3A_584 = arith.muli %add3A_582, %mul3A_583 : i32
    "tpu.region"() ({
      %run_scoped3A = tpu.sem_alloc : memref<!tpu.dma_semaphore, #tpu.memory_space<semaphore_mem>>
      %dma_start3A = tpu.memref_slice %arg2[%mul3A_584] : memref<262144xi32, #tpu.memory_space<hbm>> -> memref<16384xi32, #tpu.memory_space<hbm>>
      %dma_start3A_998 = tpu.memref_slice %arg2[%mul3A_584] : memref<262144xi32, #tpu.memory_space<hbm>> -> memref<16384xi32, #tpu.memory_space<hbm>>
      tpu.enqueue_dma source(%dma_start3A_998 : memref<16384xi32, #tpu.memory_space<hbm>>) target(%arg6 : memref<16384xi32, #tpu.memory_space<vmem>>) target_semaphore(%run_scoped3A : memref<!tpu.dma_semaphore, #tpu.memory_space<semaphore_mem>>)
      %dma_wait3A = tpu.memref_slice %arg2[%mul3A_584] : memref<262144xi32, #tpu.memory_space<hbm>> -> memref<16384xi32, #tpu.memory_space<hbm>>
      %dma_wait3A_999 = tpu.memref_slice %arg2[%mul3A_584] : memref<262144xi32, #tpu.memory_space<hbm>> -> memref<16384xi32, #tpu.memory_space<hbm>>
      tpu.wait_dma2 semaphore(%run_scoped3A : memref<!tpu.dma_semaphore, #tpu.memory_space<semaphore_mem>>) src(%dma_wait3A_999 : memref<16384xi32, #tpu.memory_space<hbm>>) dst(%arg6 : memref<16384xi32, #tpu.memory_space<vmem>>)
      tpu.yield
    }) : () -> ()
    %mul3A_585 = arith.constant 16384 : i32
    %mul3A_586 = arith.muli %add3A_582, %mul3A_585 : i32
    "tpu.region"() ({
      %run_scoped3A = tpu.sem_alloc : memref<!tpu.dma_semaphore, #tpu.memory_space<semaphore_mem>>
      %dma_start3A = tpu.memref_slice %arg3[%mul3A_586] : memref<262144xi32, #tpu.memory_space<hbm>> -> memref<16384xi32, #tpu.memory_space<hbm>>
      %dma_start3A_998 = tpu.memref_slice %arg3[%mul3A_586] : memref<262144xi32, #tpu.memory_space<hbm>> -> memref<16384xi32, #tpu.memory_space<hbm>>
      tpu.enqueue_dma source(%dma_start3A_998 : memref<16384xi32, #tpu.memory_space<hbm>>) target(%arg7 : memref<16384xi32, #tpu.memory_space<vmem>>) target_semaphore(%run_scoped3A : memref<!tpu.dma_semaphore, #tpu.memory_space<semaphore_mem>>)
      %dma_wait3A = tpu.memref_slice %arg3[%mul3A_586] : memref<262144xi32, #tpu.memory_space<hbm>> -> memref<16384xi32, #tpu.memory_space<hbm>>
      %dma_wait3A_999 = tpu.memref_slice %arg3[%mul3A_586] : memref<262144xi32, #tpu.memory_space<hbm>> -> memref<16384xi32, #tpu.memory_space<hbm>>
      tpu.wait_dma2 semaphore(%run_scoped3A : memref<!tpu.dma_semaphore, #tpu.memory_space<semaphore_mem>>) src(%dma_wait3A_999 : memref<16384xi32, #tpu.memory_space<hbm>>) dst(%arg7 : memref<16384xi32, #tpu.memory_space<vmem>>)
      tpu.yield
    }) : () -> ()
    "tpu.region"() ({
      %run_scoped3A = tpu.sem_alloc : memref<!tpu.dma_semaphore, #tpu.memory_space<semaphore_mem>>
      tpu.enqueue_dma source(%arg4 : memref<64x1024xf32, #tpu.memory_space<hbm>>) target(%arg8 : memref<64x1024xf32, #tpu.memory_space<vmem>>) target_semaphore(%run_scoped3A : memref<!tpu.dma_semaphore, #tpu.memory_space<semaphore_mem>>)
      tpu.wait_dma2 semaphore(%run_scoped3A : memref<!tpu.dma_semaphore, #tpu.memory_space<semaphore_mem>>) src(%arg4 : memref<64x1024xf32, #tpu.memory_space<hbm>>) dst(%arg8 : memref<64x1024xf32, #tpu.memory_space<vmem>>)
      tpu.yield
    }) : () -> ()
    %scan3A_587 = arith.constant 0 : i32
    %scan3A_588 = arith.constant 0 : i32
    %scan3A_589 = arith.constant 256 : i32
    %scan3A_590 = arith.addi %scan3A_588, %scan3A_589 : i32
    %scan3A_591 = arith.constant 1 : i32
    scf.for %scan3A_998 = %scan3A_588 to %scan3A_590 step %scan3A_591  : i32 {
      %mul3A_999 = arith.constant 64 : i32
      %mul3A_1000 = arith.muli %scan3A_998, %mul3A_999 : i32
      %add3A_1001 = arith.constant 0 : i32
      %add3A_1002 = arith.addi %mul3A_1000, %add3A_1001 : i32
      %get3A = arith.index_cast %add3A_1002 : i32 to index
      %get3A_1003 = tpu.vector_load %arg6[%get3A] {strides = array<i32>} : memref<16384xi32, #tpu.memory_space<vmem>>, vector<16xi32>,
      %sub3A_1004 = vector.broadcast %mul3A_579 : i32 to vector<16xi32>
      %sub3A_1005 = arith.subi %get3A_1003, %sub3A_1004 : vector<16xi32>
      %get3A_1006 = arith.index_cast %add3A_1002 : i32 to index
      %get3A_1007 = tpu.vector_load %arg7[%get3A_1006] {strides = array<i32>} : memref<16384xi32, #tpu.memory_space<vmem>>, vector<16xi32>,
      %ge3A = arith.constant 0 : i32
      %ge3A_1008 = vector.broadcast %ge3A : i32 to vector<16xi32>
      %ge3A_1009 = arith.cmpi sge, %sub3A_1005, %ge3A_1008 : vector<16xi32>
      %lt3A_1010 = arith.constant 64 : i32
      %lt3A_1011 = vector.broadcast %lt3A_1010 : i32 to vector<16xi32>
      %lt3A_1012 = arith.cmpi slt, %sub3A_1005, %lt3A_1011 : vector<16xi32>
      %and3A_1013 = arith.andi %ge3A_1009, %lt3A_1012 : vector<16xi1>
      tpu.vector_store_idx %arg8[%sub3A_1005, %get3A_1007], %broadcast_in_dim3A_1 masked %and3A_1013 {add = true} : memref<64x1024xf32, #tpu.memory_space<vmem>>[vector<16xi32>, vector<16xi32>], vector<16xf32>, vector<16xi1>
      %mul3A_1014 = arith.constant 64 : i32
      %mul3A_1015 = arith.muli %scan3A_998, %mul3A_1014 : i32
      %add3A_1016 = arith.constant 16 : i32
      %add3A_1017 = arith.addi %mul3A_1015, %add3A_1016 : i32
      %get3A_1018 = arith.index_cast %add3A_1017 : i32 to index
      %get3A_1019 = tpu.vector_load %arg6[%get3A_1018] {strides = array<i32>} : memref<16384xi32, #tpu.memory_space<vmem>>, vector<16xi32>,
      %sub3A_1020 = vector.broadcast %mul3A_579 : i32 to vector<16xi32>
      %sub3A_1021 = arith.subi %get3A_1019, %sub3A_1020 : vector<16xi32>
      %get3A_1022 = arith.index_cast %add3A_1017 : i32 to index
      %get3A_1023 = tpu.vector_load %arg7[%get3A_1022] {strides = array<i32>} : memref<16384xi32, #tpu.memory_space<vmem>>, vector<16xi32>,
      %ge3A_1024 = arith.constant 0 : i32
      %ge3A_1025 = vector.broadcast %ge3A_1024 : i32 to vector<16xi32>
      %ge3A_1026 = arith.cmpi sge, %sub3A_1021, %ge3A_1025 : vector<16xi32>
      %lt3A_1027 = arith.constant 64 : i32
      %lt3A_1028 = vector.broadcast %lt3A_1027 : i32 to vector<16xi32>
      %lt3A_1029 = arith.cmpi slt, %sub3A_1021, %lt3A_1028 : vector<16xi32>
      %and3A_1030 = arith.andi %ge3A_1026, %lt3A_1029 : vector<16xi1>
      tpu.vector_store_idx %arg8[%sub3A_1021, %get3A_1023], %broadcast_in_dim3A_1 masked %and3A_1030 {add = true} : memref<64x1024xf32, #tpu.memory_space<vmem>>[vector<16xi32>, vector<16xi32>], vector<16xf32>, vector<16xi1>
      %mul3A_1031 = arith.constant 64 : i32
      %mul3A_1032 = arith.muli %scan3A_998, %mul3A_1031 : i32
      %add3A_1033 = arith.constant 32 : i32
      %add3A_1034 = arith.addi %mul3A_1032, %add3A_1033 : i32
      %get3A_1035 = arith.index_cast %add3A_1034 : i32 to index
      %get3A_1036 = tpu.vector_load %arg6[%get3A_1035] {strides = array<i32>} : memref<16384xi32, #tpu.memory_space<vmem>>, vector<16xi32>,
      %sub3A_1037 = vector.broadcast %mul3A_579 : i32 to vector<16xi32>
      %sub3A_1038 = arith.subi %get3A_1036, %sub3A_1037 : vector<16xi32>
      %get3A_1039 = arith.index_cast %add3A_1034 : i32 to index
      %get3A_1040 = tpu.vector_load %arg7[%get3A_1039] {strides = array<i32>} : memref<16384xi32, #tpu.memory_space<vmem>>, vector<16xi32>,
      %ge3A_1041 = arith.constant 0 : i32
      %ge3A_1042 = vector.broadcast %ge3A_1041 : i32 to vector<16xi32>
      %ge3A_1043 = arith.cmpi sge, %sub3A_1038, %ge3A_1042 : vector<16xi32>
      %lt3A_1044 = arith.constant 64 : i32
      %lt3A_1045 = vector.broadcast %lt3A_1044 : i32 to vector<16xi32>
      %lt3A_1046 = arith.cmpi slt, %sub3A_1038, %lt3A_1045 : vector<16xi32>
      %and3A_1047 = arith.andi %ge3A_1043, %lt3A_1046 : vector<16xi1>
      tpu.vector_store_idx %arg8[%sub3A_1038, %get3A_1040], %broadcast_in_dim3A_1 masked %and3A_1047 {add = true} : memref<64x1024xf32, #tpu.memory_space<vmem>>[vector<16xi32>, vector<16xi32>], vector<16xf32>, vector<16xi1>
      %mul3A_1048 = arith.constant 64 : i32
      %mul3A_1049 = arith.muli %scan3A_998, %mul3A_1048 : i32
      %add3A_1050 = arith.constant 48 : i32
      %add3A_1051 = arith.addi %mul3A_1049, %add3A_1050 : i32
      %get3A_1052 = arith.index_cast %add3A_1051 : i32 to index
      %get3A_1053 = tpu.vector_load %arg6[%get3A_1052] {strides = array<i32>} : memref<16384xi32, #tpu.memory_space<vmem>>, vector<16xi32>,
      %sub3A_1054 = vector.broadcast %mul3A_579 : i32 to vector<16xi32>
      %sub3A_1055 = arith.subi %get3A_1053, %sub3A_1054 : vector<16xi32>
      %get3A_1056 = arith.index_cast %add3A_1051 : i32 to index
      %get3A_1057 = tpu.vector_load %arg7[%get3A_1056] {strides = array<i32>} : memref<16384xi32, #tpu.memory_space<vmem>>, vector<16xi32>,
      %ge3A_1058 = arith.constant 0 : i32
      %ge3A_1059 = vector.broadcast %ge3A_1058 : i32 to vector<16xi32>
      %ge3A_1060 = arith.cmpi sge, %sub3A_1055, %ge3A_1059 : vector<16xi32>
      %lt3A_1061 = arith.constant 64 : i32
      %lt3A_1062 = vector.broadcast %lt3A_1061 : i32 to vector<16xi32>
      %lt3A_1063 = arith.cmpi slt, %sub3A_1055, %lt3A_1062 : vector<16xi32>
      %and3A_1064 = arith.andi %ge3A_1060, %lt3A_1063 : vector<16xi1>
      tpu.vector_store_idx %arg8[%sub3A_1055, %get3A_1057], %broadcast_in_dim3A_1 masked %and3A_1064 {add = true} : memref<64x1024xf32, #tpu.memory_space<vmem>>[vector<16xi32>, vector<16xi32>], vector<16xf32>, vector<16xi1>
    }
    %scan3A_592 = arith.constant 256 : i32
    %iota3A_593 = tpu.iota {dimensions = array<i32: 0>} : vector<16xi32>
    %add3A_594 = arith.constant 0 : i32
    %add3A_595 = vector.broadcast %add3A_594 : i32 to vector<16xi32>
    %add3A_596 = arith.addi %iota3A_593, %add3A_595 : vector<16xi32>
    %add3A_597 = vector.broadcast %mul3A_579 : i32 to vector<16xi32>
    %add3A_598 = arith.addi %add3A_596, %add3A_597 : vector<16xi32>
    tpu.vector_store_idx %arg8[%add3A_596, %add3A_598], %broadcast_in_dim3A_1 {add = true} : memref<64x1024xf32, #tpu.memory_space<vmem>>[vector<16xi32>, vector<16xi32>], vector<16xf32>,
    %iota3A_599 = tpu.iota {dimensions = array<i32: 0>} : vector<16xi32>
    %add3A_600 = arith.constant 16 : i32
    %add3A_601 = vector.broadcast %add3A_600 : i32 to vector<16xi32>
    %add3A_602 = arith.addi %iota3A_599, %add3A_601 : vector<16xi32>
    %add3A_603 = vector.broadcast %mul3A_579 : i32 to vector<16xi32>
    %add3A_604 = arith.addi %add3A_602, %add3A_603 : vector<16xi32>
    tpu.vector_store_idx %arg8[%add3A_602, %add3A_604], %broadcast_in_dim3A_1 {add = true} : memref<64x1024xf32, #tpu.memory_space<vmem>>[vector<16xi32>, vector<16xi32>], vector<16xf32>,
    %iota3A_605 = tpu.iota {dimensions = array<i32: 0>} : vector<16xi32>
    %add3A_606 = arith.constant 32 : i32
    %add3A_607 = vector.broadcast %add3A_606 : i32 to vector<16xi32>
    %add3A_608 = arith.addi %iota3A_605, %add3A_607 : vector<16xi32>
    %add3A_609 = vector.broadcast %mul3A_579 : i32 to vector<16xi32>
    %add3A_610 = arith.addi %add3A_608, %add3A_609 : vector<16xi32>
    tpu.vector_store_idx %arg8[%add3A_608, %add3A_610], %broadcast_in_dim3A_1 {add = true} : memref<64x1024xf32, #tpu.memory_space<vmem>>[vector<16xi32>, vector<16xi32>], vector<16xf32>,
    %iota3A_611 = tpu.iota {dimensions = array<i32: 0>} : vector<16xi32>
    %add3A_612 = arith.constant 48 : i32
    %add3A_613 = vector.broadcast %add3A_612 : i32 to vector<16xi32>
    %add3A_614 = arith.addi %iota3A_611, %add3A_613 : vector<16xi32>
    %add3A_615 = vector.broadcast %mul3A_579 : i32 to vector<16xi32>
    %add3A_616 = arith.addi %add3A_614, %add3A_615 : vector<16xi32>
    tpu.vector_store_idx %arg8[%add3A_614, %add3A_616], %broadcast_in_dim3A_1 {add = true} : memref<64x1024xf32, #tpu.memory_space<vmem>>[vector<16xi32>, vector<16xi32>], vector<16xf32>,
    %mul3A_617 = arith.constant 1024 : i32
    %mul3A_618 = arith.muli %add3A_582, %mul3A_617 : i32
    %add3A_619 = arith.addi %mul3A_618, %mul3A_579 : i32
    "tpu.region"() ({
      %run_scoped3A = tpu.sem_alloc : memref<!tpu.dma_semaphore, #tpu.memory_space<semaphore_mem>>
      %dma_start3A = arith.constant 0 : i32
      %dma_start3A_998 = tpu.memref_slice %arg5[%add3A_619, %dma_start3A] : memref<16384x1024xf32, #tpu.memory_space<hbm>> -> memref<64x1024xf32, #tpu.memory_space<hbm>>
      %dma_start3A_999 = arith.constant 0 : i32
      %dma_start3A_1000 = tpu.memref_slice %arg5[%add3A_619, %dma_start3A_999] : memref<16384x1024xf32, #tpu.memory_space<hbm>> -> memref<64x1024xf32, #tpu.memory_space<hbm>>
      tpu.enqueue_dma source(%arg8 : memref<64x1024xf32, #tpu.memory_space<vmem>>) target(%dma_start3A_1000 : memref<64x1024xf32, #tpu.memory_space<hbm>>) target_semaphore(%run_scoped3A : memref<!tpu.dma_semaphore, #tpu.memory_space<semaphore_mem>>)
      %dma_wait3A = arith.constant 0 : i32
      %dma_wait3A_1001 = tpu.memref_slice %arg5[%add3A_619, %dma_wait3A] : memref<16384x1024xf32, #tpu.memory_space<hbm>> -> memref<64x1024xf32, #tpu.memory_space<hbm>>
      %dma_wait3A_1002 = arith.constant 0 : i32
      %dma_wait3A_1003 = tpu.memref_slice %arg5[%add3A_619, %dma_wait3A_1002] : memref<16384x1024xf32, #tpu.memory_space<hbm>> -> memref<64x1024xf32, #tpu.memory_space<hbm>>
      tpu.wait_dma2 semaphore(%run_scoped3A : memref<!tpu.dma_semaphore, #tpu.memory_space<semaphore_mem>>) src(%arg8 : memref<64x1024xf32, #tpu.memory_space<vmem>>) dst(%dma_wait3A_1003 : memref<64x1024xf32, #tpu.memory_space<hbm>>)
      tpu.yield
    }) : () -> ()
    %mul3A_620 = arith.constant 8 : i32
    %mul3A_621 = arith.muli %add3A, %mul3A_620 : i32
    %add3A_622 = arith.constant 5 : i32
    %add3A_623 = arith.addi %mul3A_621, %add3A_622 : i32
    %jit3A_624 = arith.constant 128 : i32
    %div3A_625 = arith.divsi %add3A_623, %jit3A_624 : i32
    %sign3A_626 = arith.constant 0 : i32
    %sign3A_627 = arith.cmpi sgt, %add3A_623, %sign3A_626 : i32
    %sign3A_628 = arith.extui %sign3A_627 : i1 to i32
    %sign3A_629 = arith.constant 0 : i32
    %sign3A_630 = arith.cmpi slt, %add3A_623, %sign3A_629 : i32
    %sign3A_631 = arith.extui %sign3A_630 : i1 to i32
    %sign3A_632 = arith.subi %sign3A_628, %sign3A_631 : i32
    %sign3A_633 = arith.constant 0 : i32
    %sign3A_634 = arith.cmpi sgt, %jit3A_624, %sign3A_633 : i32
    %sign3A_635 = arith.extui %sign3A_634 : i1 to i32
    %sign3A_636 = arith.constant 0 : i32
    %sign3A_637 = arith.cmpi slt, %jit3A_624, %sign3A_636 : i32
    %sign3A_638 = arith.extui %sign3A_637 : i1 to i32
    %sign3A_639 = arith.subi %sign3A_635, %sign3A_638 : i32
    %ne3A_640 = arith.cmpi ne, %sign3A_632, %sign3A_639 : i32
    %rem3A_641 = arith.remsi %add3A_623, %jit3A_624 : i32
    %ne3A_642 = arith.constant 0 : i32
    %ne3A_643 = arith.cmpi ne, %rem3A_641, %ne3A_642 : i32
    %and3A_644 = arith.andi %ne3A_640, %ne3A_643 : i1
    %sub3A_645 = arith.constant 1 : i32
    %sub3A_646 = arith.subi %div3A_625, %sub3A_645 : i32
    %select_n3A_647 = arith.select %and3A_644, %sub3A_646, %div3A_625 : i32
    %jit3A_648 = arith.constant 128 : i32
    %eq3A_649 = arith.constant 0 : i32
    %eq3A_650 = arith.cmpi eq, %jit3A_648, %eq3A_649 : i32
    %jit3A_651 = arith.constant 1 : i32
    %select_n3A_652 = arith.select %eq3A_650, %jit3A_651, %jit3A_648 : i32
    %rem3A_653 = arith.remsi %add3A_623, %select_n3A_652 : i32
    %ne3A_654 = arith.constant 0 : i32
    %ne3A_655 = arith.cmpi ne, %rem3A_653, %ne3A_654 : i32
    %lt3A_656 = arith.constant 0 : i32
    %lt3A_657 = arith.cmpi slt, %rem3A_653, %lt3A_656 : i32
    %lt3A_658 = arith.constant 0 : i32
    %lt3A_659 = arith.cmpi slt, %select_n3A_652, %lt3A_658 : i32
    %ne3A_660 = arith.xori %lt3A_657, %lt3A_659 : i1
    %and3A_661 = arith.andi %ne3A_660, %ne3A_655 : i1
    %add3A_662 = arith.addi %rem3A_653, %select_n3A_652 : i32
    %select_n3A_663 = arith.select %and3A_661, %add3A_662, %rem3A_653 : i32
    %jit3A_664 = arith.constant 16 : i32
    %div3A_665 = arith.divsi %select_n3A_663, %jit3A_664 : i32
    %sign3A_666 = arith.constant 0 : i32
    %sign3A_667 = arith.cmpi sgt, %select_n3A_663, %sign3A_666 : i32
    %sign3A_668 = arith.extui %sign3A_667 : i1 to i32
    %sign3A_669 = arith.constant 0 : i32
    %sign3A_670 = arith.cmpi slt, %select_n3A_663, %sign3A_669 : i32
    %sign3A_671 = arith.extui %sign3A_670 : i1 to i32
    %sign3A_672 = arith.subi %sign3A_668, %sign3A_671 : i32
    %sign3A_673 = arith.constant 0 : i32
    %sign3A_674 = arith.cmpi sgt, %jit3A_664, %sign3A_673 : i32
    %sign3A_675 = arith.extui %sign3A_674 : i1 to i32
    %sign3A_676 = arith.constant 0 : i32
    %sign3A_677 = arith.cmpi slt, %jit3A_664, %sign3A_676 : i32
    %sign3A_678 = arith.extui %sign3A_677 : i1 to i32
    %sign3A_679 = arith.subi %sign3A_675, %sign3A_678 : i32
    %ne3A_680 = arith.cmpi ne, %sign3A_672, %sign3A_679 : i32
    %rem3A_681 = arith.remsi %select_n3A_663, %jit3A_664 : i32
    %ne3A_682 = arith.constant 0 : i32
    %ne3A_683 = arith.cmpi ne, %rem3A_681, %ne3A_682 : i32
    %and3A_684 = arith.andi %ne3A_680, %ne3A_683 : i1
    %sub3A_685 = arith.constant 1 : i32
    %sub3A_686 = arith.subi %div3A_665, %sub3A_685 : i32
    %select_n3A_687 = arith.select %and3A_684, %sub3A_686, %div3A_665 : i32
    %jit3A_688 = arith.constant 16 : i32
    %eq3A_689 = arith.constant 0 : i32
    %eq3A_690 = arith.cmpi eq, %jit3A_688, %eq3A_689 : i32
    %jit3A_691 = arith.constant 1 : i32
    %select_n3A_692 = arith.select %eq3A_690, %jit3A_691, %jit3A_688 : i32
    %rem3A_693 = arith.remsi %select_n3A_663, %select_n3A_692 : i32
    %ne3A_694 = arith.constant 0 : i32
    %ne3A_695 = arith.cmpi ne, %rem3A_693, %ne3A_694 : i32
    %lt3A_696 = arith.constant 0 : i32
    %lt3A_697 = arith.cmpi slt, %rem3A_693, %lt3A_696 : i32
    %lt3A_698 = arith.constant 0 : i32
    %lt3A_699 = arith.cmpi slt, %select_n3A_692, %lt3A_698 : i32
    %ne3A_700 = arith.xori %lt3A_697, %lt3A_699 : i1
    %and3A_701 = arith.andi %ne3A_700, %ne3A_695 : i1
    %add3A_702 = arith.addi %rem3A_693, %select_n3A_692 : i32
    %select_n3A_703 = arith.select %and3A_701, %add3A_702, %rem3A_693 : i32
    %mul3A_704 = arith.constant 64 : i32
    %mul3A_705 = arith.muli %select_n3A_703, %mul3A_704 : i32
    %mul3A_706 = arith.constant 8 : i32
    %mul3A_707 = arith.muli %select_n3A_647, %mul3A_706 : i32
    %add3A_708 = arith.addi %mul3A_707, %select_n3A_687 : i32
    %mul3A_709 = arith.constant 16384 : i32
    %mul3A_710 = arith.muli %add3A_708, %mul3A_709 : i32
    "tpu.region"() ({
      %run_scoped3A = tpu.sem_alloc : memref<!tpu.dma_semaphore, #tpu.memory_space<semaphore_mem>>
      %dma_start3A = tpu.memref_slice %arg2[%mul3A_710] : memref<262144xi32, #tpu.memory_space<hbm>> -> memref<16384xi32, #tpu.memory_space<hbm>>
      %dma_start3A_998 = tpu.memref_slice %arg2[%mul3A_710] : memref<262144xi32, #tpu.memory_space<hbm>> -> memref<16384xi32, #tpu.memory_space<hbm>>
      tpu.enqueue_dma source(%dma_start3A_998 : memref<16384xi32, #tpu.memory_space<hbm>>) target(%arg6 : memref<16384xi32, #tpu.memory_space<vmem>>) target_semaphore(%run_scoped3A : memref<!tpu.dma_semaphore, #tpu.memory_space<semaphore_mem>>)
      %dma_wait3A = tpu.memref_slice %arg2[%mul3A_710] : memref<262144xi32, #tpu.memory_space<hbm>> -> memref<16384xi32, #tpu.memory_space<hbm>>
      %dma_wait3A_999 = tpu.memref_slice %arg2[%mul3A_710] : memref<262144xi32, #tpu.memory_space<hbm>> -> memref<16384xi32, #tpu.memory_space<hbm>>
      tpu.wait_dma2 semaphore(%run_scoped3A : memref<!tpu.dma_semaphore, #tpu.memory_space<semaphore_mem>>) src(%dma_wait3A_999 : memref<16384xi32, #tpu.memory_space<hbm>>) dst(%arg6 : memref<16384xi32, #tpu.memory_space<vmem>>)
      tpu.yield
    }) : () -> ()
    %mul3A_711 = arith.constant 16384 : i32
    %mul3A_712 = arith.muli %add3A_708, %mul3A_711 : i32
    "tpu.region"() ({
      %run_scoped3A = tpu.sem_alloc : memref<!tpu.dma_semaphore, #tpu.memory_space<semaphore_mem>>
      %dma_start3A = tpu.memref_slice %arg3[%mul3A_712] : memref<262144xi32, #tpu.memory_space<hbm>> -> memref<16384xi32, #tpu.memory_space<hbm>>
      %dma_start3A_998 = tpu.memref_slice %arg3[%mul3A_712] : memref<262144xi32, #tpu.memory_space<hbm>> -> memref<16384xi32, #tpu.memory_space<hbm>>
      tpu.enqueue_dma source(%dma_start3A_998 : memref<16384xi32, #tpu.memory_space<hbm>>) target(%arg7 : memref<16384xi32, #tpu.memory_space<vmem>>) target_semaphore(%run_scoped3A : memref<!tpu.dma_semaphore, #tpu.memory_space<semaphore_mem>>)
      %dma_wait3A = tpu.memref_slice %arg3[%mul3A_712] : memref<262144xi32, #tpu.memory_space<hbm>> -> memref<16384xi32, #tpu.memory_space<hbm>>
      %dma_wait3A_999 = tpu.memref_slice %arg3[%mul3A_712] : memref<262144xi32, #tpu.memory_space<hbm>> -> memref<16384xi32, #tpu.memory_space<hbm>>
      tpu.wait_dma2 semaphore(%run_scoped3A : memref<!tpu.dma_semaphore, #tpu.memory_space<semaphore_mem>>) src(%dma_wait3A_999 : memref<16384xi32, #tpu.memory_space<hbm>>) dst(%arg7 : memref<16384xi32, #tpu.memory_space<vmem>>)
      tpu.yield
    }) : () -> ()
    "tpu.region"() ({
      %run_scoped3A = tpu.sem_alloc : memref<!tpu.dma_semaphore, #tpu.memory_space<semaphore_mem>>
      tpu.enqueue_dma source(%arg4 : memref<64x1024xf32, #tpu.memory_space<hbm>>) target(%arg8 : memref<64x1024xf32, #tpu.memory_space<vmem>>) target_semaphore(%run_scoped3A : memref<!tpu.dma_semaphore, #tpu.memory_space<semaphore_mem>>)
      tpu.wait_dma2 semaphore(%run_scoped3A : memref<!tpu.dma_semaphore, #tpu.memory_space<semaphore_mem>>) src(%arg4 : memref<64x1024xf32, #tpu.memory_space<hbm>>) dst(%arg8 : memref<64x1024xf32, #tpu.memory_space<vmem>>)
      tpu.yield
    }) : () -> ()
    %scan3A_713 = arith.constant 0 : i32
    %scan3A_714 = arith.constant 0 : i32
    %scan3A_715 = arith.constant 256 : i32
    %scan3A_716 = arith.addi %scan3A_714, %scan3A_715 : i32
    %scan3A_717 = arith.constant 1 : i32
    scf.for %scan3A_998 = %scan3A_714 to %scan3A_716 step %scan3A_717  : i32 {
      %mul3A_999 = arith.constant 64 : i32
      %mul3A_1000 = arith.muli %scan3A_998, %mul3A_999 : i32
      %add3A_1001 = arith.constant 0 : i32
      %add3A_1002 = arith.addi %mul3A_1000, %add3A_1001 : i32
      %get3A = arith.index_cast %add3A_1002 : i32 to index
      %get3A_1003 = tpu.vector_load %arg6[%get3A] {strides = array<i32>} : memref<16384xi32, #tpu.memory_space<vmem>>, vector<16xi32>,
      %sub3A_1004 = vector.broadcast %mul3A_705 : i32 to vector<16xi32>
      %sub3A_1005 = arith.subi %get3A_1003, %sub3A_1004 : vector<16xi32>
      %get3A_1006 = arith.index_cast %add3A_1002 : i32 to index
      %get3A_1007 = tpu.vector_load %arg7[%get3A_1006] {strides = array<i32>} : memref<16384xi32, #tpu.memory_space<vmem>>, vector<16xi32>,
      %ge3A = arith.constant 0 : i32
      %ge3A_1008 = vector.broadcast %ge3A : i32 to vector<16xi32>
      %ge3A_1009 = arith.cmpi sge, %sub3A_1005, %ge3A_1008 : vector<16xi32>
      %lt3A_1010 = arith.constant 64 : i32
      %lt3A_1011 = vector.broadcast %lt3A_1010 : i32 to vector<16xi32>
      %lt3A_1012 = arith.cmpi slt, %sub3A_1005, %lt3A_1011 : vector<16xi32>
      %and3A_1013 = arith.andi %ge3A_1009, %lt3A_1012 : vector<16xi1>
      tpu.vector_store_idx %arg8[%sub3A_1005, %get3A_1007], %broadcast_in_dim3A_1 masked %and3A_1013 {add = true} : memref<64x1024xf32, #tpu.memory_space<vmem>>[vector<16xi32>, vector<16xi32>], vector<16xf32>, vector<16xi1>
      %mul3A_1014 = arith.constant 64 : i32
      %mul3A_1015 = arith.muli %scan3A_998, %mul3A_1014 : i32
      %add3A_1016 = arith.constant 16 : i32
      %add3A_1017 = arith.addi %mul3A_1015, %add3A_1016 : i32
      %get3A_1018 = arith.index_cast %add3A_1017 : i32 to index
      %get3A_1019 = tpu.vector_load %arg6[%get3A_1018] {strides = array<i32>} : memref<16384xi32, #tpu.memory_space<vmem>>, vector<16xi32>,
      %sub3A_1020 = vector.broadcast %mul3A_705 : i32 to vector<16xi32>
      %sub3A_1021 = arith.subi %get3A_1019, %sub3A_1020 : vector<16xi32>
      %get3A_1022 = arith.index_cast %add3A_1017 : i32 to index
      %get3A_1023 = tpu.vector_load %arg7[%get3A_1022] {strides = array<i32>} : memref<16384xi32, #tpu.memory_space<vmem>>, vector<16xi32>,
      %ge3A_1024 = arith.constant 0 : i32
      %ge3A_1025 = vector.broadcast %ge3A_1024 : i32 to vector<16xi32>
      %ge3A_1026 = arith.cmpi sge, %sub3A_1021, %ge3A_1025 : vector<16xi32>
      %lt3A_1027 = arith.constant 64 : i32
      %lt3A_1028 = vector.broadcast %lt3A_1027 : i32 to vector<16xi32>
      %lt3A_1029 = arith.cmpi slt, %sub3A_1021, %lt3A_1028 : vector<16xi32>
      %and3A_1030 = arith.andi %ge3A_1026, %lt3A_1029 : vector<16xi1>
      tpu.vector_store_idx %arg8[%sub3A_1021, %get3A_1023], %broadcast_in_dim3A_1 masked %and3A_1030 {add = true} : memref<64x1024xf32, #tpu.memory_space<vmem>>[vector<16xi32>, vector<16xi32>], vector<16xf32>, vector<16xi1>
      %mul3A_1031 = arith.constant 64 : i32
      %mul3A_1032 = arith.muli %scan3A_998, %mul3A_1031 : i32
      %add3A_1033 = arith.constant 32 : i32
      %add3A_1034 = arith.addi %mul3A_1032, %add3A_1033 : i32
      %get3A_1035 = arith.index_cast %add3A_1034 : i32 to index
      %get3A_1036 = tpu.vector_load %arg6[%get3A_1035] {strides = array<i32>} : memref<16384xi32, #tpu.memory_space<vmem>>, vector<16xi32>,
      %sub3A_1037 = vector.broadcast %mul3A_705 : i32 to vector<16xi32>
      %sub3A_1038 = arith.subi %get3A_1036, %sub3A_1037 : vector<16xi32>
      %get3A_1039 = arith.index_cast %add3A_1034 : i32 to index
      %get3A_1040 = tpu.vector_load %arg7[%get3A_1039] {strides = array<i32>} : memref<16384xi32, #tpu.memory_space<vmem>>, vector<16xi32>,
      %ge3A_1041 = arith.constant 0 : i32
      %ge3A_1042 = vector.broadcast %ge3A_1041 : i32 to vector<16xi32>
      %ge3A_1043 = arith.cmpi sge, %sub3A_1038, %ge3A_1042 : vector<16xi32>
      %lt3A_1044 = arith.constant 64 : i32
      %lt3A_1045 = vector.broadcast %lt3A_1044 : i32 to vector<16xi32>
      %lt3A_1046 = arith.cmpi slt, %sub3A_1038, %lt3A_1045 : vector<16xi32>
      %and3A_1047 = arith.andi %ge3A_1043, %lt3A_1046 : vector<16xi1>
      tpu.vector_store_idx %arg8[%sub3A_1038, %get3A_1040], %broadcast_in_dim3A_1 masked %and3A_1047 {add = true} : memref<64x1024xf32, #tpu.memory_space<vmem>>[vector<16xi32>, vector<16xi32>], vector<16xf32>, vector<16xi1>
      %mul3A_1048 = arith.constant 64 : i32
      %mul3A_1049 = arith.muli %scan3A_998, %mul3A_1048 : i32
      %add3A_1050 = arith.constant 48 : i32
      %add3A_1051 = arith.addi %mul3A_1049, %add3A_1050 : i32
      %get3A_1052 = arith.index_cast %add3A_1051 : i32 to index
      %get3A_1053 = tpu.vector_load %arg6[%get3A_1052] {strides = array<i32>} : memref<16384xi32, #tpu.memory_space<vmem>>, vector<16xi32>,
      %sub3A_1054 = vector.broadcast %mul3A_705 : i32 to vector<16xi32>
      %sub3A_1055 = arith.subi %get3A_1053, %sub3A_1054 : vector<16xi32>
      %get3A_1056 = arith.index_cast %add3A_1051 : i32 to index
      %get3A_1057 = tpu.vector_load %arg7[%get3A_1056] {strides = array<i32>} : memref<16384xi32, #tpu.memory_space<vmem>>, vector<16xi32>,
      %ge3A_1058 = arith.constant 0 : i32
      %ge3A_1059 = vector.broadcast %ge3A_1058 : i32 to vector<16xi32>
      %ge3A_1060 = arith.cmpi sge, %sub3A_1055, %ge3A_1059 : vector<16xi32>
      %lt3A_1061 = arith.constant 64 : i32
      %lt3A_1062 = vector.broadcast %lt3A_1061 : i32 to vector<16xi32>
      %lt3A_1063 = arith.cmpi slt, %sub3A_1055, %lt3A_1062 : vector<16xi32>
      %and3A_1064 = arith.andi %ge3A_1060, %lt3A_1063 : vector<16xi1>
      tpu.vector_store_idx %arg8[%sub3A_1055, %get3A_1057], %broadcast_in_dim3A_1 masked %and3A_1064 {add = true} : memref<64x1024xf32, #tpu.memory_space<vmem>>[vector<16xi32>, vector<16xi32>], vector<16xf32>, vector<16xi1>
    }
    %scan3A_718 = arith.constant 256 : i32
    %iota3A_719 = tpu.iota {dimensions = array<i32: 0>} : vector<16xi32>
    %add3A_720 = arith.constant 0 : i32
    %add3A_721 = vector.broadcast %add3A_720 : i32 to vector<16xi32>
    %add3A_722 = arith.addi %iota3A_719, %add3A_721 : vector<16xi32>
    %add3A_723 = vector.broadcast %mul3A_705 : i32 to vector<16xi32>
    %add3A_724 = arith.addi %add3A_722, %add3A_723 : vector<16xi32>
    tpu.vector_store_idx %arg8[%add3A_722, %add3A_724], %broadcast_in_dim3A_1 {add = true} : memref<64x1024xf32, #tpu.memory_space<vmem>>[vector<16xi32>, vector<16xi32>], vector<16xf32>,
    %iota3A_725 = tpu.iota {dimensions = array<i32: 0>} : vector<16xi32>
    %add3A_726 = arith.constant 16 : i32
    %add3A_727 = vector.broadcast %add3A_726 : i32 to vector<16xi32>
    %add3A_728 = arith.addi %iota3A_725, %add3A_727 : vector<16xi32>
    %add3A_729 = vector.broadcast %mul3A_705 : i32 to vector<16xi32>
    %add3A_730 = arith.addi %add3A_728, %add3A_729 : vector<16xi32>
    tpu.vector_store_idx %arg8[%add3A_728, %add3A_730], %broadcast_in_dim3A_1 {add = true} : memref<64x1024xf32, #tpu.memory_space<vmem>>[vector<16xi32>, vector<16xi32>], vector<16xf32>,
    %iota3A_731 = tpu.iota {dimensions = array<i32: 0>} : vector<16xi32>
    %add3A_732 = arith.constant 32 : i32
    %add3A_733 = vector.broadcast %add3A_732 : i32 to vector<16xi32>
    %add3A_734 = arith.addi %iota3A_731, %add3A_733 : vector<16xi32>
    %add3A_735 = vector.broadcast %mul3A_705 : i32 to vector<16xi32>
    %add3A_736 = arith.addi %add3A_734, %add3A_735 : vector<16xi32>
    tpu.vector_store_idx %arg8[%add3A_734, %add3A_736], %broadcast_in_dim3A_1 {add = true} : memref<64x1024xf32, #tpu.memory_space<vmem>>[vector<16xi32>, vector<16xi32>], vector<16xf32>,
    %iota3A_737 = tpu.iota {dimensions = array<i32: 0>} : vector<16xi32>
    %add3A_738 = arith.constant 48 : i32
    %add3A_739 = vector.broadcast %add3A_738 : i32 to vector<16xi32>
    %add3A_740 = arith.addi %iota3A_737, %add3A_739 : vector<16xi32>
    %add3A_741 = vector.broadcast %mul3A_705 : i32 to vector<16xi32>
    %add3A_742 = arith.addi %add3A_740, %add3A_741 : vector<16xi32>
    tpu.vector_store_idx %arg8[%add3A_740, %add3A_742], %broadcast_in_dim3A_1 {add = true} : memref<64x1024xf32, #tpu.memory_space<vmem>>[vector<16xi32>, vector<16xi32>], vector<16xf32>,
    %mul3A_743 = arith.constant 1024 : i32
    %mul3A_744 = arith.muli %add3A_708, %mul3A_743 : i32
    %add3A_745 = arith.addi %mul3A_744, %mul3A_705 : i32
    "tpu.region"() ({
      %run_scoped3A = tpu.sem_alloc : memref<!tpu.dma_semaphore, #tpu.memory_space<semaphore_mem>>
      %dma_start3A = arith.constant 0 : i32
      %dma_start3A_998 = tpu.memref_slice %arg5[%add3A_745, %dma_start3A] : memref<16384x1024xf32, #tpu.memory_space<hbm>> -> memref<64x1024xf32, #tpu.memory_space<hbm>>
      %dma_start3A_999 = arith.constant 0 : i32
      %dma_start3A_1000 = tpu.memref_slice %arg5[%add3A_745, %dma_start3A_999] : memref<16384x1024xf32, #tpu.memory_space<hbm>> -> memref<64x1024xf32, #tpu.memory_space<hbm>>
      tpu.enqueue_dma source(%arg8 : memref<64x1024xf32, #tpu.memory_space<vmem>>) target(%dma_start3A_1000 : memref<64x1024xf32, #tpu.memory_space<hbm>>) target_semaphore(%run_scoped3A : memref<!tpu.dma_semaphore, #tpu.memory_space<semaphore_mem>>)
      %dma_wait3A = arith.constant 0 : i32
      %dma_wait3A_1001 = tpu.memref_slice %arg5[%add3A_745, %dma_wait3A] : memref<16384x1024xf32, #tpu.memory_space<hbm>> -> memref<64x1024xf32, #tpu.memory_space<hbm>>
      %dma_wait3A_1002 = arith.constant 0 : i32
      %dma_wait3A_1003 = tpu.memref_slice %arg5[%add3A_745, %dma_wait3A_1002] : memref<16384x1024xf32, #tpu.memory_space<hbm>> -> memref<64x1024xf32, #tpu.memory_space<hbm>>
      tpu.wait_dma2 semaphore(%run_scoped3A : memref<!tpu.dma_semaphore, #tpu.memory_space<semaphore_mem>>) src(%arg8 : memref<64x1024xf32, #tpu.memory_space<vmem>>) dst(%dma_wait3A_1003 : memref<64x1024xf32, #tpu.memory_space<hbm>>)
      tpu.yield
    }) : () -> ()
    %mul3A_746 = arith.constant 8 : i32
    %mul3A_747 = arith.muli %add3A, %mul3A_746 : i32
    %add3A_748 = arith.constant 6 : i32
    %add3A_749 = arith.addi %mul3A_747, %add3A_748 : i32
    %jit3A_750 = arith.constant 128 : i32
    %div3A_751 = arith.divsi %add3A_749, %jit3A_750 : i32
    %sign3A_752 = arith.constant 0 : i32
    %sign3A_753 = arith.cmpi sgt, %add3A_749, %sign3A_752 : i32
    %sign3A_754 = arith.extui %sign3A_753 : i1 to i32
    %sign3A_755 = arith.constant 0 : i32
    %sign3A_756 = arith.cmpi slt, %add3A_749, %sign3A_755 : i32
    %sign3A_757 = arith.extui %sign3A_756 : i1 to i32
    %sign3A_758 = arith.subi %sign3A_754, %sign3A_757 : i32
    %sign3A_759 = arith.constant 0 : i32
    %sign3A_760 = arith.cmpi sgt, %jit3A_750, %sign3A_759 : i32
    %sign3A_761 = arith.extui %sign3A_760 : i1 to i32
    %sign3A_762 = arith.constant 0 : i32
    %sign3A_763 = arith.cmpi slt, %jit3A_750, %sign3A_762 : i32
    %sign3A_764 = arith.extui %sign3A_763 : i1 to i32
    %sign3A_765 = arith.subi %sign3A_761, %sign3A_764 : i32
    %ne3A_766 = arith.cmpi ne, %sign3A_758, %sign3A_765 : i32
    %rem3A_767 = arith.remsi %add3A_749, %jit3A_750 : i32
    %ne3A_768 = arith.constant 0 : i32
    %ne3A_769 = arith.cmpi ne, %rem3A_767, %ne3A_768 : i32
    %and3A_770 = arith.andi %ne3A_766, %ne3A_769 : i1
    %sub3A_771 = arith.constant 1 : i32
    %sub3A_772 = arith.subi %div3A_751, %sub3A_771 : i32
    %select_n3A_773 = arith.select %and3A_770, %sub3A_772, %div3A_751 : i32
    %jit3A_774 = arith.constant 128 : i32
    %eq3A_775 = arith.constant 0 : i32
    %eq3A_776 = arith.cmpi eq, %jit3A_774, %eq3A_775 : i32
    %jit3A_777 = arith.constant 1 : i32
    %select_n3A_778 = arith.select %eq3A_776, %jit3A_777, %jit3A_774 : i32
    %rem3A_779 = arith.remsi %add3A_749, %select_n3A_778 : i32
    %ne3A_780 = arith.constant 0 : i32
    %ne3A_781 = arith.cmpi ne, %rem3A_779, %ne3A_780 : i32
    %lt3A_782 = arith.constant 0 : i32
    %lt3A_783 = arith.cmpi slt, %rem3A_779, %lt3A_782 : i32
    %lt3A_784 = arith.constant 0 : i32
    %lt3A_785 = arith.cmpi slt, %select_n3A_778, %lt3A_784 : i32
    %ne3A_786 = arith.xori %lt3A_783, %lt3A_785 : i1
    %and3A_787 = arith.andi %ne3A_786, %ne3A_781 : i1
    %add3A_788 = arith.addi %rem3A_779, %select_n3A_778 : i32
    %select_n3A_789 = arith.select %and3A_787, %add3A_788, %rem3A_779 : i32
    %jit3A_790 = arith.constant 16 : i32
    %div3A_791 = arith.divsi %select_n3A_789, %jit3A_790 : i32
    %sign3A_792 = arith.constant 0 : i32
    %sign3A_793 = arith.cmpi sgt, %select_n3A_789, %sign3A_792 : i32
    %sign3A_794 = arith.extui %sign3A_793 : i1 to i32
    %sign3A_795 = arith.constant 0 : i32
    %sign3A_796 = arith.cmpi slt, %select_n3A_789, %sign3A_795 : i32
    %sign3A_797 = arith.extui %sign3A_796 : i1 to i32
    %sign3A_798 = arith.subi %sign3A_794, %sign3A_797 : i32
    %sign3A_799 = arith.constant 0 : i32
    %sign3A_800 = arith.cmpi sgt, %jit3A_790, %sign3A_799 : i32
    %sign3A_801 = arith.extui %sign3A_800 : i1 to i32
    %sign3A_802 = arith.constant 0 : i32
    %sign3A_803 = arith.cmpi slt, %jit3A_790, %sign3A_802 : i32
    %sign3A_804 = arith.extui %sign3A_803 : i1 to i32
    %sign3A_805 = arith.subi %sign3A_801, %sign3A_804 : i32
    %ne3A_806 = arith.cmpi ne, %sign3A_798, %sign3A_805 : i32
    %rem3A_807 = arith.remsi %select_n3A_789, %jit3A_790 : i32
    %ne3A_808 = arith.constant 0 : i32
    %ne3A_809 = arith.cmpi ne, %rem3A_807, %ne3A_808 : i32
    %and3A_810 = arith.andi %ne3A_806, %ne3A_809 : i1
    %sub3A_811 = arith.constant 1 : i32
    %sub3A_812 = arith.subi %div3A_791, %sub3A_811 : i32
    %select_n3A_813 = arith.select %and3A_810, %sub3A_812, %div3A_791 : i32
    %jit3A_814 = arith.constant 16 : i32
    %eq3A_815 = arith.constant 0 : i32
    %eq3A_816 = arith.cmpi eq, %jit3A_814, %eq3A_815 : i32
    %jit3A_817 = arith.constant 1 : i32
    %select_n3A_818 = arith.select %eq3A_816, %jit3A_817, %jit3A_814 : i32
    %rem3A_819 = arith.remsi %select_n3A_789, %select_n3A_818 : i32
    %ne3A_820 = arith.constant 0 : i32
    %ne3A_821 = arith.cmpi ne, %rem3A_819, %ne3A_820 : i32
    %lt3A_822 = arith.constant 0 : i32
    %lt3A_823 = arith.cmpi slt, %rem3A_819, %lt3A_822 : i32
    %lt3A_824 = arith.constant 0 : i32
    %lt3A_825 = arith.cmpi slt, %select_n3A_818, %lt3A_824 : i32
    %ne3A_826 = arith.xori %lt3A_823, %lt3A_825 : i1
    %and3A_827 = arith.andi %ne3A_826, %ne3A_821 : i1
    %add3A_828 = arith.addi %rem3A_819, %select_n3A_818 : i32
    %select_n3A_829 = arith.select %and3A_827, %add3A_828, %rem3A_819 : i32
    %mul3A_830 = arith.constant 64 : i32
    %mul3A_831 = arith.muli %select_n3A_829, %mul3A_830 : i32
    %mul3A_832 = arith.constant 8 : i32
    %mul3A_833 = arith.muli %select_n3A_773, %mul3A_832 : i32
    %add3A_834 = arith.addi %mul3A_833, %select_n3A_813 : i32
    %mul3A_835 = arith.constant 16384 : i32
    %mul3A_836 = arith.muli %add3A_834, %mul3A_835 : i32
    "tpu.region"() ({
      %run_scoped3A = tpu.sem_alloc : memref<!tpu.dma_semaphore, #tpu.memory_space<semaphore_mem>>
      %dma_start3A = tpu.memref_slice %arg2[%mul3A_836] : memref<262144xi32, #tpu.memory_space<hbm>> -> memref<16384xi32, #tpu.memory_space<hbm>>
      %dma_start3A_998 = tpu.memref_slice %arg2[%mul3A_836] : memref<262144xi32, #tpu.memory_space<hbm>> -> memref<16384xi32, #tpu.memory_space<hbm>>
      tpu.enqueue_dma source(%dma_start3A_998 : memref<16384xi32, #tpu.memory_space<hbm>>) target(%arg6 : memref<16384xi32, #tpu.memory_space<vmem>>) target_semaphore(%run_scoped3A : memref<!tpu.dma_semaphore, #tpu.memory_space<semaphore_mem>>)
      %dma_wait3A = tpu.memref_slice %arg2[%mul3A_836] : memref<262144xi32, #tpu.memory_space<hbm>> -> memref<16384xi32, #tpu.memory_space<hbm>>
      %dma_wait3A_999 = tpu.memref_slice %arg2[%mul3A_836] : memref<262144xi32, #tpu.memory_space<hbm>> -> memref<16384xi32, #tpu.memory_space<hbm>>
      tpu.wait_dma2 semaphore(%run_scoped3A : memref<!tpu.dma_semaphore, #tpu.memory_space<semaphore_mem>>) src(%dma_wait3A_999 : memref<16384xi32, #tpu.memory_space<hbm>>) dst(%arg6 : memref<16384xi32, #tpu.memory_space<vmem>>)
      tpu.yield
    }) : () -> ()
    %mul3A_837 = arith.constant 16384 : i32
    %mul3A_838 = arith.muli %add3A_834, %mul3A_837 : i32
    "tpu.region"() ({
      %run_scoped3A = tpu.sem_alloc : memref<!tpu.dma_semaphore, #tpu.memory_space<semaphore_mem>>
      %dma_start3A = tpu.memref_slice %arg3[%mul3A_838] : memref<262144xi32, #tpu.memory_space<hbm>> -> memref<16384xi32, #tpu.memory_space<hbm>>
      %dma_start3A_998 = tpu.memref_slice %arg3[%mul3A_838] : memref<262144xi32, #tpu.memory_space<hbm>> -> memref<16384xi32, #tpu.memory_space<hbm>>
      tpu.enqueue_dma source(%dma_start3A_998 : memref<16384xi32, #tpu.memory_space<hbm>>) target(%arg7 : memref<16384xi32, #tpu.memory_space<vmem>>) target_semaphore(%run_scoped3A : memref<!tpu.dma_semaphore, #tpu.memory_space<semaphore_mem>>)
      %dma_wait3A = tpu.memref_slice %arg3[%mul3A_838] : memref<262144xi32, #tpu.memory_space<hbm>> -> memref<16384xi32, #tpu.memory_space<hbm>>
      %dma_wait3A_999 = tpu.memref_slice %arg3[%mul3A_838] : memref<262144xi32, #tpu.memory_space<hbm>> -> memref<16384xi32, #tpu.memory_space<hbm>>
      tpu.wait_dma2 semaphore(%run_scoped3A : memref<!tpu.dma_semaphore, #tpu.memory_space<semaphore_mem>>) src(%dma_wait3A_999 : memref<16384xi32, #tpu.memory_space<hbm>>) dst(%arg7 : memref<16384xi32, #tpu.memory_space<vmem>>)
      tpu.yield
    }) : () -> ()
    "tpu.region"() ({
      %run_scoped3A = tpu.sem_alloc : memref<!tpu.dma_semaphore, #tpu.memory_space<semaphore_mem>>
      tpu.enqueue_dma source(%arg4 : memref<64x1024xf32, #tpu.memory_space<hbm>>) target(%arg8 : memref<64x1024xf32, #tpu.memory_space<vmem>>) target_semaphore(%run_scoped3A : memref<!tpu.dma_semaphore, #tpu.memory_space<semaphore_mem>>)
      tpu.wait_dma2 semaphore(%run_scoped3A : memref<!tpu.dma_semaphore, #tpu.memory_space<semaphore_mem>>) src(%arg4 : memref<64x1024xf32, #tpu.memory_space<hbm>>) dst(%arg8 : memref<64x1024xf32, #tpu.memory_space<vmem>>)
      tpu.yield
    }) : () -> ()
    %scan3A_839 = arith.constant 0 : i32
    %scan3A_840 = arith.constant 0 : i32
    %scan3A_841 = arith.constant 256 : i32
    %scan3A_842 = arith.addi %scan3A_840, %scan3A_841 : i32
    %scan3A_843 = arith.constant 1 : i32
    scf.for %scan3A_998 = %scan3A_840 to %scan3A_842 step %scan3A_843  : i32 {
      %mul3A_999 = arith.constant 64 : i32
      %mul3A_1000 = arith.muli %scan3A_998, %mul3A_999 : i32
      %add3A_1001 = arith.constant 0 : i32
      %add3A_1002 = arith.addi %mul3A_1000, %add3A_1001 : i32
      %get3A = arith.index_cast %add3A_1002 : i32 to index
      %get3A_1003 = tpu.vector_load %arg6[%get3A] {strides = array<i32>} : memref<16384xi32, #tpu.memory_space<vmem>>, vector<16xi32>,
      %sub3A_1004 = vector.broadcast %mul3A_831 : i32 to vector<16xi32>
      %sub3A_1005 = arith.subi %get3A_1003, %sub3A_1004 : vector<16xi32>
      %get3A_1006 = arith.index_cast %add3A_1002 : i32 to index
      %get3A_1007 = tpu.vector_load %arg7[%get3A_1006] {strides = array<i32>} : memref<16384xi32, #tpu.memory_space<vmem>>, vector<16xi32>,
      %ge3A = arith.constant 0 : i32
      %ge3A_1008 = vector.broadcast %ge3A : i32 to vector<16xi32>
      %ge3A_1009 = arith.cmpi sge, %sub3A_1005, %ge3A_1008 : vector<16xi32>
      %lt3A_1010 = arith.constant 64 : i32
      %lt3A_1011 = vector.broadcast %lt3A_1010 : i32 to vector<16xi32>
      %lt3A_1012 = arith.cmpi slt, %sub3A_1005, %lt3A_1011 : vector<16xi32>
      %and3A_1013 = arith.andi %ge3A_1009, %lt3A_1012 : vector<16xi1>
      tpu.vector_store_idx %arg8[%sub3A_1005, %get3A_1007], %broadcast_in_dim3A_1 masked %and3A_1013 {add = true} : memref<64x1024xf32, #tpu.memory_space<vmem>>[vector<16xi32>, vector<16xi32>], vector<16xf32>, vector<16xi1>
      %mul3A_1014 = arith.constant 64 : i32
      %mul3A_1015 = arith.muli %scan3A_998, %mul3A_1014 : i32
      %add3A_1016 = arith.constant 16 : i32
      %add3A_1017 = arith.addi %mul3A_1015, %add3A_1016 : i32
      %get3A_1018 = arith.index_cast %add3A_1017 : i32 to index
      %get3A_1019 = tpu.vector_load %arg6[%get3A_1018] {strides = array<i32>} : memref<16384xi32, #tpu.memory_space<vmem>>, vector<16xi32>,
      %sub3A_1020 = vector.broadcast %mul3A_831 : i32 to vector<16xi32>
      %sub3A_1021 = arith.subi %get3A_1019, %sub3A_1020 : vector<16xi32>
      %get3A_1022 = arith.index_cast %add3A_1017 : i32 to index
      %get3A_1023 = tpu.vector_load %arg7[%get3A_1022] {strides = array<i32>} : memref<16384xi32, #tpu.memory_space<vmem>>, vector<16xi32>,
      %ge3A_1024 = arith.constant 0 : i32
      %ge3A_1025 = vector.broadcast %ge3A_1024 : i32 to vector<16xi32>
      %ge3A_1026 = arith.cmpi sge, %sub3A_1021, %ge3A_1025 : vector<16xi32>
      %lt3A_1027 = arith.constant 64 : i32
      %lt3A_1028 = vector.broadcast %lt3A_1027 : i32 to vector<16xi32>
      %lt3A_1029 = arith.cmpi slt, %sub3A_1021, %lt3A_1028 : vector<16xi32>
      %and3A_1030 = arith.andi %ge3A_1026, %lt3A_1029 : vector<16xi1>
      tpu.vector_store_idx %arg8[%sub3A_1021, %get3A_1023], %broadcast_in_dim3A_1 masked %and3A_1030 {add = true} : memref<64x1024xf32, #tpu.memory_space<vmem>>[vector<16xi32>, vector<16xi32>], vector<16xf32>, vector<16xi1>
      %mul3A_1031 = arith.constant 64 : i32
      %mul3A_1032 = arith.muli %scan3A_998, %mul3A_1031 : i32
      %add3A_1033 = arith.constant 32 : i32
      %add3A_1034 = arith.addi %mul3A_1032, %add3A_1033 : i32
      %get3A_1035 = arith.index_cast %add3A_1034 : i32 to index
      %get3A_1036 = tpu.vector_load %arg6[%get3A_1035] {strides = array<i32>} : memref<16384xi32, #tpu.memory_space<vmem>>, vector<16xi32>,
      %sub3A_1037 = vector.broadcast %mul3A_831 : i32 to vector<16xi32>
      %sub3A_1038 = arith.subi %get3A_1036, %sub3A_1037 : vector<16xi32>
      %get3A_1039 = arith.index_cast %add3A_1034 : i32 to index
      %get3A_1040 = tpu.vector_load %arg7[%get3A_1039] {strides = array<i32>} : memref<16384xi32, #tpu.memory_space<vmem>>, vector<16xi32>,
      %ge3A_1041 = arith.constant 0 : i32
      %ge3A_1042 = vector.broadcast %ge3A_1041 : i32 to vector<16xi32>
      %ge3A_1043 = arith.cmpi sge, %sub3A_1038, %ge3A_1042 : vector<16xi32>
      %lt3A_1044 = arith.constant 64 : i32
      %lt3A_1045 = vector.broadcast %lt3A_1044 : i32 to vector<16xi32>
      %lt3A_1046 = arith.cmpi slt, %sub3A_1038, %lt3A_1045 : vector<16xi32>
      %and3A_1047 = arith.andi %ge3A_1043, %lt3A_1046 : vector<16xi1>
      tpu.vector_store_idx %arg8[%sub3A_1038, %get3A_1040], %broadcast_in_dim3A_1 masked %and3A_1047 {add = true} : memref<64x1024xf32, #tpu.memory_space<vmem>>[vector<16xi32>, vector<16xi32>], vector<16xf32>, vector<16xi1>
      %mul3A_1048 = arith.constant 64 : i32
      %mul3A_1049 = arith.muli %scan3A_998, %mul3A_1048 : i32
      %add3A_1050 = arith.constant 48 : i32
      %add3A_1051 = arith.addi %mul3A_1049, %add3A_1050 : i32
      %get3A_1052 = arith.index_cast %add3A_1051 : i32 to index
      %get3A_1053 = tpu.vector_load %arg6[%get3A_1052] {strides = array<i32>} : memref<16384xi32, #tpu.memory_space<vmem>>, vector<16xi32>,
      %sub3A_1054 = vector.broadcast %mul3A_831 : i32 to vector<16xi32>
      %sub3A_1055 = arith.subi %get3A_1053, %sub3A_1054 : vector<16xi32>
      %get3A_1056 = arith.index_cast %add3A_1051 : i32 to index
      %get3A_1057 = tpu.vector_load %arg7[%get3A_1056] {strides = array<i32>} : memref<16384xi32, #tpu.memory_space<vmem>>, vector<16xi32>,
      %ge3A_1058 = arith.constant 0 : i32
      %ge3A_1059 = vector.broadcast %ge3A_1058 : i32 to vector<16xi32>
      %ge3A_1060 = arith.cmpi sge, %sub3A_1055, %ge3A_1059 : vector<16xi32>
      %lt3A_1061 = arith.constant 64 : i32
      %lt3A_1062 = vector.broadcast %lt3A_1061 : i32 to vector<16xi32>
      %lt3A_1063 = arith.cmpi slt, %sub3A_1055, %lt3A_1062 : vector<16xi32>
      %and3A_1064 = arith.andi %ge3A_1060, %lt3A_1063 : vector<16xi1>
      tpu.vector_store_idx %arg8[%sub3A_1055, %get3A_1057], %broadcast_in_dim3A_1 masked %and3A_1064 {add = true} : memref<64x1024xf32, #tpu.memory_space<vmem>>[vector<16xi32>, vector<16xi32>], vector<16xf32>, vector<16xi1>
    }
    %scan3A_844 = arith.constant 256 : i32
    %iota3A_845 = tpu.iota {dimensions = array<i32: 0>} : vector<16xi32>
    %add3A_846 = arith.constant 0 : i32
    %add3A_847 = vector.broadcast %add3A_846 : i32 to vector<16xi32>
    %add3A_848 = arith.addi %iota3A_845, %add3A_847 : vector<16xi32>
    %add3A_849 = vector.broadcast %mul3A_831 : i32 to vector<16xi32>
    %add3A_850 = arith.addi %add3A_848, %add3A_849 : vector<16xi32>
    tpu.vector_store_idx %arg8[%add3A_848, %add3A_850], %broadcast_in_dim3A_1 {add = true} : memref<64x1024xf32, #tpu.memory_space<vmem>>[vector<16xi32>, vector<16xi32>], vector<16xf32>,
    %iota3A_851 = tpu.iota {dimensions = array<i32: 0>} : vector<16xi32>
    %add3A_852 = arith.constant 16 : i32
    %add3A_853 = vector.broadcast %add3A_852 : i32 to vector<16xi32>
    %add3A_854 = arith.addi %iota3A_851, %add3A_853 : vector<16xi32>
    %add3A_855 = vector.broadcast %mul3A_831 : i32 to vector<16xi32>
    %add3A_856 = arith.addi %add3A_854, %add3A_855 : vector<16xi32>
    tpu.vector_store_idx %arg8[%add3A_854, %add3A_856], %broadcast_in_dim3A_1 {add = true} : memref<64x1024xf32, #tpu.memory_space<vmem>>[vector<16xi32>, vector<16xi32>], vector<16xf32>,
    %iota3A_857 = tpu.iota {dimensions = array<i32: 0>} : vector<16xi32>
    %add3A_858 = arith.constant 32 : i32
    %add3A_859 = vector.broadcast %add3A_858 : i32 to vector<16xi32>
    %add3A_860 = arith.addi %iota3A_857, %add3A_859 : vector<16xi32>
    %add3A_861 = vector.broadcast %mul3A_831 : i32 to vector<16xi32>
    %add3A_862 = arith.addi %add3A_860, %add3A_861 : vector<16xi32>
    tpu.vector_store_idx %arg8[%add3A_860, %add3A_862], %broadcast_in_dim3A_1 {add = true} : memref<64x1024xf32, #tpu.memory_space<vmem>>[vector<16xi32>, vector<16xi32>], vector<16xf32>,
    %iota3A_863 = tpu.iota {dimensions = array<i32: 0>} : vector<16xi32>
    %add3A_864 = arith.constant 48 : i32
    %add3A_865 = vector.broadcast %add3A_864 : i32 to vector<16xi32>
    %add3A_866 = arith.addi %iota3A_863, %add3A_865 : vector<16xi32>
    %add3A_867 = vector.broadcast %mul3A_831 : i32 to vector<16xi32>
    %add3A_868 = arith.addi %add3A_866, %add3A_867 : vector<16xi32>
    tpu.vector_store_idx %arg8[%add3A_866, %add3A_868], %broadcast_in_dim3A_1 {add = true} : memref<64x1024xf32, #tpu.memory_space<vmem>>[vector<16xi32>, vector<16xi32>], vector<16xf32>,
    %mul3A_869 = arith.constant 1024 : i32
    %mul3A_870 = arith.muli %add3A_834, %mul3A_869 : i32
    %add3A_871 = arith.addi %mul3A_870, %mul3A_831 : i32
    "tpu.region"() ({
      %run_scoped3A = tpu.sem_alloc : memref<!tpu.dma_semaphore, #tpu.memory_space<semaphore_mem>>
      %dma_start3A = arith.constant 0 : i32
      %dma_start3A_998 = tpu.memref_slice %arg5[%add3A_871, %dma_start3A] : memref<16384x1024xf32, #tpu.memory_space<hbm>> -> memref<64x1024xf32, #tpu.memory_space<hbm>>
      %dma_start3A_999 = arith.constant 0 : i32
      %dma_start3A_1000 = tpu.memref_slice %arg5[%add3A_871, %dma_start3A_999] : memref<16384x1024xf32, #tpu.memory_space<hbm>> -> memref<64x1024xf32, #tpu.memory_space<hbm>>
      tpu.enqueue_dma source(%arg8 : memref<64x1024xf32, #tpu.memory_space<vmem>>) target(%dma_start3A_1000 : memref<64x1024xf32, #tpu.memory_space<hbm>>) target_semaphore(%run_scoped3A : memref<!tpu.dma_semaphore, #tpu.memory_space<semaphore_mem>>)
      %dma_wait3A = arith.constant 0 : i32
      %dma_wait3A_1001 = tpu.memref_slice %arg5[%add3A_871, %dma_wait3A] : memref<16384x1024xf32, #tpu.memory_space<hbm>> -> memref<64x1024xf32, #tpu.memory_space<hbm>>
      %dma_wait3A_1002 = arith.constant 0 : i32
      %dma_wait3A_1003 = tpu.memref_slice %arg5[%add3A_871, %dma_wait3A_1002] : memref<16384x1024xf32, #tpu.memory_space<hbm>> -> memref<64x1024xf32, #tpu.memory_space<hbm>>
      tpu.wait_dma2 semaphore(%run_scoped3A : memref<!tpu.dma_semaphore, #tpu.memory_space<semaphore_mem>>) src(%arg8 : memref<64x1024xf32, #tpu.memory_space<vmem>>) dst(%dma_wait3A_1003 : memref<64x1024xf32, #tpu.memory_space<hbm>>)
      tpu.yield
    }) : () -> ()
    %mul3A_872 = arith.constant 8 : i32
    %mul3A_873 = arith.muli %add3A, %mul3A_872 : i32
    %add3A_874 = arith.constant 7 : i32
    %add3A_875 = arith.addi %mul3A_873, %add3A_874 : i32
    %jit3A_876 = arith.constant 128 : i32
    %div3A_877 = arith.divsi %add3A_875, %jit3A_876 : i32
    %sign3A_878 = arith.constant 0 : i32
    %sign3A_879 = arith.cmpi sgt, %add3A_875, %sign3A_878 : i32
    %sign3A_880 = arith.extui %sign3A_879 : i1 to i32
    %sign3A_881 = arith.constant 0 : i32
    %sign3A_882 = arith.cmpi slt, %add3A_875, %sign3A_881 : i32
    %sign3A_883 = arith.extui %sign3A_882 : i1 to i32
    %sign3A_884 = arith.subi %sign3A_880, %sign3A_883 : i32
    %sign3A_885 = arith.constant 0 : i32
    %sign3A_886 = arith.cmpi sgt, %jit3A_876, %sign3A_885 : i32
    %sign3A_887 = arith.extui %sign3A_886 : i1 to i32
    %sign3A_888 = arith.constant 0 : i32
    %sign3A_889 = arith.cmpi slt, %jit3A_876, %sign3A_888 : i32
    %sign3A_890 = arith.extui %sign3A_889 : i1 to i32
    %sign3A_891 = arith.subi %sign3A_887, %sign3A_890 : i32
    %ne3A_892 = arith.cmpi ne, %sign3A_884, %sign3A_891 : i32
    %rem3A_893 = arith.remsi %add3A_875, %jit3A_876 : i32
    %ne3A_894 = arith.constant 0 : i32
    %ne3A_895 = arith.cmpi ne, %rem3A_893, %ne3A_894 : i32
    %and3A_896 = arith.andi %ne3A_892, %ne3A_895 : i1
    %sub3A_897 = arith.constant 1 : i32
    %sub3A_898 = arith.subi %div3A_877, %sub3A_897 : i32
    %select_n3A_899 = arith.select %and3A_896, %sub3A_898, %div3A_877 : i32
    %jit3A_900 = arith.constant 128 : i32
    %eq3A_901 = arith.constant 0 : i32
    %eq3A_902 = arith.cmpi eq, %jit3A_900, %eq3A_901 : i32
    %jit3A_903 = arith.constant 1 : i32
    %select_n3A_904 = arith.select %eq3A_902, %jit3A_903, %jit3A_900 : i32
    %rem3A_905 = arith.remsi %add3A_875, %select_n3A_904 : i32
    %ne3A_906 = arith.constant 0 : i32
    %ne3A_907 = arith.cmpi ne, %rem3A_905, %ne3A_906 : i32
    %lt3A_908 = arith.constant 0 : i32
    %lt3A_909 = arith.cmpi slt, %rem3A_905, %lt3A_908 : i32
    %lt3A_910 = arith.constant 0 : i32
    %lt3A_911 = arith.cmpi slt, %select_n3A_904, %lt3A_910 : i32
    %ne3A_912 = arith.xori %lt3A_909, %lt3A_911 : i1
    %and3A_913 = arith.andi %ne3A_912, %ne3A_907 : i1
    %add3A_914 = arith.addi %rem3A_905, %select_n3A_904 : i32
    %select_n3A_915 = arith.select %and3A_913, %add3A_914, %rem3A_905 : i32
    %jit3A_916 = arith.constant 16 : i32
    %div3A_917 = arith.divsi %select_n3A_915, %jit3A_916 : i32
    %sign3A_918 = arith.constant 0 : i32
    %sign3A_919 = arith.cmpi sgt, %select_n3A_915, %sign3A_918 : i32
    %sign3A_920 = arith.extui %sign3A_919 : i1 to i32
    %sign3A_921 = arith.constant 0 : i32
    %sign3A_922 = arith.cmpi slt, %select_n3A_915, %sign3A_921 : i32
    %sign3A_923 = arith.extui %sign3A_922 : i1 to i32
    %sign3A_924 = arith.subi %sign3A_920, %sign3A_923 : i32
    %sign3A_925 = arith.constant 0 : i32
    %sign3A_926 = arith.cmpi sgt, %jit3A_916, %sign3A_925 : i32
    %sign3A_927 = arith.extui %sign3A_926 : i1 to i32
    %sign3A_928 = arith.constant 0 : i32
    %sign3A_929 = arith.cmpi slt, %jit3A_916, %sign3A_928 : i32
    %sign3A_930 = arith.extui %sign3A_929 : i1 to i32
    %sign3A_931 = arith.subi %sign3A_927, %sign3A_930 : i32
    %ne3A_932 = arith.cmpi ne, %sign3A_924, %sign3A_931 : i32
    %rem3A_933 = arith.remsi %select_n3A_915, %jit3A_916 : i32
    %ne3A_934 = arith.constant 0 : i32
    %ne3A_935 = arith.cmpi ne, %rem3A_933, %ne3A_934 : i32
    %and3A_936 = arith.andi %ne3A_932, %ne3A_935 : i1
    %sub3A_937 = arith.constant 1 : i32
    %sub3A_938 = arith.subi %div3A_917, %sub3A_937 : i32
    %select_n3A_939 = arith.select %and3A_936, %sub3A_938, %div3A_917 : i32
    %jit3A_940 = arith.constant 16 : i32
    %eq3A_941 = arith.constant 0 : i32
    %eq3A_942 = arith.cmpi eq, %jit3A_940, %eq3A_941 : i32
    %jit3A_943 = arith.constant 1 : i32
    %select_n3A_944 = arith.select %eq3A_942, %jit3A_943, %jit3A_940 : i32
    %rem3A_945 = arith.remsi %select_n3A_915, %select_n3A_944 : i32
    %ne3A_946 = arith.constant 0 : i32
    %ne3A_947 = arith.cmpi ne, %rem3A_945, %ne3A_946 : i32
    %lt3A_948 = arith.constant 0 : i32
    %lt3A_949 = arith.cmpi slt, %rem3A_945, %lt3A_948 : i32
    %lt3A_950 = arith.constant 0 : i32
    %lt3A_951 = arith.cmpi slt, %select_n3A_944, %lt3A_950 : i32
    %ne3A_952 = arith.xori %lt3A_949, %lt3A_951 : i1
    %and3A_953 = arith.andi %ne3A_952, %ne3A_947 : i1
    %add3A_954 = arith.addi %rem3A_945, %select_n3A_944 : i32
    %select_n3A_955 = arith.select %and3A_953, %add3A_954, %rem3A_945 : i32
    %mul3A_956 = arith.constant 64 : i32
    %mul3A_957 = arith.muli %select_n3A_955, %mul3A_956 : i32
    %mul3A_958 = arith.constant 8 : i32
    %mul3A_959 = arith.muli %select_n3A_899, %mul3A_958 : i32
    %add3A_960 = arith.addi %mul3A_959, %select_n3A_939 : i32
    %mul3A_961 = arith.constant 16384 : i32
    %mul3A_962 = arith.muli %add3A_960, %mul3A_961 : i32
    "tpu.region"() ({
      %run_scoped3A = tpu.sem_alloc : memref<!tpu.dma_semaphore, #tpu.memory_space<semaphore_mem>>
      %dma_start3A = tpu.memref_slice %arg2[%mul3A_962] : memref<262144xi32, #tpu.memory_space<hbm>> -> memref<16384xi32, #tpu.memory_space<hbm>>
      %dma_start3A_998 = tpu.memref_slice %arg2[%mul3A_962] : memref<262144xi32, #tpu.memory_space<hbm>> -> memref<16384xi32, #tpu.memory_space<hbm>>
      tpu.enqueue_dma source(%dma_start3A_998 : memref<16384xi32, #tpu.memory_space<hbm>>) target(%arg6 : memref<16384xi32, #tpu.memory_space<vmem>>) target_semaphore(%run_scoped3A : memref<!tpu.dma_semaphore, #tpu.memory_space<semaphore_mem>>)
      %dma_wait3A = tpu.memref_slice %arg2[%mul3A_962] : memref<262144xi32, #tpu.memory_space<hbm>> -> memref<16384xi32, #tpu.memory_space<hbm>>
      %dma_wait3A_999 = tpu.memref_slice %arg2[%mul3A_962] : memref<262144xi32, #tpu.memory_space<hbm>> -> memref<16384xi32, #tpu.memory_space<hbm>>
      tpu.wait_dma2 semaphore(%run_scoped3A : memref<!tpu.dma_semaphore, #tpu.memory_space<semaphore_mem>>) src(%dma_wait3A_999 : memref<16384xi32, #tpu.memory_space<hbm>>) dst(%arg6 : memref<16384xi32, #tpu.memory_space<vmem>>)
      tpu.yield
    }) : () -> ()
    %mul3A_963 = arith.constant 16384 : i32
    %mul3A_964 = arith.muli %add3A_960, %mul3A_963 : i32
    "tpu.region"() ({
      %run_scoped3A = tpu.sem_alloc : memref<!tpu.dma_semaphore, #tpu.memory_space<semaphore_mem>>
      %dma_start3A = tpu.memref_slice %arg3[%mul3A_964] : memref<262144xi32, #tpu.memory_space<hbm>> -> memref<16384xi32, #tpu.memory_space<hbm>>
      %dma_start3A_998 = tpu.memref_slice %arg3[%mul3A_964] : memref<262144xi32, #tpu.memory_space<hbm>> -> memref<16384xi32, #tpu.memory_space<hbm>>
      tpu.enqueue_dma source(%dma_start3A_998 : memref<16384xi32, #tpu.memory_space<hbm>>) target(%arg7 : memref<16384xi32, #tpu.memory_space<vmem>>) target_semaphore(%run_scoped3A : memref<!tpu.dma_semaphore, #tpu.memory_space<semaphore_mem>>)
      %dma_wait3A = tpu.memref_slice %arg3[%mul3A_964] : memref<262144xi32, #tpu.memory_space<hbm>> -> memref<16384xi32, #tpu.memory_space<hbm>>
      %dma_wait3A_999 = tpu.memref_slice %arg3[%mul3A_964] : memref<262144xi32, #tpu.memory_space<hbm>> -> memref<16384xi32, #tpu.memory_space<hbm>>
      tpu.wait_dma2 semaphore(%run_scoped3A : memref<!tpu.dma_semaphore, #tpu.memory_space<semaphore_mem>>) src(%dma_wait3A_999 : memref<16384xi32, #tpu.memory_space<hbm>>) dst(%arg7 : memref<16384xi32, #tpu.memory_space<vmem>>)
      tpu.yield
    }) : () -> ()
    "tpu.region"() ({
      %run_scoped3A = tpu.sem_alloc : memref<!tpu.dma_semaphore, #tpu.memory_space<semaphore_mem>>
      tpu.enqueue_dma source(%arg4 : memref<64x1024xf32, #tpu.memory_space<hbm>>) target(%arg8 : memref<64x1024xf32, #tpu.memory_space<vmem>>) target_semaphore(%run_scoped3A : memref<!tpu.dma_semaphore, #tpu.memory_space<semaphore_mem>>)
      tpu.wait_dma2 semaphore(%run_scoped3A : memref<!tpu.dma_semaphore, #tpu.memory_space<semaphore_mem>>) src(%arg4 : memref<64x1024xf32, #tpu.memory_space<hbm>>) dst(%arg8 : memref<64x1024xf32, #tpu.memory_space<vmem>>)
      tpu.yield
    }) : () -> ()
    %scan3A_965 = arith.constant 0 : i32
    %scan3A_966 = arith.constant 0 : i32
    %scan3A_967 = arith.constant 256 : i32
    %scan3A_968 = arith.addi %scan3A_966, %scan3A_967 : i32
    %scan3A_969 = arith.constant 1 : i32
    scf.for %scan3A_998 = %scan3A_966 to %scan3A_968 step %scan3A_969  : i32 {
      %mul3A_999 = arith.constant 64 : i32
      %mul3A_1000 = arith.muli %scan3A_998, %mul3A_999 : i32
      %add3A_1001 = arith.constant 0 : i32
      %add3A_1002 = arith.addi %mul3A_1000, %add3A_1001 : i32
      %get3A = arith.index_cast %add3A_1002 : i32 to index
      %get3A_1003 = tpu.vector_load %arg6[%get3A] {strides = array<i32>} : memref<16384xi32, #tpu.memory_space<vmem>>, vector<16xi32>,
      %sub3A_1004 = vector.broadcast %mul3A_957 : i32 to vector<16xi32>
      %sub3A_1005 = arith.subi %get3A_1003, %sub3A_1004 : vector<16xi32>
      %get3A_1006 = arith.index_cast %add3A_1002 : i32 to index
      %get3A_1007 = tpu.vector_load %arg7[%get3A_1006] {strides = array<i32>} : memref<16384xi32, #tpu.memory_space<vmem>>, vector<16xi32>,
      %ge3A = arith.constant 0 : i32
      %ge3A_1008 = vector.broadcast %ge3A : i32 to vector<16xi32>
      %ge3A_1009 = arith.cmpi sge, %sub3A_1005, %ge3A_1008 : vector<16xi32>
      %lt3A_1010 = arith.constant 64 : i32
      %lt3A_1011 = vector.broadcast %lt3A_1010 : i32 to vector<16xi32>
      %lt3A_1012 = arith.cmpi slt, %sub3A_1005, %lt3A_1011 : vector<16xi32>
      %and3A_1013 = arith.andi %ge3A_1009, %lt3A_1012 : vector<16xi1>
      tpu.vector_store_idx %arg8[%sub3A_1005, %get3A_1007], %broadcast_in_dim3A_1 masked %and3A_1013 {add = true} : memref<64x1024xf32, #tpu.memory_space<vmem>>[vector<16xi32>, vector<16xi32>], vector<16xf32>, vector<16xi1>
      %mul3A_1014 = arith.constant 64 : i32
      %mul3A_1015 = arith.muli %scan3A_998, %mul3A_1014 : i32
      %add3A_1016 = arith.constant 16 : i32
      %add3A_1017 = arith.addi %mul3A_1015, %add3A_1016 : i32
      %get3A_1018 = arith.index_cast %add3A_1017 : i32 to index
      %get3A_1019 = tpu.vector_load %arg6[%get3A_1018] {strides = array<i32>} : memref<16384xi32, #tpu.memory_space<vmem>>, vector<16xi32>,
      %sub3A_1020 = vector.broadcast %mul3A_957 : i32 to vector<16xi32>
      %sub3A_1021 = arith.subi %get3A_1019, %sub3A_1020 : vector<16xi32>
      %get3A_1022 = arith.index_cast %add3A_1017 : i32 to index
      %get3A_1023 = tpu.vector_load %arg7[%get3A_1022] {strides = array<i32>} : memref<16384xi32, #tpu.memory_space<vmem>>, vector<16xi32>,
      %ge3A_1024 = arith.constant 0 : i32
      %ge3A_1025 = vector.broadcast %ge3A_1024 : i32 to vector<16xi32>
      %ge3A_1026 = arith.cmpi sge, %sub3A_1021, %ge3A_1025 : vector<16xi32>
      %lt3A_1027 = arith.constant 64 : i32
      %lt3A_1028 = vector.broadcast %lt3A_1027 : i32 to vector<16xi32>
      %lt3A_1029 = arith.cmpi slt, %sub3A_1021, %lt3A_1028 : vector<16xi32>
      %and3A_1030 = arith.andi %ge3A_1026, %lt3A_1029 : vector<16xi1>
      tpu.vector_store_idx %arg8[%sub3A_1021, %get3A_1023], %broadcast_in_dim3A_1 masked %and3A_1030 {add = true} : memref<64x1024xf32, #tpu.memory_space<vmem>>[vector<16xi32>, vector<16xi32>], vector<16xf32>, vector<16xi1>
      %mul3A_1031 = arith.constant 64 : i32
      %mul3A_1032 = arith.muli %scan3A_998, %mul3A_1031 : i32
      %add3A_1033 = arith.constant 32 : i32
      %add3A_1034 = arith.addi %mul3A_1032, %add3A_1033 : i32
      %get3A_1035 = arith.index_cast %add3A_1034 : i32 to index
      %get3A_1036 = tpu.vector_load %arg6[%get3A_1035] {strides = array<i32>} : memref<16384xi32, #tpu.memory_space<vmem>>, vector<16xi32>,
      %sub3A_1037 = vector.broadcast %mul3A_957 : i32 to vector<16xi32>
      %sub3A_1038 = arith.subi %get3A_1036, %sub3A_1037 : vector<16xi32>
      %get3A_1039 = arith.index_cast %add3A_1034 : i32 to index
      %get3A_1040 = tpu.vector_load %arg7[%get3A_1039] {strides = array<i32>} : memref<16384xi32, #tpu.memory_space<vmem>>, vector<16xi32>,
      %ge3A_1041 = arith.constant 0 : i32
      %ge3A_1042 = vector.broadcast %ge3A_1041 : i32 to vector<16xi32>
      %ge3A_1043 = arith.cmpi sge, %sub3A_1038, %ge3A_1042 : vector<16xi32>
      %lt3A_1044 = arith.constant 64 : i32
      %lt3A_1045 = vector.broadcast %lt3A_1044 : i32 to vector<16xi32>
      %lt3A_1046 = arith.cmpi slt, %sub3A_1038, %lt3A_1045 : vector<16xi32>
      %and3A_1047 = arith.andi %ge3A_1043, %lt3A_1046 : vector<16xi1>
      tpu.vector_store_idx %arg8[%sub3A_1038, %get3A_1040], %broadcast_in_dim3A_1 masked %and3A_1047 {add = true} : memref<64x1024xf32, #tpu.memory_space<vmem>>[vector<16xi32>, vector<16xi32>], vector<16xf32>, vector<16xi1>
      %mul3A_1048 = arith.constant 64 : i32
      %mul3A_1049 = arith.muli %scan3A_998, %mul3A_1048 : i32
      %add3A_1050 = arith.constant 48 : i32
      %add3A_1051 = arith.addi %mul3A_1049, %add3A_1050 : i32
      %get3A_1052 = arith.index_cast %add3A_1051 : i32 to index
      %get3A_1053 = tpu.vector_load %arg6[%get3A_1052] {strides = array<i32>} : memref<16384xi32, #tpu.memory_space<vmem>>, vector<16xi32>,
      %sub3A_1054 = vector.broadcast %mul3A_957 : i32 to vector<16xi32>
      %sub3A_1055 = arith.subi %get3A_1053, %sub3A_1054 : vector<16xi32>
      %get3A_1056 = arith.index_cast %add3A_1051 : i32 to index
      %get3A_1057 = tpu.vector_load %arg7[%get3A_1056] {strides = array<i32>} : memref<16384xi32, #tpu.memory_space<vmem>>, vector<16xi32>,
      %ge3A_1058 = arith.constant 0 : i32
      %ge3A_1059 = vector.broadcast %ge3A_1058 : i32 to vector<16xi32>
      %ge3A_1060 = arith.cmpi sge, %sub3A_1055, %ge3A_1059 : vector<16xi32>
      %lt3A_1061 = arith.constant 64 : i32
      %lt3A_1062 = vector.broadcast %lt3A_1061 : i32 to vector<16xi32>
      %lt3A_1063 = arith.cmpi slt, %sub3A_1055, %lt3A_1062 : vector<16xi32>
      %and3A_1064 = arith.andi %ge3A_1060, %lt3A_1063 : vector<16xi1>
      tpu.vector_store_idx %arg8[%sub3A_1055, %get3A_1057], %broadcast_in_dim3A_1 masked %and3A_1064 {add = true} : memref<64x1024xf32, #tpu.memory_space<vmem>>[vector<16xi32>, vector<16xi32>], vector<16xf32>, vector<16xi1>
    }
    %scan3A_970 = arith.constant 256 : i32
    %iota3A_971 = tpu.iota {dimensions = array<i32: 0>} : vector<16xi32>
    %add3A_972 = arith.constant 0 : i32
    %add3A_973 = vector.broadcast %add3A_972 : i32 to vector<16xi32>
    %add3A_974 = arith.addi %iota3A_971, %add3A_973 : vector<16xi32>
    %add3A_975 = vector.broadcast %mul3A_957 : i32 to vector<16xi32>
    %add3A_976 = arith.addi %add3A_974, %add3A_975 : vector<16xi32>
    tpu.vector_store_idx %arg8[%add3A_974, %add3A_976], %broadcast_in_dim3A_1 {add = true} : memref<64x1024xf32, #tpu.memory_space<vmem>>[vector<16xi32>, vector<16xi32>], vector<16xf32>,
    %iota3A_977 = tpu.iota {dimensions = array<i32: 0>} : vector<16xi32>
    %add3A_978 = arith.constant 16 : i32
    %add3A_979 = vector.broadcast %add3A_978 : i32 to vector<16xi32>
    %add3A_980 = arith.addi %iota3A_977, %add3A_979 : vector<16xi32>
    %add3A_981 = vector.broadcast %mul3A_957 : i32 to vector<16xi32>
    %add3A_982 = arith.addi %add3A_980, %add3A_981 : vector<16xi32>
    tpu.vector_store_idx %arg8[%add3A_980, %add3A_982], %broadcast_in_dim3A_1 {add = true} : memref<64x1024xf32, #tpu.memory_space<vmem>>[vector<16xi32>, vector<16xi32>], vector<16xf32>,
    %iota3A_983 = tpu.iota {dimensions = array<i32: 0>} : vector<16xi32>
    %add3A_984 = arith.constant 32 : i32
    %add3A_985 = vector.broadcast %add3A_984 : i32 to vector<16xi32>
    %add3A_986 = arith.addi %iota3A_983, %add3A_985 : vector<16xi32>
    %add3A_987 = vector.broadcast %mul3A_957 : i32 to vector<16xi32>
    %add3A_988 = arith.addi %add3A_986, %add3A_987 : vector<16xi32>
    tpu.vector_store_idx %arg8[%add3A_986, %add3A_988], %broadcast_in_dim3A_1 {add = true} : memref<64x1024xf32, #tpu.memory_space<vmem>>[vector<16xi32>, vector<16xi32>], vector<16xf32>,
    %iota3A_989 = tpu.iota {dimensions = array<i32: 0>} : vector<16xi32>
    %add3A_990 = arith.constant 48 : i32
    %add3A_991 = vector.broadcast %add3A_990 : i32 to vector<16xi32>
    %add3A_992 = arith.addi %iota3A_989, %add3A_991 : vector<16xi32>
    %add3A_993 = vector.broadcast %mul3A_957 : i32 to vector<16xi32>
    %add3A_994 = arith.addi %add3A_992, %add3A_993 : vector<16xi32>
    tpu.vector_store_idx %arg8[%add3A_992, %add3A_994], %broadcast_in_dim3A_1 {add = true} : memref<64x1024xf32, #tpu.memory_space<vmem>>[vector<16xi32>, vector<16xi32>], vector<16xf32>,
    %mul3A_995 = arith.constant 1024 : i32
    %mul3A_996 = arith.muli %add3A_960, %mul3A_995 : i32
    %add3A_997 = arith.addi %mul3A_996, %mul3A_957 : i32
    "tpu.region"() ({
      %run_scoped3A = tpu.sem_alloc : memref<!tpu.dma_semaphore, #tpu.memory_space<semaphore_mem>>
      %dma_start3A = arith.constant 0 : i32
      %dma_start3A_998 = tpu.memref_slice %arg5[%add3A_997, %dma_start3A] : memref<16384x1024xf32, #tpu.memory_space<hbm>> -> memref<64x1024xf32, #tpu.memory_space<hbm>>
      %dma_start3A_999 = arith.constant 0 : i32
      %dma_start3A_1000 = tpu.memref_slice %arg5[%add3A_997, %dma_start3A_999] : memref<16384x1024xf32, #tpu.memory_space<hbm>> -> memref<64x1024xf32, #tpu.memory_space<hbm>>
      tpu.enqueue_dma source(%arg8 : memref<64x1024xf32, #tpu.memory_space<vmem>>) target(%dma_start3A_1000 : memref<64x1024xf32, #tpu.memory_space<hbm>>) target_semaphore(%run_scoped3A : memref<!tpu.dma_semaphore, #tpu.memory_space<semaphore_mem>>)
      %dma_wait3A = arith.constant 0 : i32
      %dma_wait3A_1001 = tpu.memref_slice %arg5[%add3A_997, %dma_wait3A] : memref<16384x1024xf32, #tpu.memory_space<hbm>> -> memref<64x1024xf32, #tpu.memory_space<hbm>>
      %dma_wait3A_1002 = arith.constant 0 : i32
      %dma_wait3A_1003 = tpu.memref_slice %arg5[%add3A_997, %dma_wait3A_1002] : memref<16384x1024xf32, #tpu.memory_space<hbm>> -> memref<64x1024xf32, #tpu.memory_space<hbm>>
      tpu.wait_dma2 semaphore(%run_scoped3A : memref<!tpu.dma_semaphore, #tpu.memory_space<semaphore_mem>>) src(%arg8 : memref<64x1024xf32, #tpu.memory_space<vmem>>) dst(%dma_wait3A_1003 : memref<64x1024xf32, #tpu.memory_space<hbm>>)
      tpu.yield
    }) : () -> ()
    return
  }
}

module attributes {stable_mosaic.version = 14 : i64} {
  func.func @_proj_body(%arg0: i32, %arg1: memref<256x512xf32, #tpu.memory_space<vmem>>, %arg2: memref<512x4096xf32, #tpu.memory_space<vmem>>, %arg3: memref<512x4096xf32, #tpu.memory_space<vmem>>, %arg4: memref<4096x16xf32, #tpu.memory_space<vmem>>, %arg5: memref<4096x16xf32, #tpu.memory_space<vmem>>, %arg6: memref<256x4096xf32, #tpu.memory_space<vmem>>, %arg7: memref<256x4096xf32, #tpu.memory_space<vmem>>, %arg8: memref<256x16xf32, #tpu.memory_space<vmem>>, %arg9: memref<256x16xf32, #tpu.memory_space<vmem>>) attributes {dimension_semantics = [#tpu.dimension_semantics<arbitrary>], iteration_bounds = array<i64: 32>, scalar_prefetch = 0 : i64, scratch_operands = 0 : i64, tpu.core_type = #tpu.core_type<tc>, window_params = [{transform_indices = @transform_0, window_bounds = array<i64: 256, 512>}, {pipeline_mode = #tpu.pipeline_mode<synchronous>, transform_indices = @transform_1, window_bounds = array<i64: 512, 4096>}, {pipeline_mode = #tpu.pipeline_mode<synchronous>, transform_indices = @transform_2, window_bounds = array<i64: 512, 4096>}, {pipeline_mode = #tpu.pipeline_mode<synchronous>, transform_indices = @transform_3, window_bounds = array<i64: 4096, 16>}, {pipeline_mode = #tpu.pipeline_mode<synchronous>, transform_indices = @transform_4, window_bounds = array<i64: 4096, 16>}, {transform_indices = @transform_5, window_bounds = array<i64: 256, 4096>}, {transform_indices = @transform_6, window_bounds = array<i64: 256, 4096>}, {transform_indices = @transform_7, window_bounds = array<i64: 256, 16>}, {transform_indices = @transform_8, window_bounds = array<i64: 256, 16>}]} {
    %get3A = arith.constant 0 : index
    %get3A_0 = arith.constant 0 : index
    %get3A_1 = vector.load %arg1[%get3A, %get3A_0] : memref<256x512xf32, #tpu.memory_space<vmem>>, vector<256x512xf32>
    %get3A_2 = arith.constant 0 : index
    %get3A_3 = arith.constant 0 : index
    %get3A_4 = vector.load %arg2[%get3A_2, %get3A_3] : memref<512x4096xf32, #tpu.memory_space<vmem>>, vector<512x4096xf32>
    %dot_general3A = arith.constant dense<0.000000e+00> : vector<256x4096xf32>
    %dot_general3A_5 = tpu.matmul %get3A_1, %get3A_4, %dot_general3A {dimension_numbers = #tpu.dot_dimension_numbers<[1], [0], [0], [1], [0, 0, 1, 1], [], []>, transpose_lhs_hint = false} : vector<256x512xf32>, vector<512x4096xf32>, vector<256x4096xf32> -> vector<256x4096xf32>
    %get3A_6 = arith.constant 0 : index
    %get3A_7 = arith.constant 0 : index
    %get3A_8 = vector.load %arg3[%get3A_6, %get3A_7] : memref<512x4096xf32, #tpu.memory_space<vmem>>, vector<512x4096xf32>
    %dot_general3A_9 = arith.constant dense<0.000000e+00> : vector<256x4096xf32>
    %dot_general3A_10 = tpu.matmul %get3A_1, %get3A_8, %dot_general3A_9 {dimension_numbers = #tpu.dot_dimension_numbers<[1], [0], [0], [1], [0, 0, 1, 1], [], []>, transpose_lhs_hint = false} : vector<256x512xf32>, vector<512x4096xf32>, vector<256x4096xf32> -> vector<256x4096xf32>
    %swap3A = arith.constant 0 : index
    %swap3A_11 = arith.constant 0 : index
    %swap3A_12 = vector.load %arg6[%swap3A, %swap3A_11] : memref<256x4096xf32, #tpu.memory_space<vmem>>, vector<256x4096xf32>
    tpu.vector_store %arg6[%swap3A, %swap3A_11], %dot_general3A_5 {strides = array<i32>} : memref<256x4096xf32, #tpu.memory_space<vmem>>, vector<256x4096xf32>,
    %swap3A_13 = arith.constant 0 : index
    %swap3A_14 = arith.constant 0 : index
    %swap3A_15 = vector.load %arg7[%swap3A_13, %swap3A_14] : memref<256x4096xf32, #tpu.memory_space<vmem>>, vector<256x4096xf32>
    tpu.vector_store %arg7[%swap3A_13, %swap3A_14], %dot_general3A_10 {strides = array<i32>} : memref<256x4096xf32, #tpu.memory_space<vmem>>, vector<256x4096xf32>,
    %get3A_16 = arith.constant 0 : index
    %get3A_17 = arith.constant 0 : index
    %get3A_18 = vector.load %arg4[%get3A_16, %get3A_17] : memref<4096x16xf32, #tpu.memory_space<vmem>>, vector<4096x16xf32>
    %dot_general3A_19 = arith.constant dense<0.000000e+00> : vector<256x16xf32>
    %dot_general3A_20 = tpu.matmul %dot_general3A_5, %get3A_18, %dot_general3A_19 {dimension_numbers = #tpu.dot_dimension_numbers<[1], [0], [0], [1], [0, 0, 1, 1], [], []>, transpose_lhs_hint = false} : vector<256x4096xf32>, vector<4096x16xf32>, vector<256x16xf32> -> vector<256x16xf32>
    %swap3A_21 = arith.constant 0 : index
    %swap3A_22 = arith.constant 0 : index
    %swap3A_23 = vector.load %arg8[%swap3A_21, %swap3A_22] : memref<256x16xf32, #tpu.memory_space<vmem>>, vector<256x16xf32>
    tpu.vector_store %arg8[%swap3A_21, %swap3A_22], %dot_general3A_20 {strides = array<i32>} : memref<256x16xf32, #tpu.memory_space<vmem>>, vector<256x16xf32>,
    %get3A_24 = arith.constant 0 : index
    %get3A_25 = arith.constant 0 : index
    %get3A_26 = vector.load %arg5[%get3A_24, %get3A_25] : memref<4096x16xf32, #tpu.memory_space<vmem>>, vector<4096x16xf32>
    %dot_general3A_27 = arith.constant dense<0.000000e+00> : vector<256x16xf32>
    %dot_general3A_28 = tpu.matmul %dot_general3A_10, %get3A_26, %dot_general3A_27 {dimension_numbers = #tpu.dot_dimension_numbers<[1], [0], [0], [1], [0, 0, 1, 1], [], []>, transpose_lhs_hint = false} : vector<256x4096xf32>, vector<4096x16xf32>, vector<256x16xf32> -> vector<256x16xf32>
    %swap3A_29 = arith.constant 0 : index
    %swap3A_30 = arith.constant 0 : index
    %swap3A_31 = vector.load %arg9[%swap3A_29, %swap3A_30] : memref<256x16xf32, #tpu.memory_space<vmem>>, vector<256x16xf32>
    tpu.vector_store %arg9[%swap3A_29, %swap3A_30], %dot_general3A_28 {strides = array<i32>} : memref<256x16xf32, #tpu.memory_space<vmem>>, vector<256x16xf32>,
    return
  }
  func.func @transform_0(%arg0: i32) -> (i32, i32) {
    %c0_i32 = arith.constant 0 : i32
    %c0_i32_0 = arith.constant 0 : i32
    return %arg0, %c0_i32 : i32, i32
  }
  func.func @transform_1(%arg0: i32) -> (i32, i32) {
    %c0_i32 = arith.constant 0 : i32
    %c0_i32_0 = arith.constant 0 : i32
    %c0_i32_1 = arith.constant 0 : i32
    return %c0_i32, %c0_i32_0 : i32, i32
  }
  func.func @transform_2(%arg0: i32) -> (i32, i32) {
    %c0_i32 = arith.constant 0 : i32
    %c0_i32_0 = arith.constant 0 : i32
    %c0_i32_1 = arith.constant 0 : i32
    return %c0_i32, %c0_i32_0 : i32, i32
  }
  func.func @transform_3(%arg0: i32) -> (i32, i32) {
    %c0_i32 = arith.constant 0 : i32
    %c0_i32_0 = arith.constant 0 : i32
    %c0_i32_1 = arith.constant 0 : i32
    return %c0_i32, %c0_i32_0 : i32, i32
  }
  func.func @transform_4(%arg0: i32) -> (i32, i32) {
    %c0_i32 = arith.constant 0 : i32
    %c0_i32_0 = arith.constant 0 : i32
    %c0_i32_1 = arith.constant 0 : i32
    return %c0_i32, %c0_i32_0 : i32, i32
  }
  func.func @transform_5(%arg0: i32) -> (i32, i32) {
    %c0_i32 = arith.constant 0 : i32
    %c0_i32_0 = arith.constant 0 : i32
    return %arg0, %c0_i32 : i32, i32
  }
  func.func @transform_6(%arg0: i32) -> (i32, i32) {
    %c0_i32 = arith.constant 0 : i32
    %c0_i32_0 = arith.constant 0 : i32
    return %arg0, %c0_i32 : i32, i32
  }
  func.func @transform_7(%arg0: i32) -> (i32, i32) {
    %c0_i32 = arith.constant 0 : i32
    %c0_i32_0 = arith.constant 0 : i32
    return %arg0, %c0_i32 : i32, i32
  }
  func.func @transform_8(%arg0: i32) -> (i32, i32) {
    %c0_i32 = arith.constant 0 : i32
    %c0_i32_0 = arith.constant 0 : i32
    return %arg0, %c0_i32 : i32, i32
  }
}

module attributes {stable_mosaic.version = 14 : i64} {
  func.func @_attn_body(%arg0: i32, %arg1: i32, %arg2: memref<1024x1024xf32, #tpu.memory_space<vmem>>, %arg3: memref<1024x512xf32, #tpu.memory_space<vmem>>, %arg4: memref<1024x16xf32, #tpu.memory_space<vmem>>, %arg5: memref<1024x512xf32, #tpu.memory_space<vmem>>) attributes {dimension_semantics = [#tpu.dimension_semantics<arbitrary>, #tpu.dimension_semantics<arbitrary>], iteration_bounds = array<i64: 8, 8>, scalar_prefetch = 0 : i64, scratch_operands = 0 : i64, tpu.core_type = #tpu.core_type<tc>, window_params = [{transform_indices = @transform_0, window_bounds = array<i64: 1024, 1024>}, {transform_indices = @transform_1, window_bounds = array<i64: 1024, 512>}, {transform_indices = @transform_2, window_bounds = array<i64: 1024, 16>}, {transform_indices = @transform_3, window_bounds = array<i64: 1024, 512>}]} {
    %get3A = arith.constant 0 : index
    %get3A_0 = arith.constant 0 : index
    %get3A_1 = vector.load %arg2[%get3A, %get3A_0] : memref<1024x1024xf32, #tpu.memory_space<vmem>>, vector<1024x1024xf32>
    %get3A_2 = arith.constant 0 : index
    %get3A_3 = arith.constant 0 : index
    %get3A_4 = vector.load %arg4[%get3A_2, %get3A_3] : memref<1024x16xf32, #tpu.memory_space<vmem>>, vector<1024x16xf32>
    %iota3A = tpu.iota {dimensions = array<i32: 0>} : vector<16x1xi32>
    %eq3A = vector.broadcast %arg1 : i32 to vector<16x1xi32>
    %eq3A_5 = arith.cmpi eq, %iota3A, %eq3A : vector<16x1xi32>
    %convert_element_type3A = arith.extui %eq3A_5 : vector<16x1xi1> to vector<16x1xi32>
    %convert_element_type3A_6 = arith.sitofp %convert_element_type3A : vector<16x1xi32> to vector<16x1xf32>
    %dot_general3A = arith.constant dense<0.000000e+00> : vector<1024x1xf32>
    %dot_general3A_7 = tpu.matmul %get3A_4, %convert_element_type3A_6, %dot_general3A {dimension_numbers = #tpu.dot_dimension_numbers<[1], [0], [0], [1], [0, 0, 1, 1], [], []>, transpose_lhs_hint = false} : vector<1024x16xf32>, vector<16x1xf32>, vector<1024x1xf32> -> vector<1024x1xf32>
    %add3A = arith.constant 8 : i32
    %add3A_8 = arith.addi %add3A, %arg1 : i32
    %eq3A_9 = vector.broadcast %add3A_8 : i32 to vector<16x1xi32>
    %eq3A_10 = arith.cmpi eq, %iota3A, %eq3A_9 : vector<16x1xi32>
    %convert_element_type3A_11 = arith.extui %eq3A_10 : vector<16x1xi1> to vector<16x1xi32>
    %convert_element_type3A_12 = arith.sitofp %convert_element_type3A_11 : vector<16x1xi32> to vector<16x1xf32>
    %dot_general3A_13 = arith.constant dense<0.000000e+00> : vector<1024x1xf32>
    %dot_general3A_14 = tpu.matmul %get3A_4, %convert_element_type3A_12, %dot_general3A_13 {dimension_numbers = #tpu.dot_dimension_numbers<[1], [0], [0], [1], [0, 0, 1, 1], [], []>, transpose_lhs_hint = false} : vector<1024x16xf32>, vector<16x1xf32>, vector<1024x1xf32> -> vector<1024x1xf32>
    %broadcast_in_dim3A = arith.constant 1.000000e+00 : f32
    %broadcast_in_dim3A_15 = vector.broadcast %broadcast_in_dim3A : f32 to vector<1024x1xf32>
    %concatenate3A = tpu.concatenate %dot_general3A_14, %broadcast_in_dim3A_15 in 1 : vector<1024x1xf32>, vector<1024x1xf32> -> vector<1024x2xf32>
    %concatenate3A_16 = tpu.concatenate %broadcast_in_dim3A_15, %dot_general3A_7 in 1 : vector<1024x1xf32>, vector<1024x1xf32> -> vector<1024x2xf32>
    %dot_general3A_17 = arith.constant dense<0.000000e+00> : vector<1024x1024xf32>
    %dot_general3A_18 = tpu.matmul %concatenate3A, %concatenate3A_16, %dot_general3A_17 {dimension_numbers = #tpu.dot_dimension_numbers<[1], [1], [0], [0], [0, 0, 1, 0], [], []>, transpose_lhs_hint = false} : vector<1024x2xf32>, vector<1024x2xf32>, vector<1024x1024xf32> -> vector<1024x1024xf32>
    %ge3A = arith.constant 0.000000e+00 : f32
    %ge3A_19 = vector.broadcast %ge3A : f32 to vector<1024x1024xf32>
    %ge3A_20 = arith.cmpf oge, %dot_general3A_18, %ge3A_19 : vector<1024x1024xf32>
    %mul3A = arith.constant 2.000000e-01 : f32
    %mul3A_21 = vector.broadcast %mul3A : f32 to vector<1024x1024xf32>
    %mul3A_22 = arith.mulf %mul3A_21, %dot_general3A_18 : vector<1024x1024xf32>
    %select_n3A = arith.select %ge3A_20, %dot_general3A_18, %mul3A_22 : vector<1024x1024xi1>, vector<1024x1024xf32>
    %exp3A = math.exp %select_n3A : vector<1024x1024xf32>
    %mul3A_23 = arith.mulf %get3A_1, %exp3A : vector<1024x1024xf32>
    %reduce_sum3A = arith.constant dense<0.000000e+00> : vector<1024xf32>
    %reduce_sum3A_24 = vector.multi_reduction <add>, %mul3A_23, %reduce_sum3A [1] : vector<1024x1024xf32> to vector<1024xf32>
    %broadcast_in_dim3A_25 = vector.shape_cast %reduce_sum3A_24 : vector<1024xf32> to vector<1024x1xf32>
    %get3A_26 = arith.constant 0 : index
    %get3A_27 = arith.constant 0 : index
    %get3A_28 = vector.load %arg3[%get3A_26, %get3A_27] : memref<1024x512xf32, #tpu.memory_space<vmem>>, vector<1024x512xf32>
    %dot_general3A_29 = arith.constant dense<0.000000e+00> : vector<1024x512xf32>
    %dot_general3A_30 = tpu.matmul %mul3A_23, %get3A_28, %dot_general3A_29 {dimension_numbers = #tpu.dot_dimension_numbers<[1], [0], [0], [1], [0, 0, 1, 1], [], []>, transpose_lhs_hint = false} : vector<1024x1024xf32>, vector<1024x512xf32>, vector<1024x512xf32> -> vector<1024x512xf32>
    %div3A = vector.broadcast %broadcast_in_dim3A_25 : vector<1024x1xf32> to vector<1024x512xf32>
    %div3A_31 = arith.divf %dot_general3A_30, %div3A : vector<1024x512xf32>
    %eq3A_32 = arith.constant 0 : i32
    %eq3A_33 = arith.cmpi eq, %arg1, %eq3A_32 : i32
    %convert_element_type3A_34 = arith.extui %eq3A_33 : i1 to i32
    %cond3A = arith.constant 0 : i32
    %cond3A_35 = arith.cmpi ne, %convert_element_type3A_34, %cond3A : i32
    scf.if %cond3A_35 {
      %swap3A = arith.constant 0 : index
      %swap3A_40 = arith.constant 0 : index
      %swap3A_41 = vector.load %arg5[%swap3A, %swap3A_40] : memref<1024x512xf32, #tpu.memory_space<vmem>>, vector<1024x512xf32>
      tpu.vector_store %arg5[%swap3A, %swap3A_40], %div3A_31 {strides = array<i32>} : memref<1024x512xf32, #tpu.memory_space<vmem>>, vector<1024x512xf32>,
    } else {
    }
    %ne3A = arith.constant 0 : i32
    %ne3A_36 = arith.cmpi ne, %arg1, %ne3A : i32
    %convert_element_type3A_37 = arith.extui %ne3A_36 : i1 to i32
    %cond3A_38 = arith.constant 0 : i32
    %cond3A_39 = arith.cmpi ne, %convert_element_type3A_37, %cond3A_38 : i32
    scf.if %cond3A_39 {
      %get3A_40 = arith.constant 0 : index
      %get3A_41 = arith.constant 0 : index
      %get3A_42 = vector.load %arg5[%get3A_40, %get3A_41] : memref<1024x512xf32, #tpu.memory_space<vmem>>, vector<1024x512xf32>
      %add3A_43 = arith.addf %get3A_42, %div3A_31 : vector<1024x512xf32>
      %swap3A = arith.constant 0 : index
      %swap3A_44 = arith.constant 0 : index
      %swap3A_45 = vector.load %arg5[%swap3A, %swap3A_44] : memref<1024x512xf32, #tpu.memory_space<vmem>>, vector<1024x512xf32>
      tpu.vector_store %arg5[%swap3A, %swap3A_44], %add3A_43 {strides = array<i32>} : memref<1024x512xf32, #tpu.memory_space<vmem>>, vector<1024x512xf32>,
    } else {
    }
    return
  }
  func.func @transform_0(%arg0: i32, %arg1: i32) -> (i32, i32) {
    %c0_i32 = arith.constant 0 : i32
    %c0_i32_0 = arith.constant 0 : i32
    return %arg0, %c0_i32 : i32, i32
  }
  func.func @transform_1(%arg0: i32, %arg1: i32) -> (i32, i32) {
    %c0_i32 = arith.constant 0 : i32
    return %arg0, %arg1 : i32, i32
  }
  func.func @transform_2(%arg0: i32, %arg1: i32) -> (i32, i32) {
    %c0_i32 = arith.constant 0 : i32
    %c0_i32_0 = arith.constant 0 : i32
    return %arg0, %c0_i32 : i32, i32
  }
  func.func @transform_3(%arg0: i32, %arg1: i32) -> (i32, i32) {
    %c0_i32 = arith.constant 0 : i32
    %c0_i32_0 = arith.constant 0 : i32
    return %arg0, %c0_i32 : i32, i32
  }
}

module attributes {stable_mosaic.version = 14 : i64} {
  func.func @_final_body(%arg0: i32, %arg1: memref<1024x512xf32, #tpu.memory_space<vmem>>, %arg2: memref<1024x512xf32, #tpu.memory_space<vmem>>, %arg3: memref<1024x512xf32, #tpu.memory_space<vmem>>, %arg4: memref<512xf32, #tpu.memory_space<vmem>>, %arg5: memref<512xf32, #tpu.memory_space<vmem>>, %arg6: memref<512xf32, #tpu.memory_space<vmem>>, %arg7: memref<1x1024x512xf32, #tpu.memory_space<vmem>>) attributes {dimension_semantics = [#tpu.dimension_semantics<arbitrary>], iteration_bounds = array<i64: 8>, scalar_prefetch = 0 : i64, scratch_operands = 0 : i64, tpu.core_type = #tpu.core_type<tc>, window_params = [{transform_indices = @transform_0, window_bounds = array<i64: 1024, 512>}, {transform_indices = @transform_1, window_bounds = array<i64: 1024, 512>}, {pipeline_mode = #tpu.pipeline_mode<synchronous>, transform_indices = @transform_2, window_bounds = array<i64: 1024, 512>}, {pipeline_mode = #tpu.pipeline_mode<synchronous>, transform_indices = @transform_3, window_bounds = array<i64: 512>}, {pipeline_mode = #tpu.pipeline_mode<synchronous>, transform_indices = @transform_4, window_bounds = array<i64: 512>}, {pipeline_mode = #tpu.pipeline_mode<synchronous>, transform_indices = @transform_5, window_bounds = array<i64: 512>}, {transform_indices = @transform_6, window_bounds = array<i64: 1, 1024, 512>}]} {
    %get3A = arith.constant 0 : index
    %get3A_0 = arith.constant 0 : index
    %get3A_1 = vector.load %arg1[%get3A, %get3A_0] : memref<1024x512xf32, #tpu.memory_space<vmem>>, vector<1024x512xf32>
    %mul3A = arith.constant 1.250000e-01 : f32
    %mul3A_2 = vector.broadcast %mul3A : f32 to vector<1024x512xf32>
    %mul3A_3 = arith.mulf %get3A_1, %mul3A_2 : vector<1024x512xf32>
    %get3A_4 = arith.constant 0 : index
    %get3A_5 = vector.load %arg4[%get3A_4] : memref<512xf32, #tpu.memory_space<vmem>>, vector<512xf32>
    %broadcast_in_dim3A = vector.shape_cast %get3A_5 : vector<512xf32> to vector<1x512xf32>
    %add3A = vector.broadcast %broadcast_in_dim3A : vector<1x512xf32> to vector<1024x512xf32>
    %add3A_6 = arith.addf %mul3A_3, %add3A : vector<1024x512xf32>
    %get3A_7 = arith.constant 0 : index
    %get3A_8 = arith.constant 0 : index
    %get3A_9 = vector.load %arg2[%get3A_7, %get3A_8] : memref<1024x512xf32, #tpu.memory_space<vmem>>, vector<1024x512xf32>
    %mul3A_10 = arith.constant 1.250000e-01 : f32
    %mul3A_11 = vector.broadcast %mul3A_10 : f32 to vector<1024x512xf32>
    %mul3A_12 = arith.mulf %get3A_9, %mul3A_11 : vector<1024x512xf32>
    %get3A_13 = arith.constant 0 : index
    %get3A_14 = vector.load %arg5[%get3A_13] : memref<512xf32, #tpu.memory_space<vmem>>, vector<512xf32>
    %broadcast_in_dim3A_15 = vector.shape_cast %get3A_14 : vector<512xf32> to vector<1x512xf32>
    %add3A_16 = vector.broadcast %broadcast_in_dim3A_15 : vector<1x512xf32> to vector<1024x512xf32>
    %add3A_17 = arith.addf %mul3A_12, %add3A_16 : vector<1024x512xf32>
    %get3A_18 = arith.constant 0 : index
    %get3A_19 = arith.constant 0 : index
    %get3A_20 = vector.load %arg3[%get3A_18, %get3A_19] : memref<1024x512xf32, #tpu.memory_space<vmem>>, vector<512x512xf32>
    %dot_general3A = arith.constant dense<0.000000e+00> : vector<1024x512xf32>
    %dot_general3A_21 = tpu.matmul %add3A_6, %get3A_20, %dot_general3A {dimension_numbers = #tpu.dot_dimension_numbers<[1], [0], [0], [1], [0, 0, 1, 1], [], []>, transpose_lhs_hint = false} : vector<1024x512xf32>, vector<512x512xf32>, vector<1024x512xf32> -> vector<1024x512xf32>
    %get3A_22 = arith.constant 512 : index
    %get3A_23 = arith.constant 0 : index
    %get3A_24 = vector.load %arg3[%get3A_22, %get3A_23] : memref<1024x512xf32, #tpu.memory_space<vmem>>, vector<512x512xf32>
    %dot_general3A_25 = arith.constant dense<0.000000e+00> : vector<1024x512xf32>
    %dot_general3A_26 = tpu.matmul %add3A_17, %get3A_24, %dot_general3A_25 {dimension_numbers = #tpu.dot_dimension_numbers<[1], [0], [0], [1], [0, 0, 1, 1], [], []>, transpose_lhs_hint = false} : vector<1024x512xf32>, vector<512x512xf32>, vector<1024x512xf32> -> vector<1024x512xf32>
    %add3A_27 = arith.addf %dot_general3A_21, %dot_general3A_26 : vector<1024x512xf32>
    %get3A_28 = arith.constant 0 : index
    %get3A_29 = vector.load %arg6[%get3A_28] : memref<512xf32, #tpu.memory_space<vmem>>, vector<512xf32>
    %broadcast_in_dim3A_30 = vector.shape_cast %get3A_29 : vector<512xf32> to vector<1x512xf32>
    %add3A_31 = vector.broadcast %broadcast_in_dim3A_30 : vector<1x512xf32> to vector<1024x512xf32>
    %add3A_32 = arith.addf %add3A_27, %add3A_31 : vector<1024x512xf32>
    %swap3A = arith.constant 0 : index
    %swap3A_33 = arith.constant 0 : index
    %swap3A_34 = arith.constant 0 : index
    %swap3A_35 = vector.load %arg7[%swap3A, %swap3A_33, %swap3A_34] : memref<1x1024x512xf32, #tpu.memory_space<vmem>>, vector<1x1024x512xf32>
    %swap3A_36 = vector.shape_cast %swap3A_35 : vector<1x1024x512xf32> to vector<1024x512xf32>
    %swap3A_37 = vector.shape_cast %add3A_32 : vector<1024x512xf32> to vector<1x1024x512xf32>
    tpu.vector_store %arg7[%swap3A, %swap3A_33, %swap3A_34], %swap3A_37 {strides = array<i32>} : memref<1x1024x512xf32, #tpu.memory_space<vmem>>, vector<1x1024x512xf32>,
    return
  }
  func.func @transform_0(%arg0: i32) -> (i32, i32) {
    %c0_i32 = arith.constant 0 : i32
    %c0_i32_0 = arith.constant 0 : i32
    return %arg0, %c0_i32 : i32, i32
  }
  func.func @transform_1(%arg0: i32) -> (i32, i32) {
    %c0_i32 = arith.constant 0 : i32
    %c0_i32_0 = arith.constant 0 : i32
    return %arg0, %c0_i32 : i32, i32
  }
  func.func @transform_2(%arg0: i32) -> (i32, i32) {
    %c0_i32 = arith.constant 0 : i32
    %c0_i32_0 = arith.constant 0 : i32
    %c0_i32_1 = arith.constant 0 : i32
    return %c0_i32, %c0_i32_0 : i32, i32
  }
  func.func @transform_3(%arg0: i32) -> i32 {
    %c0_i32 = arith.constant 0 : i32
    %c0_i32_0 = arith.constant 0 : i32
    return %c0_i32 : i32
  }
  func.func @transform_4(%arg0: i32) -> i32 {
    %c0_i32 = arith.constant 0 : i32
    %c0_i32_0 = arith.constant 0 : i32
    return %c0_i32 : i32
  }
  func.func @transform_5(%arg0: i32) -> i32 {
    %c0_i32 = arith.constant 0 : i32
    %c0_i32_0 = arith.constant 0 : i32
    return %c0_i32 : i32
  }
  func.func @transform_6(%arg0: i32) -> (i32, i32, i32) {
    %c0_i32 = arith.constant 0 : i32
    %c0_i32_0 = arith.constant 0 : i32
    %c0_i32_1 = arith.constant 0 : i32
    return %arg0, %c0_i32, %c0_i32_0 : i32, i32, i32
  }
}

</mosaic_0001>

<sc_bundles>
// kernel: kernel.7.cloned.1.call-start
scs
__scs_entry_jumppad:
0x0: {  	(pc) =	sbr.rel $0x88, $3  }
0x1: {  	(tag) =	ssettag $0x0;
	lr =	simm.s32 $0x1  }
0x2: {  	[smem:$0x3F94] =	sst lr;
	_ =	strace $0xD0000000  }
0x3: {  	_ = 	snop  }
0x4: {  	_ = 	snop  }
0x5: {  	_ = 	snop  }
0x6: {  	_ = 	snop  }
0x7: {  	_ = 	snop  }
__scs_overlays_trampoline_lowered:
0x8: {  	[smem:$0x3FA3] =	sst s0  }
0x9: {  	[smem:$0x3FA4] =	sst s1  }
0xa: {  	[smem:$0x3FA5] =	sst s2  }
0xb: {  	[smem:$0x3FA6] =	sst s3  }
0xc: {  	[smem:$0x3FA7] =	sst s4  }
0xd: {  	[smem:$0x3FA8] =	sst s5  }
0xe: {  	[smem:$0x3FA9] =	sst s6  }
0xf: {  	[smem:$0x3FAA] =	sst s7  }
0x10: {  	[smem:$0x3FAB] =	sst s8  }
0x11: {  	[smem:$0x3FAC] =	sst s9;
	s0 =	simm.s32 @!p0 $0x0  }
0x12: {  	s1 =	sld [smem:$0x3F92];
	s0 =	simm.s32 @p0 $0x1  }
0x13: {  	[smem:$0x3FAD] =	sst s0;
	s0 =	simm.s32 @!p1 $0x0  }
0x14: {  	s2 =	sld [smem:$0x3F91];
	s0 =	simm.s32 @p1 $0x1  }
0x15: {  	[smem:$0x3FAE] =	sst s0;
	s0 =	simm.s32 @!p2 $0x0  }
0x16: {  	s3 =	sld [smem:$0x3FDB];
	s0 =	simm.s32 @p2 $0x1  }
0x17: {  	s4 =	simm.s32 $0x1BF5;
	[smem:$0x3FB0] =	sst s0  }
0x18: {  	s0 =	sld [smem:$0x3F93];
	_ =	swait.ge [sflag:s4], $0x0  }
0x19: {  	s7 =	sld [smem:$0x3F94]  }
0x1a: {  	s8 =	sadd.s32 $0xFFFFE003, lr  }
0x1b: {  	s9 =	sadd.s32 $0xFFFFFEF7, lr;
	s5 =	simm.s32 $0xFFFFFFFF;
	p2 =	slt.u32 s8, $0xFFFFF086  }
0x1c: {  	p1 =	slt.u32 s9, $0xF7A;
	s5 =	simm.s32 @!p2 $0x0  }
0x1d: {  	s5 =	simm.s32 @p1 $0x1;
	p0 =	seq.s32 s7, s2  }
0x1e: {  	s7 =	smul.u32 @!p0 $0xF7A, s2;
	p2 =	seq.s32 @!p0 s5, $0x0  }
0x1f: {  	s9 =	smul.u32 $0xF7A, s1;
	s8 =	simm.s32 @!p0 $0x1BF5;
	p2 =	por !p2, p0  }
0x20: {  	[sflag:s8] =	ssyncset.s32 @!p0 $0xFFFFF086;
	s6 =	sadd.s32 @!p0 s3, s7;
	s7 =	simm.s32 @!p0 $0x108  }
0x21: {  	s3 =	sadd.s32 s3, s9;
	s6 =	sadd.s32 @!p0 $0x88, s6;
	s7 =	simm.s32 @p2 $0x1082  }
0x22: {  	[simem:s7], [sflag:s8] =	dma.local @!p0 [hbm:s6], $0xF7A  }
0x23: {  	s9 =	sor.u32 $0xD0000000, s2;
	s6 =	simm.s32 $0x108;
	_ =	swait.ge @!p0 [sflag:s8], $0x0  }
0x24: {  	s3 =	sadd.s32 $0x88, s3;
	s6 =	simm.s32 @!p1 $0x1082;
	[sflag:s4] =	ssyncset.s32 $0xFFFFF086  }
0x25: {  	[simem:s6], [sflag:s4] =	dma.local [hbm:s3], $0xF7A  }
0x26: {  	[smem:$0x3F94] =	sst s1;
	(tag) =	ssettag s2;
	_ =	strace s9  }
0x27: {  	s1 =	sld [smem:$0x3FA4]  }
0x28: {  	s2 =	sld [smem:$0x3FA5]  }
0x29: {  	s4 =	sld [smem:$0x3FA7]  }
0x2a: {  	p0 =	seq.s32 s5, $0x0;
	s5 =	sld [smem:$0x3FA8]  }
0x2b: {  	s6 =	sld [smem:$0x3FA9]  }
0x2c: {  	s7 =	sld [smem:$0x3FAA]  }
0x2d: {  	s3 =	simm.s32 $0x108;
	s8 =	sld [smem:$0x3FAB]  }
0x2e: {  	s3 =	simm.s32 @!p0 $0x1082;
	s9 =	sld [smem:$0x3FAC]  }
0x2f: {  	lr =	sadd.s32 s0, s3;
	s0 =	sld [smem:$0x3FA3]  }
0x30: {  	s3 =	sld [smem:$0x3FA6]  }
0x31: {  	[smem:$0x3FAF] =	sst s10  }
0x32: {  	s10 =	sld [smem:$0x3FAD];
	_ =	sdelay $0x3  }
0x33: {  	p0 =	seq.s32 s10, $0x1;
	s10 =	sld [smem:$0x3FAF];
	_ =	sdelay $0x3  }
0x34: {  	[smem:$0x3FAF] =	sst s10  }
0x35: {  	s10 =	sld [smem:$0x3FAE];
	_ =	sdelay $0x3  }
0x36: {  	p1 =	seq.s32 s10, $0x1;
	s10 =	sld [smem:$0x3FAF];
	_ =	sdelay $0x3  }
0x37: {  	[smem:$0x3FAF] =	sst s10  }
0x38: {  	s10 =	sld [smem:$0x3FB0]  }
0x39: {  	_ = 	snop;
	(pc) =	sbr.ind lr, $3  }
0x3a: {  	_ = 	snop  }
0x3b: {  	_ = 	snop  }
0x3c: {  	p2 =	seq.s32 s10, $0x1;
	s10 =	sld [smem:$0x3FAF]  }
0x3d: {  	_ =	shalt  }
0x3e: {  	_ =	shalt  }
0x3f: {  	_ =	shalt  }
0x40: {  	_ =	shalt  }
0x41: {  	_ =	shalt  }
0x42: {  	_ =	shalt  }
0x43: {  	_ =	shalt  }
0x44: {  	_ =	shalt  }
0x45: {  	_ =	shalt  }
0x46: {  	_ =	shalt  }
0x47: {  	_ =	shalt  }
0x48: {  	_ =	shalt  }
0x49: {  	_ =	shalt  }
0x4a: {  	_ =	shalt  }
0x4b: {  	_ =	shalt  }
0x4c: {  	_ =	shalt  }
0x4d: {  	_ =	shalt  }
0x4e: {  	_ =	shalt  }
0x4f: {  	_ =	shalt  }
0x50: {  	_ =	shalt  }
0x51: {  	_ =	shalt  }
0x52: {  	_ =	shalt  }
0x53: {  	_ =	shalt  }
0x54: {  	_ =	shalt  }
0x55: {  	_ =	shalt  }
0x56: {  	_ =	shalt  }
0x57: {  	_ =	shalt  }
0x58: {  	_ =	shalt  }
0x59: {  	_ =	shalt  }
0x5a: {  	_ =	shalt  }
0x5b: {  	_ =	shalt  }
0x5c: {  	_ =	shalt  }
0x5d: {  	_ =	shalt  }
0x5e: {  	_ =	shalt  }
0x5f: {  	_ =	shalt  }
0x60: {  	_ =	shalt  }
0x61: {  	_ =	shalt  }
0x62: {  	_ =	shalt  }
0x63: {  	_ =	shalt  }
0x64: {  	_ =	shalt  }
0x65: {  	_ =	shalt  }
0x66: {  	_ =	shalt  }
0x67: {  	_ =	shalt  }
0x68: {  	_ =	shalt  }
0x69: {  	_ =	shalt  }
0x6a: {  	_ =	shalt  }
0x6b: {  	_ =	shalt  }
0x6c: {  	_ =	shalt  }
0x6d: {  	_ =	shalt  }
0x6e: {  	_ =	shalt  }
0x6f: {  	_ =	shalt  }
0x70: {  	_ =	shalt  }
0x71: {  	_ =	shalt  }
0x72: {  	_ =	shalt  }
0x73: {  	_ =	shalt  }
0x74: {  	_ =	shalt  }
0x75: {  	_ =	shalt  }
0x76: {  	_ =	shalt  }
0x77: {  	_ =	shalt  }
0x78: {  	_ =	shalt  }
0x79: {  	_ =	shalt  }
0x7a: {  	_ =	shalt  }
0x7b: {  	_ =	shalt  }
0x7c: {  	_ =	shalt  }
0x7d: {  	_ =	shalt  }
0x7e: {  	_ =	shalt  }
0x7f: {  	_ =	shalt  }
0x80: {  	_ =	shalt  }
0x81: {  	_ =	shalt  }
0x82: {  	_ =	shalt  }
0x83: {  	_ =	shalt  }
0x84: {  	_ =	shalt  }
0x85: {  	_ =	shalt  }
0x86: {  	_ =	shalt  }
0x87: {  	_ =	shalt  }
.Lfunc_end0:
.L_simem_size_0:
called_computation_lowered:
.L_overlay_start_0:
0x88: {  	s2 =	sld [smem:$0x3FD9]  }
0x89: {  	s3 =	sld [smem:$0x3FFE];
	_ =	sdelay $0x1  }
0x8a: {  	s1 =	srdreg.scid  }
0x8b: {  	s0 =	sand.u32 $0x1, s1  }
0x8c: {  	s17 =	sshll.u32 s0, $0xA;
	s2 =	sadd.s32 s3, s2  }
0x8d: {  	s2 =	sadd.s32 s2, s17  }
0x8e: {  	[smem:$0x3FBB] =	sst s2  }
0x8f: {  	_ = 	snop  }
0x90: {  	s2 =	sld [smem:$0x3FD0];
	(tm) =	ssettm $0x1  }
0x91: {  	s18 =	sld [smem:$0x3FFB];
	_ =	sdelay $0x3  }
0x92: {  	_ =	strace s18  }
0x93: {  	s3 =	sld [smem:$0x3FFC];
	_ =	sdelay $0x3  }
0x94: {  	_ =	strace s3  }
0x95: {  	s3 =	sld [smem:$0x3FFD];
	_ =	sdelay $0x3  }
0x96: {  	_ =	strace s3  }
0x97: {  	_ =	strace $0x8FFFFFFF  }
0x98: {  	s19 =	sld [smem:$0x3FDB];
	_ =	sdelay $0x1  }
0x99: {  	s4 =	simm.s32 $_scs_section_size  }
0x9a: {  	s5 =	simm.s32 $_size__tile_overlayer_lowered;
	s6 =	simm.s32 $_tile_overlayer_lowered  }
0x9b: {  	s22 =	simm.s32 $0x1BFF;
	s21 =	sshll.u32 s6, $0x1;
	s3 =	sadd.s32 s4, s19  }
0x9c: {  	s7 =	simm.s32 $0x0;
	s20 =	sshll.u32 s5, $0x1;
	s5 =	sadd.s32 s21, s3  }
0x9d: {  	[timem:s7], [sflag:s22] =	dma.local [hbm:s5], s20  }
0x9e: {  	_ =	swait.ge [sflag:s22], s20  }
0x9f: {  	s4 =	ssub.s32 $0x0, s20;
	[sflag:s22] =	ssyncset.done $0x0  }
0xa0: {  	[sflag:s22] =	ssyncadd.s32 s4;
	_ =	sdelay $0x1  }
0xa1: {  	s23 =	simm.s32 $0x1B8B  }
0xa2: {  	_ =	swait.ge [sflag:s23], $0x1  }
0xa3: {  	[sflag:s23] =	ssyncset.done $0x0  }
0xa4: {  	s25 =	simm.s32 $0x1B8E;
	s24 =	sld [smem:$0x3FFE];
	[sflag:s23] =	ssyncadd.s32 $0xFFFFFFFF  }
0xa5: {  	s26 =	simm.s32 $execute0_lowered;
	[smem:$0x3FD2] =	sst s25  }
0xa6: {  	s5 =	sshll.u32 s26, $0x1;
	_ =	strace $0x80000046;
	[dreg:$0x1] =	wrdreg $0xFFFFFFFF  }
0xa7: {  	s28 =	simm.s32 $_size_execute0_lowered;
	s3 =	sadd.s32 s3, s5;
	[dreg:$0x0] =	wrdreg $0x0  }
0xa8: {  	s5 =	sshll.u32 s28, $0x1;
	[dreg:$0x2] =	wrdreg s3  }
0xa9: {  	[dreg:$0x3] =	wrdreg s5  }
0xaa: {  	[dreg:$0x4] =	wrdreg $0xC0  }
0xab: {  	_ =	task [dreg:s7], $0x5FFFF  }
0xac: {  	[dreg:$0x1] =	wrdreg $0xFFFFFFFF  }
0xad: {  	[dreg:$0x0] =	wrdreg $0x60  }
0xae: {  	[dreg:$0x2] =	wrdreg s2  }
0xaf: {  	[dreg:$0x3] =	wrdreg s24  }
0xb0: {  	[dreg:$0x4] =	wrdreg $0x9  }
0xb1: {  	_ =	task.clear_ibuf [dreg:s7], $0x5FFFF;
	_ =	strace $0x90000046  }
0xb2: {  	s29 =	simm.s32 $0x9;
	_ =	strace $0x80000048  }
0xb3: {  	_ =	swait.ge [sflag:s29], $0x1  }
0xb4: {  	[sflag:s29] =	ssyncadd.s32 $0xFFFFFFFF  }
0xb5: {  	_ =	strace $0x90000048  }
0xb6: {  	_ =	sfence  }
0xb7: {  	s30 =	sld [smem:$0x0];
	_ =	sdelay $0x2  }
0xb8: {  	s31 =	sshll.u32 s1, $0xD;
	s1 =	sshrl.u32 s1, $0x2  }
0xb9: {  	s3 =	sand.u32 $0x4000, s31;
	s1 =	sadd.s32 s1, s30  }
0xba: {  	s0 =	sor.u32 s3, s0;
	s1 =	sshll.u32 s1, $0x11  }
0xbb: {  	s0 =	sor.u32 s1, s0  }
0xbc: {  	s0 =	sadd.s32 $0x8F2B, s0  }
0xbd: {  	[sflag:s0] =	ssyncadd.remote.s32 $0x1  }
0xbe: {  	_ =	sfence.sel $0xFFFF  }
0xbf: {  	[dreg:$0x0] =	wrdreg $0xFFFFFFFF;
	(pc) =	sbr.abs _section_cstart, $3  }
0xc0: {  	[dreg:$0x1] =	wrdreg $0xFFFFFFFF  }
0xc1: {  	_ =	task.clear_ibuf [dreg:s7], $0x2FFFF;
	_ =	strace $0x9FFFFFFF  }
0xc2: {  	(tm) =	ssettm $0x7FFFFFFF  }
0xc3: {  	_ =	shalt  }
tec
execute0_lowered:
.L_overlay_start_1:
0x0: {  	(tag) =	ssettag $0x1  }
0x1: {  	v0 =	vimm.s32 $0x238F;
	vm10 =	vcmask $0x300;
	vm11 =	vcmask $0x704  }
0x2: {  	vm12 =	vcmask $0xB08;
	vm13 =	vcmask $0xF0C;
	vm14 =	vcmask $0x1310  }
0x3: {  	vm8 =	vcmask $0x1714;
	vm9 =	vcmask $0x1B18;
	vm7 =	vcmask $0x1F1C  }
0x4: {  	vm6 =	vcmask $0x2320;
	vm5 =	vcmask $0x2724;
	vm4 =	vcmask $0x2B28  }
0x5: {  	vm3 =	vcmask $0x2F2C;
	vm2 =	vcmask $0x3330;
	vm1 =	vcmask $0x3734  }
0x6: {  	vm0 =	vcmask $0x3B38;
	v3 =	vimm.s32 $0xA3AF;
	v5 =	vimm.s32 $0xE3BF  }
0x7: {  	v6 =	vimm.s32 $0x23CF;
	v8 =	vimm.s32 $0x63DF;
	v9 =	vimm.s32 $0xE3FF  }
0x8: {  	s0 =	srdreg.scid;
	v1 =	vsel vm10, $0x0, v0;
	v3 =	vsel vm10, $0x8020, v3;
	v5 =	vsel vm10, $0xC030, v5  }
0x9: {  	s6 =	sand.u32 $0x1, s0;
	v6 =	vsel vm10, $0x40, v6;
	v8 =	vsel vm10, $0x4050, v8;
	v9 =	vsel vm10, $0xC070, v9  }
0xa: {  	s8 =	sshll.u32 s6, $0x9;
	v1 =	vsel vm11, $0x81, v1;
	v3 =	vsel vm11, $0x80A1, v3;
	v5 =	vsel vm11, $0xC0B1, v5  }
0xb: {  	v6 =	vsel vm11, $0xC1, v6;
	v9 =	vsel vm11, $0xC0F1, v9;
	v0 =	vmov s8  }
0xc: {  	v1 =	vsel vm12, $0x102, v1;
	v3 =	vsel vm12, $0x8122, v3;
	v5 =	vsel vm12, $0xC132, v5  }
0xd: {  	v6 =	vsel vm12, $0x142, v6;
	v9 =	vsel vm12, $0xC172, v9;
	v2 =	vshll.u32 v0, $0x3  }
0xe: {  	s16 =	sor.u32 $0x140, s8;
	v1 =	vsel vm13, $0x183, v1;
	v3 =	vsel vm13, $0x81A3, v3;
	v5 =	vsel vm13, $0xC1B3, v5  }
0xf: {  	v6 =	vsel vm13, $0x1C3, v6;
	v9 =	vsel vm13, $0xC1F3, v9;
	v21 =	vmov s16  }
0x10: {  	v4 =	vbroadcast v2, $0x0;
	v1 =	vsel vm14, $0x204, v1;
	v2 =	vimm.s32 $0x639F  }
0x11: {  	v3 =	vsel vm14, $0x8224, v3;
	v5 =	vsel vm14, $0xC234, v5;
	v6 =	vsel vm14, $0x244, v6  }
0x12: {  	v9 =	vsel vm14, $0xC274, v9;
	v25 =	vshll.u32 v21, $0x3;
	v1 =	vsel vm8, $0x285, v1  }
0x13: {  	v2 =	vsel vm10, $0x4010, v2;
	v3 =	vsel vm8, $0x82A5, v3;
	v5 =	vsel vm8, $0xC2B5, v5  }
0x14: {  	s26 =	sor.u32 $0x180, s8;
	v6 =	vsel vm8, $0x2C5, v6;
	v9 =	vsel vm8, $0xC2F5, v9;
	v26 =	vand.u32 $0x1800, v25  }
0x15: {  	v25 =	vmov s26;
	v1 =	vsel vm9, $0x306, v1;
	v2 =	vsel vm11, $0x4091, v2  }
0x16: {  	v3 =	vsel vm9, $0x8326, v3;
	v5 =	vsel vm9, $0xC336, v5;
	v6 =	vsel vm9, $0x346, v6  }
0x17: {  	s17 =	sor.u32 $0x1C0, s8;
	v9 =	vsel vm9, $0xC376, v9;
	v35 =	vbroadcast v26, $0x0;
	v28 =	vshll.u32 v25, $0x3  }
0x18: {  	v26 =	vmov s17;
	v1 =	vsel vm7, $0x387, v1;
	v2 =	vsel vm12, $0x4112, v2  }
0x19: {  	v3 =	vsel vm7, $0x83A7, v3;
	v5 =	vsel vm7, $0xC3B7, v5;
	v6 =	vsel vm7, $0x3C7, v6  }
0x1a: {  	v9 =	vsel vm7, $0xC3F7, v9;
	v34 =	vbroadcast v28, $0x0;
	v40 =	vshll.u32 v26, $0x3  }
0x1b: {  	v1 =	vsel vm6, $0x2008, v1;
	v2 =	vsel vm13, $0x4193, v2;
	v3 =	vsel vm6, $0xA028, v3  }
0x1c: {  	v5 =	vsel vm6, $0xE038, v5;
	v6 =	vsel vm6, $0x2048, v6;
	v9 =	vsel vm6, $0xE078, v9  }
0x1d: {  	v40 =	vand.u32 $0x1C00, v40;
	v1 =	vsel vm5, $0x2089, v1;
	v2 =	vsel vm14, $0x4214, v2  }
0x1e: {  	v3 =	vsel vm5, $0xA0A9, v3;
	v5 =	vsel vm5, $0xE0B9, v5;
	v6 =	vsel vm5, $0x20C9, v6  }
0x1f: {  	v9 =	vsel vm5, $0xE0F9, v9;
	v40 =	vbroadcast v40, $0x0;
	v1 =	vsel vm4, $0x210A, v1  }
0x20: {  	v2 =	vsel vm8, $0x4295, v2;
	v3 =	vsel vm4, $0xA12A, v3;
	v5 =	vsel vm4, $0xE13A, v5  }
0x21: {  	v6 =	vsel vm4, $0x214A, v6;
	v9 =	vsel vm4, $0xE17A, v9;
	v1 =	vsel vm3, $0x218B, v1  }
0x22: {  	v2 =	vsel vm9, $0x4316, v2;
	v3 =	vsel vm3, $0xA1AB, v3;
	v5 =	vsel vm3, $0xE1BB, v5  }
0x23: {  	v6 =	vsel vm3, $0x21CB, v6;
	v9 =	vsel vm3, $0xE1FB, v9;
	v1 =	vsel vm2, $0x220C, v1  }
0x24: {  	v2 =	vsel vm7, $0x4397, v2;
	v3 =	vsel vm2, $0xA22C, v3;
	v5 =	vsel vm2, $0xE23C, v5  }
0x25: {  	v6 =	vsel vm2, $0x224C, v6;
	v9 =	vsel vm2, $0xE27C, v9;
	v1 =	vsel vm1, $0x228D, v1  }
0x26: {  	s15 =	sor.u32 $0xC0, s8;
	v2 =	vsel vm6, $0x6018, v2;
	v3 =	vsel vm1, $0xA2AD, v3;
	v5 =	vsel vm1, $0xE2BD, v5  }
0x27: {  	v6 =	vsel vm1, $0x22CD, v6;
	v12 =	vsel vm1, $0xE2FD, v9;
	v9 =	vmov s15  }
0x28: {  	s7 =	sor.u32 $0x40, s8;
	v30 =	vsel vm0, $0x230E, v1;
	v2 =	vsel vm5, $0x6099, v2;
	v32 =	vsel vm0, $0xA32E, v3  }
0x29: {  	v33 =	vsel vm0, $0xE33E, v5;
	v5 =	vmov s7;
	v36 =	vsel vm0, $0x234E, v6  }
0x2a: {  	v39 =	vsel vm0, $0xE37E, v12;
	v13 =	vshll.u32 v9, $0x3;
	v1 =	vor.u32 v30, v4  }
0x2b: {  	v2 =	vsel vm4, $0x611A, v2;
	v3 =	vor.u32 v32, v4;
	v7 =	vshll.u32 v5, $0x3  }
0x2c: {  	s23 =	sor.u32 $0x100, s8;
	v14 =	vand.u32 $0x1400, v13;
	v28 =	vor.u32 v36, v35;
	v2 =	vsel vm3, $0x619B, v2  }
0x2d: {  	v7 =	vand.u32 $0x1000, v7;
	v20 =	vbroadcast v14, $0x0;
	v14 =	vmov s23  }
0x2e: {  	v11 =	vbroadcast v7, $0x0;
	v7 =	vsel vm11, $0x40D1, v8;
	v8 =	vimm.s32 $0xA3EF  }
0x2f: {  	v2 =	vsel vm2, $0x621C, v2;
	v19 =	vshll.u32 v14, $0x3;
	v8 =	vsel vm10, $0x8060, v8  }
0x30: {  	v2 =	vsel vm1, $0x629D, v2;
	v7 =	vsel vm12, $0x4152, v7;
	v8 =	vsel vm11, $0x80E1, v8  }
0x31: {  	s4 =	rddreg [dreg:$0x0];
	v17 =	vor.u32 v36, v20;
	v7 =	vsel vm13, $0x41D3, v7;
	v8 =	vsel vm12, $0x8162, v8  }
0x32: {  	s5 =	rddreg [dreg:$0x1];
	v27 =	vbroadcast v19, $0x0;
	v7 =	vsel vm14, $0x4254, v7;
	v8 =	vsel vm13, $0x81E3, v8  }
0x33: {  	s1 =	simm.s32 $0x0;
	s0 =	rddreg [dreg:$0x2];
	v31 =	vsel vm0, $0x631E, v2;
	v7 =	vsel vm8, $0x42D5, v7;
	v8 =	vsel vm14, $0x8264, v8  }
0x34: {  	s2 =	stileid.u32;
	s18 =	simm.s32 $0x0;
	[smem:$0x7FF] =	sst s1;
	v6 =	vor.u32 v36, v11;
	v7 =	vsel vm9, $0x4356, v7;
	v8 =	vsel vm8, $0x82E5, v8  }
0x35: {  	s10 =	sshll.u32 s2, $0xB;
	s3 =	sadd.s32 $0x9200, s5;
	s13 =	sadd.s32 $0xB200, s5;
	v36 =	vor.u32 v36, v40;
	v7 =	vsel vm7, $0x43D7, v7;
	v8 =	vsel vm9, $0x8366, v8  }
0x36: {  	s22 =	sshll.u32 s2, $0x11;
	s24 =	sshll.u32 s2, $0x14;
	_ =	strace $0x80000047;
	v2 =	vor.u32 v31, v4;
	v7 =	vsel vm6, $0x6058, v7;
	v8 =	vsel vm7, $0x83E7, v8  }
0x37: {  	s11 =	sadd.s32 s10, s5;
	s12 =	ssub.s32 $0x2, s6;
	s4 =	sadd.s32 s4, s10;
	v4 =	vor.u32 v33, v4;
	v7 =	vsel vm5, $0x60D9, v7;
	v8 =	vsel vm6, $0xA068, v8  }
0x38: {  	s6 =	sshll.u32 s6, $0x10;
	s9 =	sor.u32 $0x80, s8;
	s21 =	sshrl.u32 s12, $0x1;
	v22 =	vor.u32 v30, v27;
	v7 =	vsel vm4, $0x615A, v7;
	v8 =	vsel vm5, $0xA0E9, v8  }
0x39: {  	s5 =	sadd.s32 $0x1200, s11;
	s6 =	sadd.s32 s13, s6;
	s14 =	ssub.s32 s12, s21;
	v23 =	vor.u32 v31, v27;
	v7 =	vsel vm3, $0x61DB, v7;
	v8 =	vsel vm4, $0xA16A, v8  }
0x3a: {  	s6 =	sadd.s32 s22, s6;
	s25 =	sshll.u32 s15, $0xA;
	s11 =	sshll.u32 s23, $0xA;
	v24 =	vor.u32 v32, v27;
	v7 =	vsel vm2, $0x625C, v7;
	v8 =	vsel vm3, $0xA1EB, v8  }
0x3b: {  	s29 =	sshll.u32 s16, $0xA;
	s30 =	sshll.u32 s17, $0xA;
	s10 =	sor.u32 s24, s25;
	v27 =	vor.u32 v33, v27;
	v7 =	vsel vm1, $0x62DD, v7;
	v8 =	vsel vm2, $0xA26C, v8  }
0x3c: {  	s11 =	sor.u32 s24, s11;
	s16 =	sor.u32 s24, s30;
	s14 =	smax.u32 s14, $0x1;
	v37 =	vsel vm0, $0x635E, v7;
	v10 =	vsel vm1, $0xA2ED, v8;
	v8 =	vmov s9  }
0x3d: {  	s10 =	sshrl.u32 s10, $0x3;
	s28 =	sshrl.u32 s11, $0x3;
	s11 =	sor.u32 s24, s29;
	v7 =	vor.u32 v37, v11;
	v38 =	vsel vm0, $0xA36E, v10;
	v10 =	vshll.u32 v8, $0x3  }
0x3e: {  	s31 =	sshrl.u32 s16, $0x3;
	s16 =	simm.s32 $0x4000;
	s11 =	sshrl.u32 s11, $0x3;
	v18 =	vor.u32 v37, v20;
	v29 =	vor.u32 v37, v35;
	v16 =	vbroadcast v10, $0x0  }
0x3f: {  	s17 =	simm.s32 $0x8000;
	s11 =	sadd.s32 s13, s11;
	s15 =	sshll.u32 s26, $0xA;
	v37 =	vor.u32 v37, v40;
	v10 =	vor.u32 v38, v11;
	v11 =	vor.u32 v39, v11  }
0x40: {  	s7 =	sshll.u32 s7, $0xA;
	s15 =	sor.u32 s24, s15;
	s9 =	sshll.u32 s9, $0xA;
	v19 =	vor.u32 v38, v20;
	v20 =	vor.u32 v39, v20;
	v12 =	vor.u32 v30, v16  }
0x41: {  	s7 =	sor.u32 s24, s7;
	s15 =	sshrl.u32 s15, $0x3;
	s9 =	sor.u32 s24, s9;
	v13 =	vor.u32 v31, v16;
	v15 =	vor.u32 v32, v16;
	v16 =	vor.u32 v33, v16  }
0x42: {  	s7 =	sshrl.u32 s7, $0x3;
	s12 =	sadd.s32 s13, s15;
	s9 =	sshrl.u32 s9, $0x3;
	v30 =	vor.u32 v30, v34;
	v31 =	vor.u32 v31, v34;
	v32 =	vor.u32 v32, v34  }
0x43: {  	s15 =	simm.s32 $0x1;
	s7 =	sadd.s32 s13, s7;
	s8 =	sadd.s32 s13, s9;
	v33 =	vor.u32 v33, v34;
	v34 =	vor.u32 v38, v35;
	v35 =	vor.u32 v39, v35  }
0x44: {  	s9 =	sadd.s32 s13, s10;
	s10 =	sadd.s32 s13, s28;
	s13 =	sadd.s32 s13, s31;
	v38 =	vor.u32 v38, v40;
	v39 =	vor.u32 v39, v40;
	v40 =	vimm.f32 $1.000000000e+00  }
.LBB2_1:
0x45: {  	[tilespmem:s1], [sflag:$0x1] =	stream.linear.gather [hbm4b:s4+s1], $0x4000, $0x38;
	[tilespmem:$0x18000] =	vst v63  }
0x46: {  	_ =	swait.ge [sflag:s15], $0x4000  }
0x47: {  	[sflag:s15] =	ssyncset.done $0x0  }
0x48: {  	[sflag:s15] =	ssyncadd.s32 $0xFFFFC000  }
0x49: {  	[tilespmem:s16], [sflag:$0x1] =	stream.linear.gather [hbm4b:s5+s1], $0x4000, $0x38;
	[tilespmem:$0x18000] =	vst v63  }
0x4a: {  	_ =	swait.ge [sflag:s15], $0x4000  }
0x4b: {  	[sflag:s15] =	ssyncset.done $0x0  }
0x4c: {  	[sflag:s15] =	ssyncadd.s32 $0xFFFFC000  }
0x4d: {  	[tilespmem:s17], [sflag:$0x1] =	stream.linear.gather [hbm4b:s3+s1], $0x10000, $0x38;
	[tilespmem:$0x18000] =	vst v63  }
0x4e: {  	_ =	swait.ge [sflag:s15], $0x10000  }
0x4f: {  	[sflag:s15] =	ssyncset.done $0x0  }
0x50: {  	s19 =	simm.s32 $0x0;
	[sflag:s15] =	ssyncadd.s32 $0xFFFF0000  }
.LBB2_2:
0x51: {  	s20 =	sshra.s32 s19, $0x2  }
0x52: {  	v41 =	vld [tilespmem:s20+$0x0]  }
0x53: {  	v42 =	vld [tilespmem:s20+$0x4000];
	_ =	sdelay $0x3  }
0x54: {  	v43 =	vsub.s32 v41, v0  }
0x55: {  	v45 =	vshll.u32 v42, $0x3;
	v44 =	vshll.u32 v43, $0xA  }
0x56: {  	v41 =	vshll.u32 v41, $0x7;
	v45 =	vand.u32 $0xFFFFFC00, v45;
	v44 =	vand.u32 $0xFFFFE000, v44  }
0x57: {  	v41 =	vand.u32 $0x380, v41;
	v44 =	vadd.s32 v45, v44  }
0x58: {  	v42 =	vand.u32 $0x7F, v42;
	vm0 =	vlt.u32 v43, $0x40;
	v41 =	vor.u32 v41, v44  }
0x59: {  	v41 =	vor.u32 v42, v41;
	_ =	sdelay $0x4  }
0x5a: {  	[tilespmem:v41+s17+$0x0] =	vst.idx.add.f32.msk vm0, v40  }
0x5b: {  	v41 =	vld [tilespmem:s20+$0x10]  }
0x5c: {  	v52 =	vld [tilespmem:s20+$0x4010];
	_ =	sdelay $0x3  }
0x5d: {  	v53 =	vsub.s32 v41, v0  }
0x5e: {  	v55 =	vshll.u32 v52, $0x3;
	v54 =	vshll.u32 v53, $0xA  }
0x5f: {  	v41 =	vshll.u32 v41, $0x7;
	v45 =	vand.u32 $0xFFFFFC00, v55;
	v44 =	vand.u32 $0xFFFFE000, v54  }
0x60: {  	v41 =	vand.u32 $0x380, v41;
	v44 =	vadd.s32 v45, v44  }
0x61: {  	v42 =	vand.u32 $0x7F, v52;
	vm13 =	vlt.u32 v53, $0x40;
	v41 =	vor.u32 v41, v44  }
0x62: {  	v41 =	vor.u32 v42, v41;
	_ =	sdelay $0x4  }
0x63: {  	[tilespmem:v41+s17+$0x0] =	vst.idx.add.f32.msk vm13, v40  }
0x64: {  	v41 =	vld [tilespmem:s20+$0x20]  }
0x65: {  	v56 =	vld [tilespmem:s20+$0x4020];
	_ =	sdelay $0x3  }
0x66: {  	v57 =	vsub.s32 v41, v0  }
0x67: {  	v59 =	vshll.u32 v56, $0x3;
	v58 =	vshll.u32 v57, $0xA  }
0x68: {  	v41 =	vshll.u32 v41, $0x7;
	v45 =	vand.u32 $0xFFFFFC00, v59;
	v44 =	vand.u32 $0xFFFFE000, v58  }
0x69: {  	v41 =	vand.u32 $0x380, v41;
	v44 =	vadd.s32 v45, v44  }
0x6a: {  	v42 =	vand.u32 $0x7F, v56;
	vm14 =	vlt.u32 v57, $0x40;
	v41 =	vor.u32 v41, v44  }
0x6b: {  	v41 =	vor.u32 v42, v41;
	_ =	sdelay $0x4  }
0x6c: {  	[tilespmem:v41+s17+$0x0] =	vst.idx.add.f32.msk vm14, v40  }
0x6d: {  	v41 =	vld [tilespmem:s20+$0x30]  }
0x6e: {  	v60 =	vld [tilespmem:s20+$0x4030];
	_ =	sdelay $0x3  }
0x6f: {  	v61 =	vsub.s32 v41, v0  }
0x70: {  	v63 =	vshll.u32 v60, $0x3;
	v62 =	vshll.u32 v61, $0xA  }
0x71: {  	v41 =	vshll.u32 v41, $0x7;
	v45 =	vand.u32 $0xFFFFFC00, v63;
	v44 =	vand.u32 $0xFFFFE000, v62  }
0x72: {  	v41 =	vand.u32 $0x380, v41;
	v44 =	vadd.s32 v45, v44  }
0x73: {  	v42 =	vand.u32 $0x7F, v60;
	vm15 =	vlt.u32 v61, $0x40;
	v41 =	vor.u32 v41, v44  }
0x74: {  	p0 =	sne.s32 s19, $0xFF00;
	v41 =	vor.u32 v42, v41  }
.Ltmp0:
0x75: {  	_ = 	snop;
	(pc) =	sbr.rel @p0 .LBB2_2-.Ltmp0, $2  }
0x76: {  	_ =	sdelay $0x2  }
0x77: {  	s19 =	sadd.s32 $0x100, s19;
	[tilespmem:v41+s17+$0x0] =	vst.idx.add.f32.msk vm15, v40  }
0x78: {  	_ =	sdelay $0x3  }
0x79: {  	[tilespmem:v1+s17+$0x0] =	vst.idx.add.f32.msk $0xffff, v40  }
0x7a: {  	[tilespmem:v2+s17+$0x0] =	vst.idx.add.f32.msk $0xffff, v40  }
0x7b: {  	[tilespmem:v3+s17+$0x0] =	vst.idx.add.f32.msk $0xffff, v40  }
0x7c: {  	s19 =	simm.s32 $0x0;
	[tilespmem:v4+s17+$0x0] =	vst.idx.add.f32.msk $0xffff, v40  }
0x7d: {  	[hbm4b:s6+s19] =	stream.linear.scatter [tilespmem:s17], [sflag:$0x1], $0x10000, $0x38;
	[tilespmem:$0x18000] =	vst v63  }
0x7e: {  	_ =	swait.ge [sflag:s15], $0x10000  }
0x7f: {  	[sflag:s15] =	ssyncset.done $0x0  }
0x80: {  	[sflag:s15] =	ssyncadd.s32 $0xFFFF0000  }
0x81: {  	[tilespmem:s19], [sflag:$0x1] =	stream.linear.gather [hbm4b:s4+s19], $0x4000, $0x38;
	[tilespmem:$0x18000] =	vst v63  }
0x82: {  	_ =	swait.ge [sflag:s15], $0x4000  }
0x83: {  	[sflag:s15] =	ssyncset.done $0x0  }
0x84: {  	[sflag:s15] =	ssyncadd.s32 $0xFFFFC000  }
0x85: {  	[tilespmem:s16], [sflag:$0x1] =	stream.linear.gather [hbm4b:s5+s19], $0x4000, $0x38;
	[tilespmem:$0x18000] =	vst v63  }
0x86: {  	_ =	swait.ge [sflag:s15], $0x4000  }
0x87: {  	[sflag:s15] =	ssyncset.done $0x0  }
0x88: {  	[sflag:s15] =	ssyncadd.s32 $0xFFFFC000  }
0x89: {  	[tilespmem:s17], [sflag:$0x1] =	stream.linear.gather [hbm4b:s3+s19], $0x10000, $0x38;
	[tilespmem:$0x18000] =	vst v63  }
0x8a: {  	_ =	swait.ge [sflag:s15], $0x10000  }
0x8b: {  	[sflag:s15] =	ssyncset.done $0x0  }
0x8c: {  	[sflag:s15] =	ssyncadd.s32 $0xFFFF0000  }
.LBB2_4:
0x8d: {  	s20 =	sshra.s32 s19, $0x2  }
0x8e: {  	v41 =	vld [tilespmem:s20+$0x0]  }
0x8f: {  	v42 =	vld [tilespmem:s20+$0x4000];
	_ =	sdelay $0x3  }
0x90: {  	v43 =	vsub.s32 v41, v5  }
0x91: {  	v45 =	vshll.u32 v42, $0x3;
	v44 =	vshll.u32 v43, $0xA  }
0x92: {  	v41 =	vshll.u32 v41, $0x7;
	v45 =	vand.u32 $0xFFFFFC00, v45;
	v44 =	vand.u32 $0xFFFFE000, v44  }
0x93: {  	v41 =	vand.u32 $0x380, v41;
	v44 =	vadd.s32 v45, v44  }
0x94: {  	v42 =	vand.u32 $0x7F, v42;
	vm0 =	vlt.u32 v43, $0x40;
	v41 =	vor.u32 v41, v44  }
0x95: {  	v41 =	vor.u32 v42, v41;
	_ =	sdelay $0x4  }
0x96: {  	[tilespmem:v41+s17+$0x0] =	vst.idx.add.f32.msk vm0, v40  }
0x97: {  	v41 =	vld [tilespmem:s20+$0x10]  }
0x98: {  	v52 =	vld [tilespmem:s20+$0x4010];
	_ =	sdelay $0x3  }
0x99: {  	v53 =	vsub.s32 v41, v5  }
0x9a: {  	v55 =	vshll.u32 v52, $0x3;
	v54 =	vshll.u32 v53, $0xA  }
0x9b: {  	v41 =	vshll.u32 v41, $0x7;
	v45 =	vand.u32 $0xFFFFFC00, v55;
	v44 =	vand.u32 $0xFFFFE000, v54  }
0x9c: {  	v41 =	vand.u32 $0x380, v41;
	v44 =	vadd.s32 v45, v44  }
0x9d: {  	v42 =	vand.u32 $0x7F, v52;
	vm13 =	vlt.u32 v53, $0x40;
	v41 =	vor.u32 v41, v44  }
0x9e: {  	v41 =	vor.u32 v42, v41;
	_ =	sdelay $0x4  }
0x9f: {  	[tilespmem:v41+s17+$0x0] =	vst.idx.add.f32.msk vm13, v40  }
0xa0: {  	v41 =	vld [tilespmem:s20+$0x20]  }
0xa1: {  	v56 =	vld [tilespmem:s20+$0x4020];
	_ =	sdelay $0x3  }
0xa2: {  	v57 =	vsub.s32 v41, v5  }
0xa3: {  	v59 =	vshll.u32 v56, $0x3;
	v58 =	vshll.u32 v57, $0xA  }
0xa4: {  	v41 =	vshll.u32 v41, $0x7;
	v45 =	vand.u32 $0xFFFFFC00, v59;
	v44 =	vand.u32 $0xFFFFE000, v58  }
0xa5: {  	v41 =	vand.u32 $0x380, v41;
	v44 =	vadd.s32 v45, v44  }
0xa6: {  	v42 =	vand.u32 $0x7F, v56;
	vm14 =	vlt.u32 v57, $0x40;
	v41 =	vor.u32 v41, v44  }
0xa7: {  	v41 =	vor.u32 v42, v41;
	_ =	sdelay $0x4  }
0xa8: {  	[tilespmem:v41+s17+$0x0] =	vst.idx.add.f32.msk vm14, v40  }
0xa9: {  	v41 =	vld [tilespmem:s20+$0x30]  }
0xaa: {  	v60 =	vld [tilespmem:s20+$0x4030];
	_ =	sdelay $0x3  }
0xab: {  	v61 =	vsub.s32 v41, v5  }
0xac: {  	v63 =	vshll.u32 v60, $0x3;
	v62 =	vshll.u32 v61, $0xA  }
0xad: {  	v41 =	vshll.u32 v41, $0x7;
	v45 =	vand.u32 $0xFFFFFC00, v63;
	v44 =	vand.u32 $0xFFFFE000, v62  }
0xae: {  	v41 =	vand.u32 $0x380, v41;
	v44 =	vadd.s32 v45, v44  }
0xaf: {  	v42 =	vand.u32 $0x7F, v60;
	vm15 =	vlt.u32 v61, $0x40;
	v41 =	vor.u32 v41, v44  }
0xb0: {  	p0 =	sne.s32 s19, $0xFF00;
	v41 =	vor.u32 v42, v41  }
.Ltmp1:
0xb1: {  	_ = 	snop;
	(pc) =	sbr.rel @p0 .LBB2_4-.Ltmp1, $2  }
0xb2: {  	_ =	sdelay $0x2  }
0xb3: {  	s19 =	sadd.s32 $0x100, s19;
	[tilespmem:v41+s17+$0x0] =	vst.idx.add.f32.msk vm15, v40  }
0xb4: {  	_ =	sdelay $0x3  }
0xb5: {  	[tilespmem:v6+s17+$0x0] =	vst.idx.add.f32.msk $0xffff, v40  }
0xb6: {  	[tilespmem:v7+s17+$0x0] =	vst.idx.add.f32.msk $0xffff, v40  }
0xb7: {  	[tilespmem:v10+s17+$0x0] =	vst.idx.add.f32.msk $0xffff, v40  }
0xb8: {  	s19 =	simm.s32 $0x0;
	[tilespmem:v11+s17+$0x0] =	vst.idx.add.f32.msk $0xffff, v40  }
0xb9: {  	[hbm4b:s7+s19] =	stream.linear.scatter [tilespmem:s17], [sflag:$0x1], $0x10000, $0x38;
	[tilespmem:$0x18000] =	vst v63  }
0xba: {  	_ =	swait.ge [sflag:s15], $0x10000  }
0xbb: {  	[sflag:s15] =	ssyncset.done $0x0  }
0xbc: {  	[sflag:s15] =	ssyncadd.s32 $0xFFFF0000  }
0xbd: {  	[tilespmem:s19], [sflag:$0x1] =	stream.linear.gather [hbm4b:s4+s19], $0x4000, $0x38;
	[tilespmem:$0x18000] =	vst v63  }
0xbe: {  	_ =	swait.ge [sflag:s15], $0x4000  }
0xbf: {  	[sflag:s15] =	ssyncset.done $0x0  }
0xc0: {  	[sflag:s15] =	ssyncadd.s32 $0xFFFFC000  }
0xc1: {  	[tilespmem:s16], [sflag:$0x1] =	stream.linear.gather [hbm4b:s5+s19], $0x4000, $0x38;
	[tilespmem:$0x18000] =	vst v63  }
0xc2: {  	_ =	swait.ge [sflag:s15], $0x4000  }
0xc3: {  	[sflag:s15] =	ssyncset.done $0x0  }
0xc4: {  	[sflag:s15] =	ssyncadd.s32 $0xFFFFC000  }
0xc5: {  	[tilespmem:s17], [sflag:$0x1] =	stream.linear.gather [hbm4b:s3+s19], $0x10000, $0x38;
	[tilespmem:$0x18000] =	vst v63  }
0xc6: {  	_ =	swait.ge [sflag:s15], $0x10000  }
0xc7: {  	[sflag:s15] =	ssyncset.done $0x0  }
0xc8: {  	[sflag:s15] =	ssyncadd.s32 $0xFFFF0000  }
.LBB2_6:
0xc9: {  	s20 =	sshra.s32 s19, $0x2  }
0xca: {  	v41 =	vld [tilespmem:s20+$0x0]  }
0xcb: {  	v42 =	vld [tilespmem:s20+$0x4000];
	_ =	sdelay $0x3  }
0xcc: {  	v43 =	vsub.s32 v41, v8  }
0xcd: {  	v45 =	vshll.u32 v42, $0x3;
	v44 =	vshll.u32 v43, $0xA  }
0xce: {  	v41 =	vshll.u32 v41, $0x7;
	v45 =	vand.u32 $0xFFFFFC00, v45;
	v44 =	vand.u32 $0xFFFFE000, v44  }
0xcf: {  	v41 =	vand.u32 $0x380, v41;
	v44 =	vadd.s32 v45, v44  }
0xd0: {  	v42 =	vand.u32 $0x7F, v42;
	vm0 =	vlt.u32 v43, $0x40;
	v41 =	vor.u32 v41, v44  }
0xd1: {  	v41 =	vor.u32 v42, v41;
	_ =	sdelay $0x4  }
0xd2: {  	[tilespmem:v41+s17+$0x0] =	vst.idx.add.f32.msk vm0, v40  }
0xd3: {  	v41 =	vld [tilespmem:s20+$0x10]  }
0xd4: {  	v52 =	vld [tilespmem:s20+$0x4010];
	_ =	sdelay $0x3  }
0xd5: {  	v53 =	vsub.s32 v41, v8  }
0xd6: {  	v55 =	vshll.u32 v52, $0x3;
	v54 =	vshll.u32 v53, $0xA  }
0xd7: {  	v41 =	vshll.u32 v41, $0x7;
	v45 =	vand.u32 $0xFFFFFC00, v55;
	v44 =	vand.u32 $0xFFFFE000, v54  }
0xd8: {  	v41 =	vand.u32 $0x380, v41;
	v44 =	vadd.s32 v45, v44  }
0xd9: {  	v42 =	vand.u32 $0x7F, v52;
	vm13 =	vlt.u32 v53, $0x40;
	v41 =	vor.u32 v41, v44  }
0xda: {  	v41 =	vor.u32 v42, v41;
	_ =	sdelay $0x4  }
0xdb: {  	[tilespmem:v41+s17+$0x0] =	vst.idx.add.f32.msk vm13, v40  }
0xdc: {  	v41 =	vld [tilespmem:s20+$0x20]  }
0xdd: {  	v56 =	vld [tilespmem:s20+$0x4020];
	_ =	sdelay $0x3  }
0xde: {  	v57 =	vsub.s32 v41, v8  }
0xdf: {  	v59 =	vshll.u32 v56, $0x3;
	v58 =	vshll.u32 v57, $0xA  }
0xe0: {  	v41 =	vshll.u32 v41, $0x7;
	v45 =	vand.u32 $0xFFFFFC00, v59;
	v44 =	vand.u32 $0xFFFFE000, v58  }
0xe1: {  	v41 =	vand.u32 $0x380, v41;
	v44 =	vadd.s32 v45, v44  }
0xe2: {  	v42 =	vand.u32 $0x7F, v56;
	vm14 =	vlt.u32 v57, $0x40;
	v41 =	vor.u32 v41, v44  }
0xe3: {  	v41 =	vor.u32 v42, v41;
	_ =	sdelay $0x4  }
0xe4: {  	[tilespmem:v41+s17+$0x0] =	vst.idx.add.f32.msk vm14, v40  }
0xe5: {  	v41 =	vld [tilespmem:s20+$0x30]  }
0xe6: {  	v60 =	vld [tilespmem:s20+$0x4030];
	_ =	sdelay $0x3  }
0xe7: {  	v61 =	vsub.s32 v41, v8  }
0xe8: {  	v63 =	vshll.u32 v60, $0x3;
	v62 =	vshll.u32 v61, $0xA  }
0xe9: {  	v41 =	vshll.u32 v41, $0x7;
	v45 =	vand.u32 $0xFFFFFC00, v63;
	v44 =	vand.u32 $0xFFFFE000, v62  }
0xea: {  	v41 =	vand.u32 $0x380, v41;
	v44 =	vadd.s32 v45, v44  }
0xeb: {  	v42 =	vand.u32 $0x7F, v60;
	vm15 =	vlt.u32 v61, $0x40;
	v41 =	vor.u32 v41, v44  }
0xec: {  	p0 =	sne.s32 s19, $0xFF00;
	v41 =	vor.u32 v42, v41  }
.Ltmp2:
0xed: {  	_ = 	snop;
	(pc) =	sbr.rel @p0 .LBB2_6-.Ltmp2, $2  }
0xee: {  	_ =	sdelay $0x2  }
0xef: {  	s19 =	sadd.s32 $0x100, s19;
	[tilespmem:v41+s17+$0x0] =	vst.idx.add.f32.msk vm15, v40  }
0xf0: {  	_ =	sdelay $0x3  }
0xf1: {  	[tilespmem:v12+s17+$0x0] =	vst.idx.add.f32.msk $0xffff, v40  }
0xf2: {  	[tilespmem:v13+s17+$0x0] =	vst.idx.add.f32.msk $0xffff, v40  }
0xf3: {  	[tilespmem:v15+s17+$0x0] =	vst.idx.add.f32.msk $0xffff, v40  }
0xf4: {  	s19 =	simm.s32 $0x0;
	[tilespmem:v16+s17+$0x0] =	vst.idx.add.f32.msk $0xffff, v40  }
0xf5: {  	[hbm4b:s8+s19] =	stream.linear.scatter [tilespmem:s17], [sflag:$0x1], $0x10000, $0x38;
	[tilespmem:$0x18000] =	vst v63  }
0xf6: {  	_ =	swait.ge [sflag:s15], $0x10000  }
0xf7: {  	[sflag:s15] =	ssyncset.done $0x0  }
0xf8: {  	[sflag:s15] =	ssyncadd.s32 $0xFFFF0000  }
0xf9: {  	[tilespmem:s19], [sflag:$0x1] =	stream.linear.gather [hbm4b:s4+s19], $0x4000, $0x38;
	[tilespmem:$0x18000] =	vst v63  }
0xfa: {  	_ =	swait.ge [sflag:s15], $0x4000  }
0xfb: {  	[sflag:s15] =	ssyncset.done $0x0  }
0xfc: {  	[sflag:s15] =	ssyncadd.s32 $0xFFFFC000  }
0xfd: {  	[tilespmem:s16], [sflag:$0x1] =	stream.linear.gather [hbm4b:s5+s19], $0x4000, $0x38;
	[tilespmem:$0x18000] =	vst v63  }
0xfe: {  	_ =	swait.ge [sflag:s15], $0x4000  }
0xff: {  	[sflag:s15] =	ssyncset.done $0x0  }
0x100: {  	[sflag:s15] =	ssyncadd.s32 $0xFFFFC000  }
0x101: {  	[tilespmem:s17], [sflag:$0x1] =	stream.linear.gather [hbm4b:s3+s19], $0x10000, $0x38;
	[tilespmem:$0x18000] =	vst v63  }
0x102: {  	_ =	swait.ge [sflag:s15], $0x10000  }
0x103: {  	[sflag:s15] =	ssyncset.done $0x0  }
0x104: {  	[sflag:s15] =	ssyncadd.s32 $0xFFFF0000  }
.LBB2_8:
0x105: {  	s20 =	sshra.s32 s19, $0x2  }
0x106: {  	v41 =	vld [tilespmem:s20+$0x0]  }
0x107: {  	v42 =	vld [tilespmem:s20+$0x4000];
	_ =	sdelay $0x3  }
0x108: {  	v43 =	vsub.s32 v41, v9  }
0x109: {  	v45 =	vshll.u32 v42, $0x3;
	v44 =	vshll.u32 v43, $0xA  }
0x10a: {  	v41 =	vshll.u32 v41, $0x7;
	v45 =	vand.u32 $0xFFFFFC00, v45;
	v44 =	vand.u32 $0xFFFFE000, v44  }
0x10b: {  	v41 =	vand.u32 $0x380, v41;
	v44 =	vadd.s32 v45, v44  }
0x10c: {  	v42 =	vand.u32 $0x7F, v42;
	vm0 =	vlt.u32 v43, $0x40;
	v41 =	vor.u32 v41, v44  }
0x10d: {  	v41 =	vor.u32 v42, v41;
	_ =	sdelay $0x4  }
0x10e: {  	[tilespmem:v41+s17+$0x0] =	vst.idx.add.f32.msk vm0, v40  }
0x10f: {  	v41 =	vld [tilespmem:s20+$0x10]  }
0x110: {  	v52 =	vld [tilespmem:s20+$0x4010];
	_ =	sdelay $0x3  }
0x111: {  	v53 =	vsub.s32 v41, v9  }
0x112: {  	v55 =	vshll.u32 v52, $0x3;
	v54 =	vshll.u32 v53, $0xA  }
0x113: {  	v41 =	vshll.u32 v41, $0x7;
	v45 =	vand.u32 $0xFFFFFC00, v55;
	v44 =	vand.u32 $0xFFFFE000, v54  }
0x114: {  	v41 =	vand.u32 $0x380, v41;
	v44 =	vadd.s32 v45, v44  }
0x115: {  	v42 =	vand.u32 $0x7F, v52;
	vm13 =	vlt.u32 v53, $0x40;
	v41 =	vor.u32 v41, v44  }
0x116: {  	v41 =	vor.u32 v42, v41;
	_ =	sdelay $0x4  }
0x117: {  	[tilespmem:v41+s17+$0x0] =	vst.idx.add.f32.msk vm13, v40  }
0x118: {  	v41 =	vld [tilespmem:s20+$0x20]  }
0x119: {  	v56 =	vld [tilespmem:s20+$0x4020];
	_ =	sdelay $0x3  }
0x11a: {  	v57 =	vsub.s32 v41, v9  }
0x11b: {  	v59 =	vshll.u32 v56, $0x3;
	v58 =	vshll.u32 v57, $0xA  }
0x11c: {  	v41 =	vshll.u32 v41, $0x7;
	v45 =	vand.u32 $0xFFFFFC00, v59;
	v44 =	vand.u32 $0xFFFFE000, v58  }
0x11d: {  	v41 =	vand.u32 $0x380, v41;
	v44 =	vadd.s32 v45, v44  }
0x11e: {  	v42 =	vand.u32 $0x7F, v56;
	vm14 =	vlt.u32 v57, $0x40;
	v41 =	vor.u32 v41, v44  }
0x11f: {  	v41 =	vor.u32 v42, v41;
	_ =	sdelay $0x4  }
0x120: {  	[tilespmem:v41+s17+$0x0] =	vst.idx.add.f32.msk vm14, v40  }
0x121: {  	v41 =	vld [tilespmem:s20+$0x30]  }
0x122: {  	v60 =	vld [tilespmem:s20+$0x4030];
	_ =	sdelay $0x3  }
0x123: {  	v61 =	vsub.s32 v41, v9  }
0x124: {  	v63 =	vshll.u32 v60, $0x3;
	v62 =	vshll.u32 v61, $0xA  }
0x125: {  	v41 =	vshll.u32 v41, $0x7;
	v45 =	vand.u32 $0xFFFFFC00, v63;
	v44 =	vand.u32 $0xFFFFE000, v62  }
0x126: {  	v41 =	vand.u32 $0x380, v41;
	v44 =	vadd.s32 v45, v44  }
0x127: {  	v42 =	vand.u32 $0x7F, v60;
	vm15 =	vlt.u32 v61, $0x40;
	v41 =	vor.u32 v41, v44  }
0x128: {  	p0 =	sne.s32 s19, $0xFF00;
	v41 =	vor.u32 v42, v41  }
.Ltmp3:
0x129: {  	_ = 	snop;
	(pc) =	sbr.rel @p0 .LBB2_8-.Ltmp3, $2  }
0x12a: {  	_ =	sdelay $0x2  }
0x12b: {  	s19 =	sadd.s32 $0x100, s19;
	[tilespmem:v41+s17+$0x0] =	vst.idx.add.f32.msk vm15, v40  }
0x12c: {  	_ =	sdelay $0x3  }
0x12d: {  	[tilespmem:v17+s17+$0x0] =	vst.idx.add.f32.msk $0xffff, v40  }
0x12e: {  	[tilespmem:v18+s17+$0x0] =	vst.idx.add.f32.msk $0xffff, v40  }
0x12f: {  	[tilespmem:v19+s17+$0x0] =	vst.idx.add.f32.msk $0xffff, v40  }
0x130: {  	s19 =	simm.s32 $0x0;
	[tilespmem:v20+s17+$0x0] =	vst.idx.add.f32.msk $0xffff, v40  }
0x131: {  	[hbm4b:s9+s19] =	stream.linear.scatter [tilespmem:s17], [sflag:$0x1], $0x10000, $0x38;
	[tilespmem:$0x18000] =	vst v63  }
0x132: {  	_ =	swait.ge [sflag:s15], $0x10000  }
0x133: {  	[sflag:s15] =	ssyncset.done $0x0  }
0x134: {  	[sflag:s15] =	ssyncadd.s32 $0xFFFF0000  }
0x135: {  	[tilespmem:s19], [sflag:$0x1] =	stream.linear.gather [hbm4b:s4+s19], $0x4000, $0x38;
	[tilespmem:$0x18000] =	vst v63  }
0x136: {  	_ =	swait.ge [sflag:s15], $0x4000  }
0x137: {  	[sflag:s15] =	ssyncset.done $0x0  }
0x138: {  	[sflag:s15] =	ssyncadd.s32 $0xFFFFC000  }
0x139: {  	[tilespmem:s16], [sflag:$0x1] =	stream.linear.gather [hbm4b:s5+s19], $0x4000, $0x38;
	[tilespmem:$0x18000] =	vst v63  }
0x13a: {  	_ =	swait.ge [sflag:s15], $0x4000  }
0x13b: {  	[sflag:s15] =	ssyncset.done $0x0  }
0x13c: {  	[sflag:s15] =	ssyncadd.s32 $0xFFFFC000  }
0x13d: {  	[tilespmem:s17], [sflag:$0x1] =	stream.linear.gather [hbm4b:s3+s19], $0x10000, $0x38;
	[tilespmem:$0x18000] =	vst v63  }
0x13e: {  	_ =	swait.ge [sflag:s15], $0x10000  }
0x13f: {  	[sflag:s15] =	ssyncset.done $0x0  }
0x140: {  	[sflag:s15] =	ssyncadd.s32 $0xFFFF0000  }
.LBB2_10:
0x141: {  	s20 =	sshra.s32 s19, $0x2  }
0x142: {  	v41 =	vld [tilespmem:s20+$0x0]  }
0x143: {  	v42 =	vld [tilespmem:s20+$0x4000];
	_ =	sdelay $0x3  }
0x144: {  	v43 =	vsub.s32 v41, v14  }
0x145: {  	v45 =	vshll.u32 v42, $0x3;
	v44 =	vshll.u32 v43, $0xA  }
0x146: {  	v41 =	vshll.u32 v41, $0x7;
	v45 =	vand.u32 $0xFFFFFC00, v45;
	v44 =	vand.u32 $0xFFFFE000, v44  }
0x147: {  	v41 =	vand.u32 $0x380, v41;
	v44 =	vadd.s32 v45, v44  }
0x148: {  	v42 =	vand.u32 $0x7F, v42;
	vm0 =	vlt.u32 v43, $0x40;
	v41 =	vor.u32 v41, v44  }
0x149: {  	v41 =	vor.u32 v42, v41;
	_ =	sdelay $0x4  }
0x14a: {  	[tilespmem:v41+s17+$0x0] =	vst.idx.add.f32.msk vm0, v40  }
0x14b: {  	v41 =	vld [tilespmem:s20+$0x10]  }
0x14c: {  	v52 =	vld [tilespmem:s20+$0x4010];
	_ =	sdelay $0x3  }
0x14d: {  	v53 =	vsub.s32 v41, v14  }
0x14e: {  	v55 =	vshll.u32 v52, $0x3;
	v54 =	vshll.u32 v53, $0xA  }
0x14f: {  	v41 =	vshll.u32 v41, $0x7;
	v45 =	vand.u32 $0xFFFFFC00, v55;
	v44 =	vand.u32 $0xFFFFE000, v54  }
0x150: {  	v41 =	vand.u32 $0x380, v41;
	v44 =	vadd.s32 v45, v44  }
0x151: {  	v42 =	vand.u32 $0x7F, v52;
	vm13 =	vlt.u32 v53, $0x40;
	v41 =	vor.u32 v41, v44  }
0x152: {  	v41 =	vor.u32 v42, v41;
	_ =	sdelay $0x4  }
0x153: {  	[tilespmem:v41+s17+$0x0] =	vst.idx.add.f32.msk vm13, v40  }
0x154: {  	v41 =	vld [tilespmem:s20+$0x20]  }
0x155: {  	v56 =	vld [tilespmem:s20+$0x4020];
	_ =	sdelay $0x3  }
0x156: {  	v57 =	vsub.s32 v41, v14  }
0x157: {  	v59 =	vshll.u32 v56, $0x3;
	v58 =	vshll.u32 v57, $0xA  }
0x158: {  	v41 =	vshll.u32 v41, $0x7;
	v45 =	vand.u32 $0xFFFFFC00, v59;
	v44 =	vand.u32 $0xFFFFE000, v58  }
0x159: {  	v41 =	vand.u32 $0x380, v41;
	v44 =	vadd.s32 v45, v44  }
0x15a: {  	v42 =	vand.u32 $0x7F, v56;
	vm14 =	vlt.u32 v57, $0x40;
	v41 =	vor.u32 v41, v44  }
0x15b: {  	v41 =	vor.u32 v42, v41;
	_ =	sdelay $0x4  }
0x15c: {  	[tilespmem:v41+s17+$0x0] =	vst.idx.add.f32.msk vm14, v40  }
0x15d: {  	v41 =	vld [tilespmem:s20+$0x30]  }
0x15e: {  	v60 =	vld [tilespmem:s20+$0x4030];
	_ =	sdelay $0x3  }
0x15f: {  	v61 =	vsub.s32 v41, v14  }
0x160: {  	v63 =	vshll.u32 v60, $0x3;
	v62 =	vshll.u32 v61, $0xA  }
0x161: {  	v41 =	vshll.u32 v41, $0x7;
	v45 =	vand.u32 $0xFFFFFC00, v63;
	v44 =	vand.u32 $0xFFFFE000, v62  }
0x162: {  	v41 =	vand.u32 $0x380, v41;
	v44 =	vadd.s32 v45, v44  }
0x163: {  	v42 =	vand.u32 $0x7F, v60;
	vm15 =	vlt.u32 v61, $0x40;
	v41 =	vor.u32 v41, v44  }
0x164: {  	p0 =	sne.s32 s19, $0xFF00;
	v41 =	vor.u32 v42, v41  }
.Ltmp4:
0x165: {  	_ = 	snop;
	(pc) =	sbr.rel @p0 .LBB2_10-.Ltmp4, $2  }
0x166: {  	_ =	sdelay $0x2  }
0x167: {  	s19 =	sadd.s32 $0x100, s19;
	[tilespmem:v41+s17+$0x0] =	vst.idx.add.f32.msk vm15, v40  }
0x168: {  	_ =	sdelay $0x3  }
0x169: {  	[tilespmem:v22+s17+$0x0] =	vst.idx.add.f32.msk $0xffff, v40  }
0x16a: {  	[tilespmem:v23+s17+$0x0] =	vst.idx.add.f32.msk $0xffff, v40  }
0x16b: {  	[tilespmem:v24+s17+$0x0] =	vst.idx.add.f32.msk $0xffff, v40  }
0x16c: {  	s19 =	simm.s32 $0x0;
	[tilespmem:v27+s17+$0x0] =	vst.idx.add.f32.msk $0xffff, v40  }
0x16d: {  	[hbm4b:s10+s19] =	stream.linear.scatter [tilespmem:s17], [sflag:$0x1], $0x10000, $0x38;
	[tilespmem:$0x18000] =	vst v63  }
0x16e: {  	_ =	swait.ge [sflag:s15], $0x10000  }
0x16f: {  	[sflag:s15] =	ssyncset.done $0x0  }
0x170: {  	[sflag:s15] =	ssyncadd.s32 $0xFFFF0000  }
0x171: {  	[tilespmem:s19], [sflag:$0x1] =	stream.linear.gather [hbm4b:s4+s19], $0x4000, $0x38;
	[tilespmem:$0x18000] =	vst v63  }
0x172: {  	_ =	swait.ge [sflag:s15], $0x4000  }
0x173: {  	[sflag:s15] =	ssyncset.done $0x0  }
0x174: {  	[sflag:s15] =	ssyncadd.s32 $0xFFFFC000  }
0x175: {  	[tilespmem:s16], [sflag:$0x1] =	stream.linear.gather [hbm4b:s5+s19], $0x4000, $0x38;
	[tilespmem:$0x18000] =	vst v63  }
0x176: {  	_ =	swait.ge [sflag:s15], $0x4000  }
0x177: {  	[sflag:s15] =	ssyncset.done $0x0  }
0x178: {  	[sflag:s15] =	ssyncadd.s32 $0xFFFFC000  }
0x179: {  	[tilespmem:s17], [sflag:$0x1] =	stream.linear.gather [hbm4b:s3+s19], $0x10000, $0x38;
	[tilespmem:$0x18000] =	vst v63  }
0x17a: {  	_ =	swait.ge [sflag:s15], $0x10000  }
0x17b: {  	[sflag:s15] =	ssyncset.done $0x0  }
0x17c: {  	[sflag:s15] =	ssyncadd.s32 $0xFFFF0000  }
.LBB2_12:
0x17d: {  	s20 =	sshra.s32 s19, $0x2  }
0x17e: {  	v41 =	vld [tilespmem:s20+$0x0]  }
0x17f: {  	v42 =	vld [tilespmem:s20+$0x4000];
	_ =	sdelay $0x3  }
0x180: {  	v43 =	vsub.s32 v41, v21  }
0x181: {  	v45 =	vshll.u32 v42, $0x3;
	v44 =	vshll.u32 v43, $0xA  }
0x182: {  	v41 =	vshll.u32 v41, $0x7;
	v45 =	vand.u32 $0xFFFFFC00, v45;
	v44 =	vand.u32 $0xFFFFE000, v44  }
0x183: {  	v41 =	vand.u32 $0x380, v41;
	v44 =	vadd.s32 v45, v44  }
0x184: {  	v42 =	vand.u32 $0x7F, v42;
	vm0 =	vlt.u32 v43, $0x40;
	v41 =	vor.u32 v41, v44  }
0x185: {  	v41 =	vor.u32 v42, v41;
	_ =	sdelay $0x4  }
0x186: {  	[tilespmem:v41+s17+$0x0] =	vst.idx.add.f32.msk vm0, v40  }
0x187: {  	v41 =	vld [tilespmem:s20+$0x10]  }
0x188: {  	v52 =	vld [tilespmem:s20+$0x4010];
	_ =	sdelay $0x3  }
0x189: {  	v53 =	vsub.s32 v41, v21  }
0x18a: {  	v55 =	vshll.u32 v52, $0x3;
	v54 =	vshll.u32 v53, $0xA  }
0x18b: {  	v41 =	vshll.u32 v41, $0x7;
	v45 =	vand.u32 $0xFFFFFC00, v55;
	v44 =	vand.u32 $0xFFFFE000, v54  }
0x18c: {  	v41 =	vand.u32 $0x380, v41;
	v44 =	vadd.s32 v45, v44  }
0x18d: {  	v42 =	vand.u32 $0x7F, v52;
	vm13 =	vlt.u32 v53, $0x40;
	v41 =	vor.u32 v41, v44  }
0x18e: {  	v41 =	vor.u32 v42, v41;
	_ =	sdelay $0x4  }
0x18f: {  	[tilespmem:v41+s17+$0x0] =	vst.idx.add.f32.msk vm13, v40  }
0x190: {  	v41 =	vld [tilespmem:s20+$0x20]  }
0x191: {  	v56 =	vld [tilespmem:s20+$0x4020];
	_ =	sdelay $0x3  }
0x192: {  	v57 =	vsub.s32 v41, v21  }
0x193: {  	v59 =	vshll.u32 v56, $0x3;
	v58 =	vshll.u32 v57, $0xA  }
0x194: {  	v41 =	vshll.u32 v41, $0x7;
	v45 =	vand.u32 $0xFFFFFC00, v59;
	v44 =	vand.u32 $0xFFFFE000, v58  }
0x195: {  	v41 =	vand.u32 $0x380, v41;
	v44 =	vadd.s32 v45, v44  }
0x196: {  	v42 =	vand.u32 $0x7F, v56;
	vm14 =	vlt.u32 v57, $0x40;
	v41 =	vor.u32 v41, v44  }
0x197: {  	v41 =	vor.u32 v42, v41;
	_ =	sdelay $0x4  }
0x198: {  	[tilespmem:v41+s17+$0x0] =	vst.idx.add.f32.msk vm14, v40  }
0x199: {  	v41 =	vld [tilespmem:s20+$0x30]  }
0x19a: {  	v60 =	vld [tilespmem:s20+$0x4030];
	_ =	sdelay $0x3  }
0x19b: {  	v61 =	vsub.s32 v41, v21  }
0x19c: {  	v63 =	vshll.u32 v60, $0x3;
	v62 =	vshll.u32 v61, $0xA  }
0x19d: {  	v41 =	vshll.u32 v41, $0x7;
	v45 =	vand.u32 $0xFFFFFC00, v63;
	v44 =	vand.u32 $0xFFFFE000, v62  }
0x19e: {  	v41 =	vand.u32 $0x380, v41;
	v44 =	vadd.s32 v45, v44  }
0x19f: {  	v42 =	vand.u32 $0x7F, v60;
	vm15 =	vlt.u32 v61, $0x40;
	v41 =	vor.u32 v41, v44  }
0x1a0: {  	p0 =	sne.s32 s19, $0xFF00;
	v41 =	vor.u32 v42, v41  }
.Ltmp5:
0x1a1: {  	_ = 	snop;
	(pc) =	sbr.rel @p0 .LBB2_12-.Ltmp5, $2  }
0x1a2: {  	_ =	sdelay $0x2  }
0x1a3: {  	s19 =	sadd.s32 $0x100, s19;
	[tilespmem:v41+s17+$0x0] =	vst.idx.add.f32.msk vm15, v40  }
0x1a4: {  	_ =	sdelay $0x3  }
0x1a5: {  	[tilespmem:v28+s17+$0x0] =	vst.idx.add.f32.msk $0xffff, v40  }
0x1a6: {  	[tilespmem:v29+s17+$0x0] =	vst.idx.add.f32.msk $0xffff, v40  }
0x1a7: {  	[tilespmem:v34+s17+$0x0] =	vst.idx.add.f32.msk $0xffff, v40  }
0x1a8: {  	s19 =	simm.s32 $0x0;
	[tilespmem:v35+s17+$0x0] =	vst.idx.add.f32.msk $0xffff, v40  }
0x1a9: {  	[hbm4b:s11+s19] =	stream.linear.scatter [tilespmem:s17], [sflag:$0x1], $0x10000, $0x38;
	[tilespmem:$0x18000] =	vst v63  }
0x1aa: {  	_ =	swait.ge [sflag:s15], $0x10000  }
0x1ab: {  	[sflag:s15] =	ssyncset.done $0x0  }
0x1ac: {  	[sflag:s15] =	ssyncadd.s32 $0xFFFF0000  }
0x1ad: {  	[tilespmem:s19], [sflag:$0x1] =	stream.linear.gather [hbm4b:s4+s19], $0x4000, $0x38;
	[tilespmem:$0x18000] =	vst v63  }
0x1ae: {  	_ =	swait.ge [sflag:s15], $0x4000  }
0x1af: {  	[sflag:s15] =	ssyncset.done $0x0  }
0x1b0: {  	[sflag:s15] =	ssyncadd.s32 $0xFFFFC000  }
0x1b1: {  	[tilespmem:s16], [sflag:$0x1] =	stream.linear.gather [hbm4b:s5+s19], $0x4000, $0x38;
	[tilespmem:$0x18000] =	vst v63  }
0x1b2: {  	_ =	swait.ge [sflag:s15], $0x4000  }
0x1b3: {  	[sflag:s15] =	ssyncset.done $0x0  }
0x1b4: {  	[sflag:s15] =	ssyncadd.s32 $0xFFFFC000  }
0x1b5: {  	[tilespmem:s17], [sflag:$0x1] =	stream.linear.gather [hbm4b:s3+s19], $0x10000, $0x38;
	[tilespmem:$0x18000] =	vst v63  }
0x1b6: {  	_ =	swait.ge [sflag:s15], $0x10000  }
0x1b7: {  	[sflag:s15] =	ssyncset.done $0x0  }
0x1b8: {  	[sflag:s15] =	ssyncadd.s32 $0xFFFF0000  }
.LBB2_14:
0x1b9: {  	s20 =	sshra.s32 s19, $0x2  }
0x1ba: {  	v41 =	vld [tilespmem:s20+$0x0]  }
0x1bb: {  	v42 =	vld [tilespmem:s20+$0x4000];
	_ =	sdelay $0x3  }
0x1bc: {  	v43 =	vsub.s32 v41, v25  }
0x1bd: {  	v45 =	vshll.u32 v42, $0x3;
	v44 =	vshll.u32 v43, $0xA  }
0x1be: {  	v41 =	vshll.u32 v41, $0x7;
	v45 =	vand.u32 $0xFFFFFC00, v45;
	v44 =	vand.u32 $0xFFFFE000, v44  }
0x1bf: {  	v41 =	vand.u32 $0x380, v41;
	v44 =	vadd.s32 v45, v44  }
0x1c0: {  	v42 =	vand.u32 $0x7F, v42;
	vm0 =	vlt.u32 v43, $0x40;
	v41 =	vor.u32 v41, v44  }
0x1c1: {  	v41 =	vor.u32 v42, v41;
	_ =	sdelay $0x4  }
0x1c2: {  	[tilespmem:v41+s17+$0x0] =	vst.idx.add.f32.msk vm0, v40  }
0x1c3: {  	v41 =	vld [tilespmem:s20+$0x10]  }
0x1c4: {  	v52 =	vld [tilespmem:s20+$0x4010];
	_ =	sdelay $0x3  }
0x1c5: {  	v53 =	vsub.s32 v41, v25  }
0x1c6: {  	v55 =	vshll.u32 v52, $0x3;
	v54 =	vshll.u32 v53, $0xA  }
0x1c7: {  	v41 =	vshll.u32 v41, $0x7;
	v45 =	vand.u32 $0xFFFFFC00, v55;
	v44 =	vand.u32 $0xFFFFE000, v54  }
0x1c8: {  	v41 =	vand.u32 $0x380, v41;
	v44 =	vadd.s32 v45, v44  }
0x1c9: {  	v42 =	vand.u32 $0x7F, v52;
	vm13 =	vlt.u32 v53, $0x40;
	v41 =	vor.u32 v41, v44  }
0x1ca: {  	v41 =	vor.u32 v42, v41;
	_ =	sdelay $0x4  }
0x1cb: {  	[tilespmem:v41+s17+$0x0] =	vst.idx.add.f32.msk vm13, v40  }
0x1cc: {  	v41 =	vld [tilespmem:s20+$0x20]  }
0x1cd: {  	v56 =	vld [tilespmem:s20+$0x4020];
	_ =	sdelay $0x3  }
0x1ce: {  	v57 =	vsub.s32 v41, v25  }
0x1cf: {  	v59 =	vshll.u32 v56, $0x3;
	v58 =	vshll.u32 v57, $0xA  }
0x1d0: {  	v41 =	vshll.u32 v41, $0x7;
	v45 =	vand.u32 $0xFFFFFC00, v59;
	v44 =	vand.u32 $0xFFFFE000, v58  }
0x1d1: {  	v41 =	vand.u32 $0x380, v41;
	v44 =	vadd.s32 v45, v44  }
0x1d2: {  	v42 =	vand.u32 $0x7F, v56;
	vm14 =	vlt.u32 v57, $0x40;
	v41 =	vor.u32 v41, v44  }
0x1d3: {  	v41 =	vor.u32 v42, v41;
	_ =	sdelay $0x4  }
0x1d4: {  	[tilespmem:v41+s17+$0x0] =	vst.idx.add.f32.msk vm14, v40  }
0x1d5: {  	v41 =	vld [tilespmem:s20+$0x30]  }
0x1d6: {  	v60 =	vld [tilespmem:s20+$0x4030];
	_ =	sdelay $0x3  }
0x1d7: {  	v61 =	vsub.s32 v41, v25  }
0x1d8: {  	v63 =	vshll.u32 v60, $0x3;
	v62 =	vshll.u32 v61, $0xA  }
0x1d9: {  	v41 =	vshll.u32 v41, $0x7;
	v45 =	vand.u32 $0xFFFFFC00, v63;
	v44 =	vand.u32 $0xFFFFE000, v62  }
0x1da: {  	v41 =	vand.u32 $0x380, v41;
	v44 =	vadd.s32 v45, v44  }
0x1db: {  	v42 =	vand.u32 $0x7F, v60;
	vm15 =	vlt.u32 v61, $0x40;
	v41 =	vor.u32 v41, v44  }
0x1dc: {  	p0 =	sne.s32 s19, $0xFF00;
	v41 =	vor.u32 v42, v41  }
.Ltmp6:
0x1dd: {  	_ = 	snop;
	(pc) =	sbr.rel @p0 .LBB2_14-.Ltmp6, $2  }
0x1de: {  	_ =	sdelay $0x2  }
0x1df: {  	s19 =	sadd.s32 $0x100, s19;
	[tilespmem:v41+s17+$0x0] =	vst.idx.add.f32.msk vm15, v40  }
0x1e0: {  	_ =	sdelay $0x3  }
0x1e1: {  	[tilespmem:v30+s17+$0x0] =	vst.idx.add.f32.msk $0xffff, v40  }
0x1e2: {  	[tilespmem:v31+s17+$0x0] =	vst.idx.add.f32.msk $0xffff, v40  }
0x1e3: {  	[tilespmem:v32+s17+$0x0] =	vst.idx.add.f32.msk $0xffff, v40  }
0x1e4: {  	s19 =	simm.s32 $0x0;
	[tilespmem:v33+s17+$0x0] =	vst.idx.add.f32.msk $0xffff, v40  }
0x1e5: {  	[hbm4b:s12+s19] =	stream.linear.scatter [tilespmem:s17], [sflag:$0x1], $0x10000, $0x38;
	[tilespmem:$0x18000] =	vst v63  }
0x1e6: {  	_ =	swait.ge [sflag:s15], $0x10000  }
0x1e7: {  	[sflag:s15] =	ssyncset.done $0x0  }
0x1e8: {  	[sflag:s15] =	ssyncadd.s32 $0xFFFF0000  }
0x1e9: {  	[tilespmem:s19], [sflag:$0x1] =	stream.linear.gather [hbm4b:s4+s19], $0x4000, $0x38;
	[tilespmem:$0x18000] =	vst v63  }
0x1ea: {  	_ =	swait.ge [sflag:s15], $0x4000  }
0x1eb: {  	[sflag:s15] =	ssyncset.done $0x0  }
0x1ec: {  	[sflag:s15] =	ssyncadd.s32 $0xFFFFC000  }
0x1ed: {  	[tilespmem:s16], [sflag:$0x1] =	stream.linear.gather [hbm4b:s5+s19], $0x4000, $0x38;
	[tilespmem:$0x18000] =	vst v63  }
0x1ee: {  	_ =	swait.ge [sflag:s15], $0x4000  }
0x1ef: {  	[sflag:s15] =	ssyncset.done $0x0  }
0x1f0: {  	[sflag:s15] =	ssyncadd.s32 $0xFFFFC000  }
0x1f1: {  	[tilespmem:s17], [sflag:$0x1] =	stream.linear.gather [hbm4b:s3+s19], $0x10000, $0x38;
	[tilespmem:$0x18000] =	vst v63  }
0x1f2: {  	_ =	swait.ge [sflag:s15], $0x10000  }
0x1f3: {  	[sflag:s15] =	ssyncset.done $0x0  }
0x1f4: {  	[sflag:s15] =	ssyncadd.s32 $0xFFFF0000  }
.LBB2_16:
0x1f5: {  	s20 =	sshra.s32 s19, $0x2  }
0x1f6: {  	v41 =	vld [tilespmem:s20+$0x0]  }
0x1f7: {  	v42 =	vld [tilespmem:s20+$0x4000];
	_ =	sdelay $0x3  }
0x1f8: {  	v43 =	vsub.s32 v41, v26  }
0x1f9: {  	v45 =	vshll.u32 v42, $0x3;
	v44 =	vshll.u32 v43, $0xA  }
0x1fa: {  	v41 =	vshll.u32 v41, $0x7;
	v45 =	vand.u32 $0xFFFFFC00, v45;
	v44 =	vand.u32 $0xFFFFE000, v44  }
0x1fb: {  	v41 =	vand.u32 $0x380, v41;
	v44 =	vadd.s32 v45, v44  }
0x1fc: {  	v42 =	vand.u32 $0x7F, v42;
	vm0 =	vlt.u32 v43, $0x40;
	v41 =	vor.u32 v41, v44  }
0x1fd: {  	v41 =	vor.u32 v42, v41;
	_ =	sdelay $0x4  }
0x1fe: {  	[tilespmem:v41+s17+$0x0] =	vst.idx.add.f32.msk vm0, v40  }
0x1ff: {  	v41 =	vld [tilespmem:s20+$0x10]  }
0x200: {  	v52 =	vld [tilespmem:s20+$0x4010];
	_ =	sdelay $0x3  }
0x201: {  	v53 =	vsub.s32 v41, v26  }
0x202: {  	v55 =	vshll.u32 v52, $0x3;
	v54 =	vshll.u32 v53, $0xA  }
0x203: {  	v41 =	vshll.u32 v41, $0x7;
	v45 =	vand.u32 $0xFFFFFC00, v55;
	v44 =	vand.u32 $0xFFFFE000, v54  }
0x204: {  	v41 =	vand.u32 $0x380, v41;
	v44 =	vadd.s32 v45, v44  }
0x205: {  	v42 =	vand.u32 $0x7F, v52;
	vm13 =	vlt.u32 v53, $0x40;
	v41 =	vor.u32 v41, v44  }
0x206: {  	v41 =	vor.u32 v42, v41;
	_ =	sdelay $0x4  }
0x207: {  	[tilespmem:v41+s17+$0x0] =	vst.idx.add.f32.msk vm13, v40  }
0x208: {  	v41 =	vld [tilespmem:s20+$0x20]  }
0x209: {  	v56 =	vld [tilespmem:s20+$0x4020];
	_ =	sdelay $0x3  }
0x20a: {  	v57 =	vsub.s32 v41, v26  }
0x20b: {  	v59 =	vshll.u32 v56, $0x3;
	v58 =	vshll.u32 v57, $0xA  }
0x20c: {  	v41 =	vshll.u32 v41, $0x7;
	v45 =	vand.u32 $0xFFFFFC00, v59;
	v44 =	vand.u32 $0xFFFFE000, v58  }
0x20d: {  	v41 =	vand.u32 $0x380, v41;
	v44 =	vadd.s32 v45, v44  }
0x20e: {  	v42 =	vand.u32 $0x7F, v56;
	vm14 =	vlt.u32 v57, $0x40;
	v41 =	vor.u32 v41, v44  }
0x20f: {  	v41 =	vor.u32 v42, v41;
	_ =	sdelay $0x4  }
0x210: {  	[tilespmem:v41+s17+$0x0] =	vst.idx.add.f32.msk vm14, v40  }
0x211: {  	v41 =	vld [tilespmem:s20+$0x30]  }
0x212: {  	v60 =	vld [tilespmem:s20+$0x4030];
	_ =	sdelay $0x3  }
0x213: {  	v61 =	vsub.s32 v41, v26  }
0x214: {  	v63 =	vshll.u32 v60, $0x3;
	v62 =	vshll.u32 v61, $0xA  }
0x215: {  	v41 =	vshll.u32 v41, $0x7;
	v45 =	vand.u32 $0xFFFFFC00, v63;
	v44 =	vand.u32 $0xFFFFE000, v62  }
0x216: {  	v41 =	vand.u32 $0x380, v41;
	v44 =	vadd.s32 v45, v44  }
0x217: {  	v42 =	vand.u32 $0x7F, v60;
	vm15 =	vlt.u32 v61, $0x40;
	v41 =	vor.u32 v41, v44  }
0x218: {  	p0 =	sne.s32 s19, $0xFF00;
	v41 =	vor.u32 v42, v41  }
.Ltmp7:
0x219: {  	_ = 	snop;
	(pc) =	sbr.rel @p0 .LBB2_16-.Ltmp7, $2  }
0x21a: {  	_ =	sdelay $0x2  }
0x21b: {  	s19 =	sadd.s32 $0x100, s19;
	[tilespmem:v41+s17+$0x0] =	vst.idx.add.f32.msk vm15, v40  }
0x21c: {  	_ =	sdelay $0x3  }
0x21d: {  	[tilespmem:v36+s17+$0x0] =	vst.idx.add.f32.msk $0xffff, v40  }
0x21e: {  	s18 =	sadd.s32 $0x1, s18;
	[tilespmem:v37+s17+$0x0] =	vst.idx.add.f32.msk $0xffff, v40  }
0x21f: {  	p0 =	sne.s32 s18, s14;
	[tilespmem:v38+s17+$0x0] =	vst.idx.add.f32.msk $0xffff, v40  }
.Ltmp8:
0x220: {  	[tilespmem:v39+s17+$0x0] =	vst.idx.add.f32.msk $0xffff, v40;
	(pc) =	sbr.rel @p0 .LBB2_1-.Ltmp8, $4  }
0x221: {  	[hbm4b:s13+s1] =	stream.linear.scatter [tilespmem:s17], [sflag:$0x1], $0x10000, $0x38;
	[tilespmem:$0x18000] =	vst v63  }
0x222: {  	_ =	swait.ge [sflag:s15], $0x10000  }
0x223: {  	[sflag:s15] =	ssyncset.done $0x0  }
0x224: {  	[sflag:s15] =	ssyncadd.s32 $0xFFFF0000  }
0x225: {  	_ =	sfence.sel $0x180000  }
0x226: {  	[bflag:$0x0] =	sbarrier.arrive $0xFFFF  }
0x227: {  	p0 =	sne.s32 s2, $0x0;
	_ =	strace $0x90000047  }
0x228: {  	s0 =	sadd.s32 @!p0 $0x100000, s0;
	[bflag:$0x2] =	sbarrier.arrive $0xFFFF  }
0x229: {  	[sflag:s0] =	ssyncadd.tile.s32 @!p0 $0x1;
	_ =	shalt  }
.Lfunc_end2:
_tile_overlayer_lowered:
.L_overlay_start_2:
0x22a: {  	(tag) =	ssettag $0x2  }
0x22b: {  	s0 =	rddreg [dreg:$0x0];
	s2 =	stileid.u32  }
0x22c: {  	s1 =	rddreg [dreg:$0x1];
	p0 =	sne.s32 s2, $0x0  }
0x22d: {  	s3 =	rddreg [dreg:$0x2];
	[bflag:$0x3] =	sbarrier.arrive $0xFFFF;
	s2 =	simm.s32 @!p0 $0x1C01  }
0x22e: {  	[timem:s3], [sflag:s2] =	dma.local @!p0 [hbm:s0], s1  }
0x22f: {  	s0 =	simm.s32 @!p0 $0x1  }
0x230: {  	_ =	swait.ge @!p0 [sflag:s0], s1  }
0x231: {  	s1 =	ssub.s32 @!p0 $0x0, s1;
	[sflag:s0] =	ssyncset.done @!p0 $0x0  }
0x232: {  	[sflag:s0] =	ssyncadd.s32 @!p0 s1  }
0x233: {  	[bflag:$0x3] =	sbarrier.arrive $0xFFFF  }
0x234: {  	_ =	shalt  }

</sc_bundles>
